<compile_context>
chip_gen: v7x
topology: tpu7x:2x2x1
jax: 0.10.2.dev20260603
libtpu: 0.0.44.dev20260713+nightly
codegen_flags: <defaults>
</compile_context>

<pallas_src>
import functools

import jax
import jax.numpy as jnp
from jax import lax
from jax.experimental import pallas as pl
from jax.experimental.pallas import tpu as pltpu
from jax.experimental.pallas import tpu_sc as plsc

N = 10000
E = 320000
D = 128
NC = 2
NS = 16
NPC = N // NC
ACC = 5120
CH = 80
EPT = E // NS
NCHUNK = EPT // CH
NW = NC * NS
EPW = E // NW
DCHUNK = EPW // CH
ZRPT = ACC // NS
RCH = 80
OCH = 40
ORPT = 320

_mesh = plsc.VectorSubcoreMesh(core_axis_name="c", subcore_axis_name="s")



@functools.partial(
    pl.kernel,
    out_type=jax.ShapeDtypeStruct((NC * N,), jnp.float32),
    mesh=_mesh,
    scratch_types=[
        pltpu.VMEM((DCHUNK, CH), jnp.int32),
        pltpu.VMEM((CH,), jnp.float32),
        pltpu.VMEM((2000,), jnp.float32),
        pltpu.VMEM_SHARED((N,), jnp.float32),
        pltpu.SemaphoreType.DMA,
    ],
)
def _sc_degree(dst_hbm, cnt_hbm, dst_v, ones_v, zbuf_v, deg_sh, sem):
    c = lax.axis_index("c")
    s = lax.axis_index("s")
    wid = c * NS + s

    def zb(i, carry):
        zbuf_v[pl.ds(i * 16, 16)] = jnp.zeros((16,), jnp.float32)
        return carry
    lax.fori_loop(0, 125, zb, 0)
    @pl.when(s < 5)
    def _zero_acc():
        pltpu.sync_copy(zbuf_v, deg_sh.at[pl.ds(s * 2000, 2000)])

    for k in range(CH // 16):
        ones_v[pl.ds(k * 16, 16)] = jnp.ones((16,), jnp.float32)
    pltpu.sync_copy(dst_hbm.at[wid], dst_v)
    plsc.subcore_barrier()

    def body(j, carry):
        pltpu.async_copy(ones_v, deg_sh.at[dst_v.at[j]], sem, add=True).wait()
        return carry
    lax.fori_loop(0, DCHUNK, body, 0)
    plsc.subcore_barrier()

    @pl.when(s < 5)
    def _copy_out():
        pltpu.sync_copy(deg_sh.at[pl.ds(s * 2000, 2000)], zbuf_v)
        pltpu.sync_copy(zbuf_v, cnt_hbm.at[pl.ds(c * N + s * 2000, 2000)])


@functools.partial(
    pl.kernel,
    out_type=jax.ShapeDtypeStruct((N, D), jnp.float32),
    mesh=_mesh,
    scratch_types=[
        pltpu.VMEM((NCHUNK, CH), jnp.int32),
        pltpu.VMEM((NCHUNK, CH), jnp.int32),
        pltpu.VMEM((2, CH, D), jnp.float32),
        pltpu.VMEM_SHARED((ACC, D), jnp.float32),
        pltpu.SemaphoreType.DMA,
        pltpu.SemaphoreType.DMA,
        pltpu.SemaphoreType.DMA,
        pltpu.SemaphoreType.DMA,
    ],
)
def _sc_scatter(g_hbm, src_hbm, dst_hbm, out_hbm,
                src_v, dst_v, rows_v, acc_sh,
                gsem0, gsem1, ssem0, ssem1):
    c = lax.axis_index("c")
    s = lax.axis_index("s")

    def zr(r, carry):
        def zc(k, carry2):
            rows_v[0, r, pl.ds(k * 16, 16)] = jnp.zeros((16,), jnp.float32)
            return carry2
        return lax.fori_loop(0, D // 16, zc, carry)
    lax.fori_loop(0, RCH, zr, 0)

    def zchunk(k, carry):
        pltpu.sync_copy(rows_v.at[0], acc_sh.at[pl.ds(s * ZRPT + k * RCH, RCH)])
        return carry
    lax.fori_loop(0, ZRPT // RCH, zchunk, 0)

    pltpu.sync_copy(src_hbm.at[s], src_v)
    pltpu.sync_copy(dst_hbm.at[s], dst_v)

    lo = c * NPC
    def rmr(j, carry):
        def rmc(k, carry2):
            v = dst_v[j, pl.ds(k * 16, 16)]
            lv = v - lo
            ok = (lv >= 0) & (lv < NPC)
            dst_v[j, pl.ds(k * 16, 16)] = jnp.where(
                ok, lv, jnp.full((16,), NPC, jnp.int32))
            return carry2
        return lax.fori_loop(0, CH // 16, rmc, carry)
    lax.fori_loop(0, NCHUNK, rmr, 0)
    plsc.subcore_barrier()

    def _gwait(b, sem):
        pltpu.make_async_copy(g_hbm.at[src_v.at[0]], rows_v.at[b], sem).wait()

    def _swait(b, sem):
        pltpu.make_async_copy(rows_v.at[b], acc_sh.at[dst_v.at[0]], sem).wait()

    pltpu.async_copy(g_hbm.at[src_v.at[0]], rows_v.at[0], gsem0)

    def body(jj, carry):
        j0 = jj * 2
        j1 = j0 + 1
        @pl.when(jj > 0)
        def _():
            _swait(1, ssem1)
        pltpu.async_copy(g_hbm.at[src_v.at[j1]], rows_v.at[1], gsem1)
        _gwait(0, gsem0)
        pltpu.async_copy(rows_v.at[0], acc_sh.at[dst_v.at[j0]], ssem0,
                         add=True)
        _swait(0, ssem0)
        @pl.when(jj < NCHUNK // 2 - 1)
        def _():
            pltpu.async_copy(g_hbm.at[src_v.at[j0 + 2]], rows_v.at[0], gsem0)
        _gwait(1, gsem1)
        pltpu.async_copy(rows_v.at[1], acc_sh.at[dst_v.at[j1]], ssem1,
                         add=True)
        return carry
    lax.fori_loop(0, NCHUNK // 2, body, 0)
    _swait(1, ssem1)
    plsc.subcore_barrier()

    def out_chunk(k, carry):
        base = s * ORPT + k * OCH
        @pl.when(base < NPC)
        def _():
            pltpu.sync_copy(acc_sh.at[pl.ds(base, OCH)],
                            rows_v.at[0].at[pl.ds(0, OCH)])
            pltpu.sync_copy(rows_v.at[0].at[pl.ds(0, OCH)],
                            out_hbm.at[pl.ds(c * NPC + base, OCH)])
        return carry
    lax.fori_loop(0, ORPT // OCH, out_chunk, 0)



BLK = 2000
GRID = N // BLK


def _tc_first_body(cnt_ref, x_ref, w_ref, g_ref, dis_ref):
    deg = 1.0 + cnt_ref[0] + cnt_ref[1]
    dis = lax.rsqrt(deg)
    y = jnp.dot(x_ref[...], w_ref[...], preferred_element_type=jnp.float32)
    g_ref[...] = y * dis
    dis_ref[...] = dis


def _tc_first(cnt, x, w):
    return pl.pallas_call(
        _tc_first_body,
        grid=(GRID,),
        in_specs=[
            pl.BlockSpec((NC, BLK, 1), lambda i: (0, i, 0)),
            pl.BlockSpec((BLK, D), lambda i: (i, 0)),
            pl.BlockSpec((D, D), lambda i: (0, 0)),
        ],
        out_specs=[
            pl.BlockSpec((BLK, D), lambda i: (i, 0)),
            pl.BlockSpec((BLK, 1), lambda i: (i, 0)),
        ],
        out_shape=[
            jax.ShapeDtypeStruct((N, D), jnp.float32),
            jax.ShapeDtypeStruct((N, 1), jnp.float32),
        ],
    )(cnt, x, w)


def _tc_mid_body(p_ref, g_ref, dis_ref, b_ref, w_ref, gn_ref):
    p = p_ref[...] + g_ref[...]
    h = jnp.maximum(dis_ref[...] * p + b_ref[...], 0.0)
    y = jnp.dot(h, w_ref[...], preferred_element_type=jnp.float32)
    gn_ref[...] = y * dis_ref[...]


def _tc_mid(p, g, dis, b_prev, w_next):
    return pl.pallas_call(
        _tc_mid_body,
        grid=(GRID,),
        in_specs=[
            pl.BlockSpec((BLK, D), lambda i: (i, 0)),
            pl.BlockSpec((BLK, D), lambda i: (i, 0)),
            pl.BlockSpec((BLK, 1), lambda i: (i, 0)),
            pl.BlockSpec((1, D), lambda i: (0, 0)),
            pl.BlockSpec((D, D), lambda i: (0, 0)),
        ],
        out_specs=pl.BlockSpec((BLK, D), lambda i: (i, 0)),
        out_shape=jax.ShapeDtypeStruct((N, D), jnp.float32),
    )(p, g, dis, b_prev, w_next)


def _tc_final_body(p_ref, g_ref, dis_ref, b_ref, out_ref):
    p = p_ref[...] + g_ref[...]
    out_ref[...] = dis_ref[...] * p + b_ref[...]


def _tc_final(p, g, dis, b):
    return pl.pallas_call(
        _tc_final_body,
        grid=(GRID,),
        in_specs=[
            pl.BlockSpec((BLK, D), lambda i: (i, 0)),
            pl.BlockSpec((BLK, D), lambda i: (i, 0)),
            pl.BlockSpec((BLK, 1), lambda i: (i, 0)),
            pl.BlockSpec((1, D), lambda i: (0, 0)),
        ],
        out_specs=pl.BlockSpec((BLK, D), lambda i: (i, 0)),
        out_shape=jax.ShapeDtypeStruct((N, D), jnp.float32),
    )(p, g, dis, b)



def kernel(x, edge_index, W0, b0, W1, b1, W2, b2):
    src = edge_index[0].reshape(NS, NCHUNK, CH)
    dst = edge_index[1].reshape(NS, NCHUNK, CH)
    dstw = edge_index[1].reshape(NW, DCHUNK, CH)
    b0r = b0.reshape(1, D)
    b1r = b1.reshape(1, D)
    b2r = b2.reshape(1, D)

    cnt = _sc_degree(dstw).reshape(NC, N, 1)
    g0, dis = _tc_first(cnt, x, W0)
    p0 = _sc_scatter(g0, src, dst)
    g1 = _tc_mid(p0, g0, dis, b0r, W1)
    p1 = _sc_scatter(g1, src, dst)
    g2 = _tc_mid(p1, g1, dis, b1r, W2)
    p2 = _sc_scatter(g2, src, dst)
    return _tc_final(p2, g2, dis, b2r)

# --- scband reference (transcript-rebuilt; emitter-appended) ---
"""Pipeline reference for scband-gcn-17927193494042 (READ-ONLY COPY).

The authoritative reference and input builder live on the scoring server;
editing this copy changes nothing except your own understanding.
"""

import jax, jax.numpy as jnp
import numpy as np

N = 10000
E = 320000
D_IN = 128
D_HID = 128
D_OUT = 128


def setup_inputs(seed: int = 0) -> dict:
    key = jax.random.key(seed)
    ks = jax.random.split(key, 10)
    x = jax.random.normal(ks[0], (N, D_IN), dtype=jnp.float32)
    edge_index = jax.random.randint(ks[1], (2, E), 0, N, dtype=jnp.int32)
    s0 = 1.0 / np.sqrt(D_IN)
    s1 = 1.0 / np.sqrt(D_HID)
    W0 = jax.random.uniform(ks[2], (D_IN, D_HID), dtype=jnp.float32, minval=-s0, maxval=s0)
    b0 = jnp.zeros((D_HID,), dtype=jnp.float32)
    W1 = jax.random.uniform(ks[3], (D_HID, D_HID), dtype=jnp.float32, minval=-s1, maxval=s1)
    b1 = jnp.zeros((D_HID,), dtype=jnp.float32)
    W2 = jax.random.uniform(ks[4], (D_HID, D_OUT), dtype=jnp.float32, minval=-s1, maxval=s1)
    b2 = jnp.zeros((D_OUT,), dtype=jnp.float32)
    return {"x": x, "edge_index": edge_index, "W0": W0, "b0": b0, "W1": W1, "b1": b1, "W2": W2, "b2": b2}


def _gcn_norm(edge_index, num_nodes, dtype):
    # PyG GCNConv default: add self-loops, symmetric normalization D^-1/2 A D^-1/2
    loop = jnp.arange(num_nodes, dtype=edge_index.dtype)
    src = jnp.concatenate([edge_index[0], loop])
    dst = jnp.concatenate([edge_index[1], loop])
    ones = jnp.ones(src.shape[0], dtype=dtype)
    deg = jax.ops.segment_sum(ones, dst, num_segments=num_nodes)
    deg_inv_sqrt = jnp.where(deg > 0, jax.lax.rsqrt(deg), 0.0)
    norm = deg_inv_sqrt[src] * deg_inv_sqrt[dst]
    return src, dst, norm


def _gcn_conv(h, src, dst, norm, W, b, num_nodes):
    h = h @ W
    msg = h[src] * norm[:, None]
    out = jax.ops.segment_sum(msg, dst, num_segments=num_nodes)
    return out + b


def reference(x, edge_index, W0, b0, W1, b1, W2, b2):
    num_nodes = x.shape[0]
    src, dst, norm = _gcn_norm(edge_index, num_nodes, x.dtype)
    h = _gcn_conv(x, src, dst, norm, W0, b0, num_nodes)
    h = jax.nn.relu(h)
    h = _gcn_conv(h, src, dst, norm, W1, b1, num_nodes)
    h = jax.nn.relu(h)
    h = _gcn_conv(h, src, dst, norm, W2, b2, num_nodes)
    return h

if __name__ == "__main__":
    import jax
    _d = setup_inputs()
    print(jax.jit(kernel)(*tuple(_d.values())))

</pallas_src>

<mosaic_0001>
#map = affine_map<(d0, d1) -> (0, 0)>
#map1 = affine_map<(d0, d1) -> (0, 0, 0)>
module attributes {stable_mosaic.version = 14 : i64} {
  func.func @_sc_scatter(%arg0: i32, %arg1: i32, %arg2: memref<10000x128xf32, #tpu.memory_space<hbm>>, %arg3: memref<16x250x80xi32, #tpu.memory_space<hbm>>, %arg4: memref<16x250x80xi32, #tpu.memory_space<hbm>>, %arg5: memref<10000x128xf32, #tpu.memory_space<hbm>>, %arg6: memref<250x80xi32, #tpu.memory_space<vmem>>, %arg7: memref<250x80xi32, #tpu.memory_space<vmem>>, %arg8: memref<2x80x128xf32, #tpu.memory_space<vmem>>, %arg9: memref<5120x128xf32, #tpu.memory_space<vmem_shared>>, %arg10: memref<!tpu.dma_semaphore, #tpu.memory_space<semaphore_mem>>, %arg11: memref<!tpu.dma_semaphore, #tpu.memory_space<semaphore_mem>>, %arg12: memref<!tpu.dma_semaphore, #tpu.memory_space<semaphore_mem>>, %arg13: memref<!tpu.dma_semaphore, #tpu.memory_space<semaphore_mem>>) attributes {dimension_semantics = [#tpu.dimension_semantics<core_parallel>, #tpu.dimension_semantics<subcore_parallel>], iteration_bounds = array<i64: 2, 16>, scalar_prefetch = 0 : i64, scratch_operands = 8 : i64, tpu.core_type = #tpu.core_type<sc_vector_subcore>, window_params = [{transform_indices = #map}, {transform_indices = #map1}, {transform_indices = #map1}, {transform_indices = #map}]} {
    %scan3A = arith.constant 0 : i32
    %scan3A_0 = arith.constant 0 : i32
    %scan3A_1 = arith.constant 80 : i32
    %scan3A_2 = arith.addi %scan3A_0, %scan3A_1 : i32
    %scan3A_3 = arith.constant 1 : i32
    scf.for %scan3A_53 = %scan3A_0 to %scan3A_2 step %scan3A_3  : i32 {
      %scan3A_54 = arith.constant 0 : i32
      %scan3A_55 = arith.constant 8 : i32
      %scan3A_56 = arith.addi %scan3A_54, %scan3A_55 : i32
      %scan3A_57 = arith.constant 1 : i32
      scf.for %scan3A_59 = %scan3A_54 to %scan3A_56 step %scan3A_57  : i32 {
        %broadcast_in_dim3A = arith.constant 0.000000e+00 : f32
        %broadcast_in_dim3A_60 = vector.broadcast %broadcast_in_dim3A : f32 to vector<16xf32>
        %mul3A_61 = arith.constant 16 : i32
        %mul3A_62 = arith.muli %scan3A_59, %mul3A_61 : i32
        %swap3A = arith.constant 0 : i32
        %swap3A_63 = arith.index_cast %swap3A : i32 to index
        %swap3A_64 = arith.index_cast %scan3A_53 : i32 to index
        %swap3A_65 = arith.index_cast %mul3A_62 : i32 to index
        %swap3A_66 = tpu.vector_load %arg8[%swap3A_63, %swap3A_64, %swap3A_65] {strides = array<i32>} : memref<2x80x128xf32, #tpu.memory_space<vmem>>, vector<1x1x16xf32>,
        %swap3A_67 = vector.shape_cast %swap3A_66 : vector<1x1x16xf32> to vector<16xf32>
        %swap3A_68 = vector.shape_cast %broadcast_in_dim3A_60 : vector<16xf32> to vector<1x1x16xf32>
        tpu.vector_store %arg8[%swap3A_63, %swap3A_64, %swap3A_65], %swap3A_68 {strides = array<i32>} : memref<2x80x128xf32, #tpu.memory_space<vmem>>, vector<1x1x16xf32>,
      }
      %scan3A_58 = arith.constant 8 : i32
    }
    %scan3A_4 = arith.constant 80 : i32
    %scan3A_5 = arith.constant 0 : i32
    %scan3A_6 = arith.constant 0 : i32
    %scan3A_7 = arith.constant 4 : i32
    %scan3A_8 = arith.addi %scan3A_6, %scan3A_7 : i32
    %scan3A_9 = arith.constant 1 : i32
    scf.for %scan3A_53 = %scan3A_6 to %scan3A_8 step %scan3A_9  : i32 {
      %mul3A_54 = arith.constant 320 : i32
      %mul3A_55 = arith.muli %arg1, %mul3A_54 : i32
      %mul3A_56 = arith.constant 80 : i32
      %mul3A_57 = arith.muli %scan3A_53, %mul3A_56 : i32
      %add3A = arith.addi %mul3A_55, %mul3A_57 : i32
      %run_scoped3A = arith.constant 0 : i32
      "tpu.region"() ({
        %run_scoped3A_58 = tpu.sem_alloc : memref<!tpu.dma_semaphore, #tpu.memory_space<semaphore_mem>>
        %dma_start3A_59 = arith.constant 0 : i32
        %dma_start3A_60 = arith.constant 0 : i32
        %dma_start3A_61 = tpu.memref_slice %arg8[%run_scoped3A, %dma_start3A_59, %dma_start3A_60] : memref<2x80x128xf32, #tpu.memory_space<vmem>> -> memref<1x80x128xf32, #tpu.memory_space<vmem>>
        %dma_start3A_62 = tpu.memref_squeeze %dma_start3A_61 : memref<1x80x128xf32, #tpu.memory_space<vmem>> -> memref<80x128xf32, #tpu.memory_space<vmem>>
        %dma_start3A_63 = arith.constant 0 : i32
        %dma_start3A_64 = tpu.memref_slice %arg9[%add3A, %dma_start3A_63] : memref<5120x128xf32, #tpu.memory_space<vmem_shared>> -> memref<80x128xf32, #tpu.memory_space<vmem_shared>>
        %dma_start3A_65 = arith.constant 0 : i32
        %dma_start3A_66 = tpu.memref_slice %arg9[%add3A, %dma_start3A_65] : memref<5120x128xf32, #tpu.memory_space<vmem_shared>> -> memref<80x128xf32, #tpu.memory_space<vmem_shared>>
        %dma_start3A_67 = arith.constant 0 : i32
        %dma_start3A_68 = arith.constant 0 : i32
        %dma_start3A_69 = tpu.memref_slice %arg8[%run_scoped3A, %dma_start3A_67, %dma_start3A_68] : memref<2x80x128xf32, #tpu.memory_space<vmem>> -> memref<1x80x128xf32, #tpu.memory_space<vmem>>
        %dma_start3A_70 = tpu.memref_squeeze %dma_start3A_69 : memref<1x80x128xf32, #tpu.memory_space<vmem>> -> memref<80x128xf32, #tpu.memory_space<vmem>>
        tpu.enqueue_dma source(%dma_start3A_70 : memref<80x128xf32, #tpu.memory_space<vmem>>) target(%dma_start3A_66 : memref<80x128xf32, #tpu.memory_space<vmem_shared>>) target_semaphore(%run_scoped3A_58 : memref<!tpu.dma_semaphore, #tpu.memory_space<semaphore_mem>>)
        %dma_wait3A_71 = arith.constant 0 : i32
        %dma_wait3A_72 = arith.constant 0 : i32
        %dma_wait3A_73 = tpu.memref_slice %arg8[%run_scoped3A, %dma_wait3A_71, %dma_wait3A_72] : memref<2x80x128xf32, #tpu.memory_space<vmem>> -> memref<1x80x128xf32, #tpu.memory_space<vmem>>
        %dma_wait3A_74 = tpu.memref_squeeze %dma_wait3A_73 : memref<1x80x128xf32, #tpu.memory_space<vmem>> -> memref<80x128xf32, #tpu.memory_space<vmem>>
        %dma_wait3A_75 = arith.constant 0 : i32
        %dma_wait3A_76 = tpu.memref_slice %arg9[%add3A, %dma_wait3A_75] : memref<5120x128xf32, #tpu.memory_space<vmem_shared>> -> memref<80x128xf32, #tpu.memory_space<vmem_shared>>
        %dma_wait3A_77 = arith.constant 0 : i32
        %dma_wait3A_78 = tpu.memref_slice %arg9[%add3A, %dma_wait3A_77] : memref<5120x128xf32, #tpu.memory_space<vmem_shared>> -> memref<80x128xf32, #tpu.memory_space<vmem_shared>>
        %dma_wait3A_79 = arith.constant 0 : i32
        %dma_wait3A_80 = arith.constant 0 : i32
        %dma_wait3A_81 = tpu.memref_slice %arg8[%run_scoped3A, %dma_wait3A_79, %dma_wait3A_80] : memref<2x80x128xf32, #tpu.memory_space<vmem>> -> memref<1x80x128xf32, #tpu.memory_space<vmem>>
        %dma_wait3A_82 = tpu.memref_squeeze %dma_wait3A_81 : memref<1x80x128xf32, #tpu.memory_space<vmem>> -> memref<80x128xf32, #tpu.memory_space<vmem>>
        tpu.wait_dma2 semaphore(%run_scoped3A_58 : memref<!tpu.dma_semaphore, #tpu.memory_space<semaphore_mem>>) src(%dma_wait3A_82 : memref<80x128xf32, #tpu.memory_space<vmem>>) dst(%dma_wait3A_78 : memref<80x128xf32, #tpu.memory_space<vmem_shared>>)
        tpu.yield
      }) : () -> ()
    }
    %scan3A_10 = arith.constant 4 : i32
    "tpu.region"() ({
      %run_scoped3A = tpu.sem_alloc : memref<!tpu.dma_semaphore, #tpu.memory_space<semaphore_mem>>
      %dma_start3A_53 = arith.constant 0 : i32
      %dma_start3A_54 = arith.constant 0 : i32
      %dma_start3A_55 = tpu.memref_slice %arg3[%arg1, %dma_start3A_53, %dma_start3A_54] : memref<16x250x80xi32, #tpu.memory_space<hbm>> -> memref<1x250x80xi32, #tpu.memory_space<hbm>>
      %dma_start3A_56 = tpu.memref_squeeze %dma_start3A_55 : memref<1x250x80xi32, #tpu.memory_space<hbm>> -> memref<250x80xi32, #tpu.memory_space<hbm>>
      %dma_start3A_57 = arith.constant 0 : i32
      %dma_start3A_58 = arith.constant 0 : i32
      %dma_start3A_59 = tpu.memref_slice %arg3[%arg1, %dma_start3A_57, %dma_start3A_58] : memref<16x250x80xi32, #tpu.memory_space<hbm>> -> memref<1x250x80xi32, #tpu.memory_space<hbm>>
      %dma_start3A_60 = tpu.memref_squeeze %dma_start3A_59 : memref<1x250x80xi32, #tpu.memory_space<hbm>> -> memref<250x80xi32, #tpu.memory_space<hbm>>
      tpu.enqueue_dma source(%dma_start3A_60 : memref<250x80xi32, #tpu.memory_space<hbm>>) target(%arg6 : memref<250x80xi32, #tpu.memory_space<vmem>>) target_semaphore(%run_scoped3A : memref<!tpu.dma_semaphore, #tpu.memory_space<semaphore_mem>>)
      %dma_wait3A_61 = arith.constant 0 : i32
      %dma_wait3A_62 = arith.constant 0 : i32
      %dma_wait3A_63 = tpu.memref_slice %arg3[%arg1, %dma_wait3A_61, %dma_wait3A_62] : memref<16x250x80xi32, #tpu.memory_space<hbm>> -> memref<1x250x80xi32, #tpu.memory_space<hbm>>
      %dma_wait3A_64 = tpu.memref_squeeze %dma_wait3A_63 : memref<1x250x80xi32, #tpu.memory_space<hbm>> -> memref<250x80xi32, #tpu.memory_space<hbm>>
      %dma_wait3A_65 = arith.constant 0 : i32
      %dma_wait3A_66 = arith.constant 0 : i32
      %dma_wait3A_67 = tpu.memref_slice %arg3[%arg1, %dma_wait3A_65, %dma_wait3A_66] : memref<16x250x80xi32, #tpu.memory_space<hbm>> -> memref<1x250x80xi32, #tpu.memory_space<hbm>>
      %dma_wait3A_68 = tpu.memref_squeeze %dma_wait3A_67 : memref<1x250x80xi32, #tpu.memory_space<hbm>> -> memref<250x80xi32, #tpu.memory_space<hbm>>
      tpu.wait_dma2 semaphore(%run_scoped3A : memref<!tpu.dma_semaphore, #tpu.memory_space<semaphore_mem>>) src(%dma_wait3A_68 : memref<250x80xi32, #tpu.memory_space<hbm>>) dst(%arg6 : memref<250x80xi32, #tpu.memory_space<vmem>>)
      tpu.yield
    }) : () -> ()
    "tpu.region"() ({
      %run_scoped3A = tpu.sem_alloc : memref<!tpu.dma_semaphore, #tpu.memory_space<semaphore_mem>>
      %dma_start3A_53 = arith.constant 0 : i32
      %dma_start3A_54 = arith.constant 0 : i32
      %dma_start3A_55 = tpu.memref_slice %arg4[%arg1, %dma_start3A_53, %dma_start3A_54] : memref<16x250x80xi32, #tpu.memory_space<hbm>> -> memref<1x250x80xi32, #tpu.memory_space<hbm>>
      %dma_start3A_56 = tpu.memref_squeeze %dma_start3A_55 : memref<1x250x80xi32, #tpu.memory_space<hbm>> -> memref<250x80xi32, #tpu.memory_space<hbm>>
      %dma_start3A_57 = arith.constant 0 : i32
      %dma_start3A_58 = arith.constant 0 : i32
      %dma_start3A_59 = tpu.memref_slice %arg4[%arg1, %dma_start3A_57, %dma_start3A_58] : memref<16x250x80xi32, #tpu.memory_space<hbm>> -> memref<1x250x80xi32, #tpu.memory_space<hbm>>
      %dma_start3A_60 = tpu.memref_squeeze %dma_start3A_59 : memref<1x250x80xi32, #tpu.memory_space<hbm>> -> memref<250x80xi32, #tpu.memory_space<hbm>>
      tpu.enqueue_dma source(%dma_start3A_60 : memref<250x80xi32, #tpu.memory_space<hbm>>) target(%arg7 : memref<250x80xi32, #tpu.memory_space<vmem>>) target_semaphore(%run_scoped3A : memref<!tpu.dma_semaphore, #tpu.memory_space<semaphore_mem>>)
      %dma_wait3A_61 = arith.constant 0 : i32
      %dma_wait3A_62 = arith.constant 0 : i32
      %dma_wait3A_63 = tpu.memref_slice %arg4[%arg1, %dma_wait3A_61, %dma_wait3A_62] : memref<16x250x80xi32, #tpu.memory_space<hbm>> -> memref<1x250x80xi32, #tpu.memory_space<hbm>>
      %dma_wait3A_64 = tpu.memref_squeeze %dma_wait3A_63 : memref<1x250x80xi32, #tpu.memory_space<hbm>> -> memref<250x80xi32, #tpu.memory_space<hbm>>
      %dma_wait3A_65 = arith.constant 0 : i32
      %dma_wait3A_66 = arith.constant 0 : i32
      %dma_wait3A_67 = tpu.memref_slice %arg4[%arg1, %dma_wait3A_65, %dma_wait3A_66] : memref<16x250x80xi32, #tpu.memory_space<hbm>> -> memref<1x250x80xi32, #tpu.memory_space<hbm>>
      %dma_wait3A_68 = tpu.memref_squeeze %dma_wait3A_67 : memref<1x250x80xi32, #tpu.memory_space<hbm>> -> memref<250x80xi32, #tpu.memory_space<hbm>>
      tpu.wait_dma2 semaphore(%run_scoped3A : memref<!tpu.dma_semaphore, #tpu.memory_space<semaphore_mem>>) src(%dma_wait3A_68 : memref<250x80xi32, #tpu.memory_space<hbm>>) dst(%arg7 : memref<250x80xi32, #tpu.memory_space<vmem>>)
      tpu.yield
    }) : () -> ()
    %mul3A = arith.constant 5000 : i32
    %mul3A_11 = arith.muli %arg0, %mul3A : i32
    %scan3A_12 = arith.constant 0 : i32
    %scan3A_13 = arith.constant 0 : i32
    %scan3A_14 = arith.constant 250 : i32
    %scan3A_15 = arith.addi %scan3A_13, %scan3A_14 : i32
    %scan3A_16 = arith.constant 1 : i32
    scf.for %scan3A_53 = %scan3A_13 to %scan3A_15 step %scan3A_16  : i32 {
      %scan3A_54 = arith.constant 0 : i32
      %scan3A_55 = arith.constant 5 : i32
      %scan3A_56 = arith.addi %scan3A_54, %scan3A_55 : i32
      %scan3A_57 = arith.constant 1 : i32
      scf.for %scan3A_59 = %scan3A_54 to %scan3A_56 step %scan3A_57  : i32 {
        %mul3A_60 = arith.constant 16 : i32
        %mul3A_61 = arith.muli %scan3A_59, %mul3A_60 : i32
        %get3A = arith.index_cast %scan3A_53 : i32 to index
        %get3A_62 = arith.index_cast %mul3A_61 : i32 to index
        %get3A_63 = tpu.vector_load %arg7[%get3A, %get3A_62] {strides = array<i32>} : memref<250x80xi32, #tpu.memory_space<vmem>>, vector<1x16xi32>,
        %get3A_64 = vector.shape_cast %get3A_63 : vector<1x16xi32> to vector<16xi32>
        %sub3A = vector.broadcast %mul3A_11 : i32 to vector<16xi32>
        %sub3A_65 = arith.subi %get3A_64, %sub3A : vector<16xi32>
        %ge3A = arith.constant 0 : i32
        %ge3A_66 = vector.broadcast %ge3A : i32 to vector<16xi32>
        %ge3A_67 = arith.cmpi sge, %sub3A_65, %ge3A_66 : vector<16xi32>
        %lt3A = arith.constant 5000 : i32
        %lt3A_68 = vector.broadcast %lt3A : i32 to vector<16xi32>
        %lt3A_69 = arith.cmpi slt, %sub3A_65, %lt3A_68 : vector<16xi32>
        %and3A = arith.andi %ge3A_67, %lt3A_69 : vector<16xi1>
        %broadcast_in_dim3A = arith.constant 5000 : i32
        %broadcast_in_dim3A_70 = vector.broadcast %broadcast_in_dim3A : i32 to vector<16xi32>
        %select_n3A = arith.select %and3A, %sub3A_65, %broadcast_in_dim3A_70 : vector<16xi1>, vector<16xi32>
        %mul3A_71 = arith.constant 16 : i32
        %mul3A_72 = arith.muli %scan3A_59, %mul3A_71 : i32
        %swap3A = arith.index_cast %scan3A_53 : i32 to index
        %swap3A_73 = arith.index_cast %mul3A_72 : i32 to index
        %swap3A_74 = tpu.vector_load %arg7[%swap3A, %swap3A_73] {strides = array<i32>} : memref<250x80xi32, #tpu.memory_space<vmem>>, vector<1x16xi32>,
        %swap3A_75 = vector.shape_cast %swap3A_74 : vector<1x16xi32> to vector<16xi32>
        %swap3A_76 = vector.shape_cast %select_n3A : vector<16xi32> to vector<1x16xi32>
        tpu.vector_store %arg7[%swap3A, %swap3A_73], %swap3A_76 {strides = array<i32>} : memref<250x80xi32, #tpu.memory_space<vmem>>, vector<1x16xi32>,
      }
      %scan3A_58 = arith.constant 5 : i32
    }
    %scan3A_17 = arith.constant 250 : i32
    %barrier3A = arith.constant 0 : index
    tpu.barrier barrier_id(%barrier3A)
    %dma_start3A = arith.constant 0 : i32
    %dma_start3A_18 = arith.constant 0 : i32
    %dma_start3A_19 = arith.constant 0 : i32
    %dma_start3A_20 = arith.constant 0 : i32
    %dma_start3A_21 = tpu.memref_slice %arg8[%dma_start3A_18, %dma_start3A_19, %dma_start3A_20] : memref<2x80x128xf32, #tpu.memory_space<vmem>> -> memref<1x80x128xf32, #tpu.memory_space<vmem>>
    %dma_start3A_22 = tpu.memref_squeeze %dma_start3A_21 : memref<1x80x128xf32, #tpu.memory_space<vmem>> -> memref<80x128xf32, #tpu.memory_space<vmem>>
    %dma_start3A_23 = arith.constant 0 : i32
    %dma_start3A_24 = tpu.memref_slice %arg6[%dma_start3A, %dma_start3A_23] : memref<250x80xi32, #tpu.memory_space<vmem>> -> memref<1x80xi32, #tpu.memory_space<vmem>>
    %dma_start3A_25 = tpu.memref_squeeze %dma_start3A_24 : memref<1x80xi32, #tpu.memory_space<vmem>> -> memref<80xi32, #tpu.memory_space<vmem>>
    %dma_start3A_26 = arith.constant 0 : i32
    %dma_start3A_27 = arith.constant 0 : i32
    %dma_start3A_28 = tpu.memref_slice %arg2[%dma_start3A_26, %dma_start3A_27] : memref<10000x128xf32, #tpu.memory_space<hbm>> -> memref<10000x128xf32, #tpu.memory_space<hbm>>
    tpu.enqueue_indirect_dma source(%dma_start3A_28 : memref<10000x128xf32, #tpu.memory_space<hbm>>) target(%dma_start3A_22 : memref<80x128xf32, #tpu.memory_space<vmem>>) offsets(%dma_start3A_25 : memref<80xi32, #tpu.memory_space<vmem>>) semaphore(%arg10 : memref<!tpu.dma_semaphore, #tpu.memory_space<semaphore_mem>>)
    %scan3A_29 = arith.constant 0 : i32
    %scan3A_30 = arith.constant 0 : i32
    %scan3A_31 = arith.constant 125 : i32
    %scan3A_32 = arith.addi %scan3A_30, %scan3A_31 : i32
    %scan3A_33 = arith.constant 1 : i32
    scf.for %scan3A_53 = %scan3A_30 to %scan3A_32 step %scan3A_33  : i32 {
      %mul3A_54 = arith.constant 2 : i32
      %mul3A_55 = arith.muli %scan3A_53, %mul3A_54 : i32
      %add3A = arith.constant 1 : i32
      %add3A_56 = arith.addi %mul3A_55, %add3A : i32
      %gt3A = arith.constant 0 : i32
      %gt3A_57 = arith.cmpi sgt, %scan3A_53, %gt3A : i32
      %convert_element_type3A = arith.extui %gt3A_57 : i1 to i32
      %cond3A = arith.constant 0 : i32
      %cond3A_58 = arith.cmpi ne, %convert_element_type3A, %cond3A : i32
      scf.if %cond3A_58 {
        %dma_wait3A_132 = arith.constant 1 : i32
        %dma_wait3A_133 = arith.constant 0 : i32
        %dma_wait3A_134 = arith.constant 0 : i32
        %dma_wait3A_135 = arith.constant 0 : i32
        %dma_wait3A_136 = tpu.memref_slice %arg8[%dma_wait3A_132, %dma_wait3A_134, %dma_wait3A_135] : memref<2x80x128xf32, #tpu.memory_space<vmem>> -> memref<1x80x128xf32, #tpu.memory_space<vmem>>
        %dma_wait3A_137 = tpu.memref_squeeze %dma_wait3A_136 : memref<1x80x128xf32, #tpu.memory_space<vmem>> -> memref<80x128xf32, #tpu.memory_space<vmem>>
        %dma_wait3A_138 = arith.constant 0 : i32
        %dma_wait3A_139 = tpu.memref_slice %arg7[%dma_wait3A_133, %dma_wait3A_138] : memref<250x80xi32, #tpu.memory_space<vmem>> -> memref<1x80xi32, #tpu.memory_space<vmem>>
        %dma_wait3A_140 = tpu.memref_squeeze %dma_wait3A_139 : memref<1x80xi32, #tpu.memory_space<vmem>> -> memref<80xi32, #tpu.memory_space<vmem>>
        %dma_wait3A_141 = arith.constant 0 : i32
        %dma_wait3A_142 = arith.constant 0 : i32
        %dma_wait3A_143 = tpu.memref_slice %arg9[%dma_wait3A_141, %dma_wait3A_142] : memref<5120x128xf32, #tpu.memory_space<vmem_shared>> -> memref<5120x128xf32, #tpu.memory_space<vmem_shared>>
        tpu.wait_indirect_dma semaphore(%arg13 : memref<!tpu.dma_semaphore, #tpu.memory_space<semaphore_mem>>) src(%dma_wait3A_137 : memref<80x128xf32, #tpu.memory_space<vmem>>) dst(%dma_wait3A_143 : memref<5120x128xf32, #tpu.memory_space<vmem_shared>>)
      } else {
      }
      %dma_start3A_59 = arith.constant 1 : i32
      %dma_start3A_60 = arith.constant 0 : i32
      %dma_start3A_61 = arith.constant 0 : i32
      %dma_start3A_62 = tpu.memref_slice %arg8[%dma_start3A_59, %dma_start3A_60, %dma_start3A_61] : memref<2x80x128xf32, #tpu.memory_space<vmem>> -> memref<1x80x128xf32, #tpu.memory_space<vmem>>
      %dma_start3A_63 = tpu.memref_squeeze %dma_start3A_62 : memref<1x80x128xf32, #tpu.memory_space<vmem>> -> memref<80x128xf32, #tpu.memory_space<vmem>>
      %dma_start3A_64 = arith.constant 0 : i32
      %dma_start3A_65 = tpu.memref_slice %arg6[%add3A_56, %dma_start3A_64] : memref<250x80xi32, #tpu.memory_space<vmem>> -> memref<1x80xi32, #tpu.memory_space<vmem>>
      %dma_start3A_66 = tpu.memref_squeeze %dma_start3A_65 : memref<1x80xi32, #tpu.memory_space<vmem>> -> memref<80xi32, #tpu.memory_space<vmem>>
      %dma_start3A_67 = arith.constant 0 : i32
      %dma_start3A_68 = arith.constant 0 : i32
      %dma_start3A_69 = tpu.memref_slice %arg2[%dma_start3A_67, %dma_start3A_68] : memref<10000x128xf32, #tpu.memory_space<hbm>> -> memref<10000x128xf32, #tpu.memory_space<hbm>>
      tpu.enqueue_indirect_dma source(%dma_start3A_69 : memref<10000x128xf32, #tpu.memory_space<hbm>>) target(%dma_start3A_63 : memref<80x128xf32, #tpu.memory_space<vmem>>) offsets(%dma_start3A_66 : memref<80xi32, #tpu.memory_space<vmem>>) semaphore(%arg11 : memref<!tpu.dma_semaphore, #tpu.memory_space<semaphore_mem>>)
      %dma_wait3A_70 = arith.constant 0 : i32
      %dma_wait3A_71 = arith.constant 0 : i32
      %dma_wait3A_72 = arith.constant 0 : i32
      %dma_wait3A_73 = arith.constant 0 : i32
      %dma_wait3A_74 = tpu.memref_slice %arg8[%dma_wait3A_71, %dma_wait3A_72, %dma_wait3A_73] : memref<2x80x128xf32, #tpu.memory_space<vmem>> -> memref<1x80x128xf32, #tpu.memory_space<vmem>>
      %dma_wait3A_75 = tpu.memref_squeeze %dma_wait3A_74 : memref<1x80x128xf32, #tpu.memory_space<vmem>> -> memref<80x128xf32, #tpu.memory_space<vmem>>
      %dma_wait3A_76 = arith.constant 0 : i32
      %dma_wait3A_77 = tpu.memref_slice %arg6[%dma_wait3A_70, %dma_wait3A_76] : memref<250x80xi32, #tpu.memory_space<vmem>> -> memref<1x80xi32, #tpu.memory_space<vmem>>
      %dma_wait3A_78 = tpu.memref_squeeze %dma_wait3A_77 : memref<1x80xi32, #tpu.memory_space<vmem>> -> memref<80xi32, #tpu.memory_space<vmem>>
      %dma_wait3A_79 = arith.constant 0 : i32
      %dma_wait3A_80 = arith.constant 0 : i32
      %dma_wait3A_81 = tpu.memref_slice %arg2[%dma_wait3A_79, %dma_wait3A_80] : memref<10000x128xf32, #tpu.memory_space<hbm>> -> memref<10000x128xf32, #tpu.memory_space<hbm>>
      tpu.wait_indirect_dma semaphore(%arg10 : memref<!tpu.dma_semaphore, #tpu.memory_space<semaphore_mem>>) src(%dma_wait3A_81 : memref<10000x128xf32, #tpu.memory_space<hbm>>) dst(%dma_wait3A_75 : memref<80x128xf32, #tpu.memory_space<vmem>>)
      %dma_start3A_82 = arith.constant 0 : i32
      %dma_start3A_83 = arith.constant 0 : i32
      %dma_start3A_84 = arith.constant 0 : i32
      %dma_start3A_85 = tpu.memref_slice %arg8[%dma_start3A_82, %dma_start3A_83, %dma_start3A_84] : memref<2x80x128xf32, #tpu.memory_space<vmem>> -> memref<1x80x128xf32, #tpu.memory_space<vmem>>
      %dma_start3A_86 = tpu.memref_squeeze %dma_start3A_85 : memref<1x80x128xf32, #tpu.memory_space<vmem>> -> memref<80x128xf32, #tpu.memory_space<vmem>>
      %dma_start3A_87 = arith.constant 0 : i32
      %dma_start3A_88 = tpu.memref_slice %arg7[%mul3A_55, %dma_start3A_87] : memref<250x80xi32, #tpu.memory_space<vmem>> -> memref<1x80xi32, #tpu.memory_space<vmem>>
      %dma_start3A_89 = tpu.memref_squeeze %dma_start3A_88 : memref<1x80xi32, #tpu.memory_space<vmem>> -> memref<80xi32, #tpu.memory_space<vmem>>
      %dma_start3A_90 = arith.constant 0 : i32
      %dma_start3A_91 = arith.constant 0 : i32
      %dma_start3A_92 = tpu.memref_slice %arg9[%dma_start3A_90, %dma_start3A_91] : memref<5120x128xf32, #tpu.memory_space<vmem_shared>> -> memref<5120x128xf32, #tpu.memory_space<vmem_shared>>
      tpu.enqueue_indirect_dma source(%dma_start3A_86 : memref<80x128xf32, #tpu.memory_space<vmem>>) target(%dma_start3A_92 : memref<5120x128xf32, #tpu.memory_space<vmem_shared>>) offsets(%dma_start3A_89 : memref<80xi32, #tpu.memory_space<vmem>>) semaphore(%arg12 : memref<!tpu.dma_semaphore, #tpu.memory_space<semaphore_mem>>) {add = true}
      %dma_wait3A_93 = arith.constant 0 : i32
      %dma_wait3A_94 = arith.constant 0 : i32
      %dma_wait3A_95 = arith.constant 0 : i32
      %dma_wait3A_96 = arith.constant 0 : i32
      %dma_wait3A_97 = tpu.memref_slice %arg8[%dma_wait3A_93, %dma_wait3A_95, %dma_wait3A_96] : memref<2x80x128xf32, #tpu.memory_space<vmem>> -> memref<1x80x128xf32, #tpu.memory_space<vmem>>
      %dma_wait3A_98 = tpu.memref_squeeze %dma_wait3A_97 : memref<1x80x128xf32, #tpu.memory_space<vmem>> -> memref<80x128xf32, #tpu.memory_space<vmem>>
      %dma_wait3A_99 = arith.constant 0 : i32
      %dma_wait3A_100 = tpu.memref_slice %arg7[%dma_wait3A_94, %dma_wait3A_99] : memref<250x80xi32, #tpu.memory_space<vmem>> -> memref<1x80xi32, #tpu.memory_space<vmem>>
      %dma_wait3A_101 = tpu.memref_squeeze %dma_wait3A_100 : memref<1x80xi32, #tpu.memory_space<vmem>> -> memref<80xi32, #tpu.memory_space<vmem>>
      %dma_wait3A_102 = arith.constant 0 : i32
      %dma_wait3A_103 = arith.constant 0 : i32
      %dma_wait3A_104 = tpu.memref_slice %arg9[%dma_wait3A_102, %dma_wait3A_103] : memref<5120x128xf32, #tpu.memory_space<vmem_shared>> -> memref<5120x128xf32, #tpu.memory_space<vmem_shared>>
      tpu.wait_indirect_dma semaphore(%arg12 : memref<!tpu.dma_semaphore, #tpu.memory_space<semaphore_mem>>) src(%dma_wait3A_98 : memref<80x128xf32, #tpu.memory_space<vmem>>) dst(%dma_wait3A_104 : memref<5120x128xf32, #tpu.memory_space<vmem_shared>>)
      %lt3A = arith.constant 124 : i32
      %lt3A_105 = arith.cmpi slt, %scan3A_53, %lt3A : i32
      %convert_element_type3A_106 = arith.extui %lt3A_105 : i1 to i32
      %cond3A_107 = arith.constant 0 : i32
      %cond3A_108 = arith.cmpi ne, %convert_element_type3A_106, %cond3A_107 : i32
      scf.if %cond3A_108 {
        %add3A_132 = arith.constant 2 : i32
        %add3A_133 = arith.addi %mul3A_55, %add3A_132 : i32
        %dma_start3A_134 = arith.constant 0 : i32
        %dma_start3A_135 = arith.constant 0 : i32
        %dma_start3A_136 = arith.constant 0 : i32
        %dma_start3A_137 = tpu.memref_slice %arg8[%dma_start3A_134, %dma_start3A_135, %dma_start3A_136] : memref<2x80x128xf32, #tpu.memory_space<vmem>> -> memref<1x80x128xf32, #tpu.memory_space<vmem>>
        %dma_start3A_138 = tpu.memref_squeeze %dma_start3A_137 : memref<1x80x128xf32, #tpu.memory_space<vmem>> -> memref<80x128xf32, #tpu.memory_space<vmem>>
        %dma_start3A_139 = arith.constant 0 : i32
        %dma_start3A_140 = tpu.memref_slice %arg6[%add3A_133, %dma_start3A_139] : memref<250x80xi32, #tpu.memory_space<vmem>> -> memref<1x80xi32, #tpu.memory_space<vmem>>
        %dma_start3A_141 = tpu.memref_squeeze %dma_start3A_140 : memref<1x80xi32, #tpu.memory_space<vmem>> -> memref<80xi32, #tpu.memory_space<vmem>>
        %dma_start3A_142 = arith.constant 0 : i32
        %dma_start3A_143 = arith.constant 0 : i32
        %dma_start3A_144 = tpu.memref_slice %arg2[%dma_start3A_142, %dma_start3A_143] : memref<10000x128xf32, #tpu.memory_space<hbm>> -> memref<10000x128xf32, #tpu.memory_space<hbm>>
        tpu.enqueue_indirect_dma source(%dma_start3A_144 : memref<10000x128xf32, #tpu.memory_space<hbm>>) target(%dma_start3A_138 : memref<80x128xf32, #tpu.memory_space<vmem>>) offsets(%dma_start3A_141 : memref<80xi32, #tpu.memory_space<vmem>>) semaphore(%arg10 : memref<!tpu.dma_semaphore, #tpu.memory_space<semaphore_mem>>)
      } else {
      }
      %dma_wait3A_109 = arith.constant 0 : i32
      %dma_wait3A_110 = arith.constant 1 : i32
      %dma_wait3A_111 = arith.constant 0 : i32
      %dma_wait3A_112 = arith.constant 0 : i32
      %dma_wait3A_113 = tpu.memref_slice %arg8[%dma_wait3A_110, %dma_wait3A_111, %dma_wait3A_112] : memref<2x80x128xf32, #tpu.memory_space<vmem>> -> memref<1x80x128xf32, #tpu.memory_space<vmem>>
      %dma_wait3A_114 = tpu.memref_squeeze %dma_wait3A_113 : memref<1x80x128xf32, #tpu.memory_space<vmem>> -> memref<80x128xf32, #tpu.memory_space<vmem>>
      %dma_wait3A_115 = arith.constant 0 : i32
      %dma_wait3A_116 = tpu.memref_slice %arg6[%dma_wait3A_109, %dma_wait3A_115] : memref<250x80xi32, #tpu.memory_space<vmem>> -> memref<1x80xi32, #tpu.memory_space<vmem>>
      %dma_wait3A_117 = tpu.memref_squeeze %dma_wait3A_116 : memref<1x80xi32, #tpu.memory_space<vmem>> -> memref<80xi32, #tpu.memory_space<vmem>>
      %dma_wait3A_118 = arith.constant 0 : i32
      %dma_wait3A_119 = arith.constant 0 : i32
      %dma_wait3A_120 = tpu.memref_slice %arg2[%dma_wait3A_118, %dma_wait3A_119] : memref<10000x128xf32, #tpu.memory_space<hbm>> -> memref<10000x128xf32, #tpu.memory_space<hbm>>
      tpu.wait_indirect_dma semaphore(%arg11 : memref<!tpu.dma_semaphore, #tpu.memory_space<semaphore_mem>>) src(%dma_wait3A_120 : memref<10000x128xf32, #tpu.memory_space<hbm>>) dst(%dma_wait3A_114 : memref<80x128xf32, #tpu.memory_space<vmem>>)
      %dma_start3A_121 = arith.constant 1 : i32
      %dma_start3A_122 = arith.constant 0 : i32
      %dma_start3A_123 = arith.constant 0 : i32
      %dma_start3A_124 = tpu.memref_slice %arg8[%dma_start3A_121, %dma_start3A_122, %dma_start3A_123] : memref<2x80x128xf32, #tpu.memory_space<vmem>> -> memref<1x80x128xf32, #tpu.memory_space<vmem>>
      %dma_start3A_125 = tpu.memref_squeeze %dma_start3A_124 : memref<1x80x128xf32, #tpu.memory_space<vmem>> -> memref<80x128xf32, #tpu.memory_space<vmem>>
      %dma_start3A_126 = arith.constant 0 : i32
      %dma_start3A_127 = tpu.memref_slice %arg7[%add3A_56, %dma_start3A_126] : memref<250x80xi32, #tpu.memory_space<vmem>> -> memref<1x80xi32, #tpu.memory_space<vmem>>
      %dma_start3A_128 = tpu.memref_squeeze %dma_start3A_127 : memref<1x80xi32, #tpu.memory_space<vmem>> -> memref<80xi32, #tpu.memory_space<vmem>>
      %dma_start3A_129 = arith.constant 0 : i32
      %dma_start3A_130 = arith.constant 0 : i32
      %dma_start3A_131 = tpu.memref_slice %arg9[%dma_start3A_129, %dma_start3A_130] : memref<5120x128xf32, #tpu.memory_space<vmem_shared>> -> memref<5120x128xf32, #tpu.memory_space<vmem_shared>>
      tpu.enqueue_indirect_dma source(%dma_start3A_125 : memref<80x128xf32, #tpu.memory_space<vmem>>) target(%dma_start3A_131 : memref<5120x128xf32, #tpu.memory_space<vmem_shared>>) offsets(%dma_start3A_128 : memref<80xi32, #tpu.memory_space<vmem>>) semaphore(%arg13 : memref<!tpu.dma_semaphore, #tpu.memory_space<semaphore_mem>>) {add = true}
    }
    %scan3A_34 = arith.constant 125 : i32
    %dma_wait3A = arith.constant 1 : i32
    %dma_wait3A_35 = arith.constant 0 : i32
    %dma_wait3A_36 = arith.constant 0 : i32
    %dma_wait3A_37 = arith.constant 0 : i32
    %dma_wait3A_38 = tpu.memref_slice %arg8[%dma_wait3A, %dma_wait3A_36, %dma_wait3A_37] : memref<2x80x128xf32, #tpu.memory_space<vmem>> -> memref<1x80x128xf32, #tpu.memory_space<vmem>>
    %dma_wait3A_39 = tpu.memref_squeeze %dma_wait3A_38 : memref<1x80x128xf32, #tpu.memory_space<vmem>> -> memref<80x128xf32, #tpu.memory_space<vmem>>
    %dma_wait3A_40 = arith.constant 0 : i32
    %dma_wait3A_41 = tpu.memref_slice %arg7[%dma_wait3A_35, %dma_wait3A_40] : memref<250x80xi32, #tpu.memory_space<vmem>> -> memref<1x80xi32, #tpu.memory_space<vmem>>
    %dma_wait3A_42 = tpu.memref_squeeze %dma_wait3A_41 : memref<1x80xi32, #tpu.memory_space<vmem>> -> memref<80xi32, #tpu.memory_space<vmem>>
    %dma_wait3A_43 = arith.constant 0 : i32
    %dma_wait3A_44 = arith.constant 0 : i32
    %dma_wait3A_45 = tpu.memref_slice %arg9[%dma_wait3A_43, %dma_wait3A_44] : memref<5120x128xf32, #tpu.memory_space<vmem_shared>> -> memref<5120x128xf32, #tpu.memory_space<vmem_shared>>
    tpu.wait_indirect_dma semaphore(%arg13 : memref<!tpu.dma_semaphore, #tpu.memory_space<semaphore_mem>>) src(%dma_wait3A_39 : memref<80x128xf32, #tpu.memory_space<vmem>>) dst(%dma_wait3A_45 : memref<5120x128xf32, #tpu.memory_space<vmem_shared>>)
    %barrier3A_46 = arith.constant 0 : index
    tpu.barrier barrier_id(%barrier3A_46)
    %scan3A_47 = arith.constant 0 : i32
    %scan3A_48 = arith.constant 0 : i32
    %scan3A_49 = arith.constant 8 : i32
    %scan3A_50 = arith.addi %scan3A_48, %scan3A_49 : i32
    %scan3A_51 = arith.constant 1 : i32
    scf.for %scan3A_53 = %scan3A_48 to %scan3A_50 step %scan3A_51  : i32 {
      %mul3A_54 = arith.constant 320 : i32
      %mul3A_55 = arith.muli %arg1, %mul3A_54 : i32
      %mul3A_56 = arith.constant 40 : i32
      %mul3A_57 = arith.muli %scan3A_53, %mul3A_56 : i32
      %add3A = arith.addi %mul3A_55, %mul3A_57 : i32
      %lt3A = arith.constant 5000 : i32
      %lt3A_58 = arith.cmpi slt, %add3A, %lt3A : i32
      %convert_element_type3A = arith.extui %lt3A_58 : i1 to i32
      %cond3A = arith.constant 0 : i32
      %cond3A_59 = arith.cmpi ne, %convert_element_type3A, %cond3A : i32
      scf.if %cond3A_59 {
        %run_scoped3A = arith.constant 0 : i32
        "tpu.region"() ({
          %run_scoped3A_64 = tpu.sem_alloc : memref<!tpu.dma_semaphore, #tpu.memory_space<semaphore_mem>>
          %dma_start3A_65 = arith.constant 0 : i32
          %dma_start3A_66 = arith.constant 0 : i32
          %dma_start3A_67 = tpu.memref_slice %arg8[%run_scoped3A, %dma_start3A_65, %dma_start3A_66] : memref<2x80x128xf32, #tpu.memory_space<vmem>> -> memref<1x80x128xf32, #tpu.memory_space<vmem>>
          %dma_start3A_68 = tpu.memref_squeeze %dma_start3A_67 : memref<1x80x128xf32, #tpu.memory_space<vmem>> -> memref<80x128xf32, #tpu.memory_space<vmem>>
          %dma_start3A_69 = arith.constant 0 : i32
          %dma_start3A_70 = arith.constant 0 : i32
          %dma_start3A_71 = tpu.memref_slice %dma_start3A_68[%dma_start3A_69, %dma_start3A_70] : memref<80x128xf32, #tpu.memory_space<vmem>> -> memref<40x128xf32, #tpu.memory_space<vmem>>
          %dma_start3A_72 = arith.constant 0 : i32
          %dma_start3A_73 = tpu.memref_slice %arg9[%add3A, %dma_start3A_72] : memref<5120x128xf32, #tpu.memory_space<vmem_shared>> -> memref<40x128xf32, #tpu.memory_space<vmem_shared>>
          %dma_start3A_74 = arith.constant 0 : i32
          %dma_start3A_75 = arith.constant 0 : i32
          %dma_start3A_76 = tpu.memref_slice %arg8[%run_scoped3A, %dma_start3A_74, %dma_start3A_75] : memref<2x80x128xf32, #tpu.memory_space<vmem>> -> memref<1x80x128xf32, #tpu.memory_space<vmem>>
          %dma_start3A_77 = tpu.memref_squeeze %dma_start3A_76 : memref<1x80x128xf32, #tpu.memory_space<vmem>> -> memref<80x128xf32, #tpu.memory_space<vmem>>
          %dma_start3A_78 = arith.constant 0 : i32
          %dma_start3A_79 = arith.constant 0 : i32
          %dma_start3A_80 = tpu.memref_slice %dma_start3A_77[%dma_start3A_78, %dma_start3A_79] : memref<80x128xf32, #tpu.memory_space<vmem>> -> memref<40x128xf32, #tpu.memory_space<vmem>>
          %dma_start3A_81 = arith.constant 0 : i32
          %dma_start3A_82 = tpu.memref_slice %arg9[%add3A, %dma_start3A_81] : memref<5120x128xf32, #tpu.memory_space<vmem_shared>> -> memref<40x128xf32, #tpu.memory_space<vmem_shared>>
          tpu.enqueue_dma source(%dma_start3A_82 : memref<40x128xf32, #tpu.memory_space<vmem_shared>>) target(%dma_start3A_80 : memref<40x128xf32, #tpu.memory_space<vmem>>) target_semaphore(%run_scoped3A_64 : memref<!tpu.dma_semaphore, #tpu.memory_space<semaphore_mem>>)
          %dma_wait3A_83 = arith.constant 0 : i32
          %dma_wait3A_84 = arith.constant 0 : i32
          %dma_wait3A_85 = tpu.memref_slice %arg8[%run_scoped3A, %dma_wait3A_83, %dma_wait3A_84] : memref<2x80x128xf32, #tpu.memory_space<vmem>> -> memref<1x80x128xf32, #tpu.memory_space<vmem>>
          %dma_wait3A_86 = tpu.memref_squeeze %dma_wait3A_85 : memref<1x80x128xf32, #tpu.memory_space<vmem>> -> memref<80x128xf32, #tpu.memory_space<vmem>>
          %dma_wait3A_87 = arith.constant 0 : i32
          %dma_wait3A_88 = arith.constant 0 : i32
          %dma_wait3A_89 = tpu.memref_slice %dma_wait3A_86[%dma_wait3A_87, %dma_wait3A_88] : memref<80x128xf32, #tpu.memory_space<vmem>> -> memref<40x128xf32, #tpu.memory_space<vmem>>
          %dma_wait3A_90 = arith.constant 0 : i32
          %dma_wait3A_91 = tpu.memref_slice %arg9[%add3A, %dma_wait3A_90] : memref<5120x128xf32, #tpu.memory_space<vmem_shared>> -> memref<40x128xf32, #tpu.memory_space<vmem_shared>>
          %dma_wait3A_92 = arith.constant 0 : i32
          %dma_wait3A_93 = arith.constant 0 : i32
          %dma_wait3A_94 = tpu.memref_slice %arg8[%run_scoped3A, %dma_wait3A_92, %dma_wait3A_93] : memref<2x80x128xf32, #tpu.memory_space<vmem>> -> memref<1x80x128xf32, #tpu.memory_space<vmem>>
          %dma_wait3A_95 = tpu.memref_squeeze %dma_wait3A_94 : memref<1x80x128xf32, #tpu.memory_space<vmem>> -> memref<80x128xf32, #tpu.memory_space<vmem>>
          %dma_wait3A_96 = arith.constant 0 : i32
          %dma_wait3A_97 = arith.constant 0 : i32
          %dma_wait3A_98 = tpu.memref_slice %dma_wait3A_95[%dma_wait3A_96, %dma_wait3A_97] : memref<80x128xf32, #tpu.memory_space<vmem>> -> memref<40x128xf32, #tpu.memory_space<vmem>>
          %dma_wait3A_99 = arith.constant 0 : i32
          %dma_wait3A_100 = tpu.memref_slice %arg9[%add3A, %dma_wait3A_99] : memref<5120x128xf32, #tpu.memory_space<vmem_shared>> -> memref<40x128xf32, #tpu.memory_space<vmem_shared>>
          tpu.wait_dma2 semaphore(%run_scoped3A_64 : memref<!tpu.dma_semaphore, #tpu.memory_space<semaphore_mem>>) src(%dma_wait3A_100 : memref<40x128xf32, #tpu.memory_space<vmem_shared>>) dst(%dma_wait3A_98 : memref<40x128xf32, #tpu.memory_space<vmem>>)
          tpu.yield
        }) : () -> ()
        %mul3A_60 = arith.constant 5000 : i32
        %mul3A_61 = arith.muli %arg0, %mul3A_60 : i32
        %add3A_62 = arith.addi %mul3A_61, %add3A : i32
        %run_scoped3A_63 = arith.constant 0 : i32
        "tpu.region"() ({
          %run_scoped3A_64 = tpu.sem_alloc : memref<!tpu.dma_semaphore, #tpu.memory_space<semaphore_mem>>
          %dma_start3A_65 = arith.constant 0 : i32
          %dma_start3A_66 = arith.constant 0 : i32
          %dma_start3A_67 = tpu.memref_slice %arg8[%run_scoped3A_63, %dma_start3A_65, %dma_start3A_66] : memref<2x80x128xf32, #tpu.memory_space<vmem>> -> memref<1x80x128xf32, #tpu.memory_space<vmem>>
          %dma_start3A_68 = tpu.memref_squeeze %dma_start3A_67 : memref<1x80x128xf32, #tpu.memory_space<vmem>> -> memref<80x128xf32, #tpu.memory_space<vmem>>
          %dma_start3A_69 = arith.constant 0 : i32
          %dma_start3A_70 = arith.constant 0 : i32
          %dma_start3A_71 = tpu.memref_slice %dma_start3A_68[%dma_start3A_69, %dma_start3A_70] : memref<80x128xf32, #tpu.memory_space<vmem>> -> memref<40x128xf32, #tpu.memory_space<vmem>>
          %dma_start3A_72 = arith.constant 0 : i32
          %dma_start3A_73 = tpu.memref_slice %arg5[%add3A_62, %dma_start3A_72] : memref<10000x128xf32, #tpu.memory_space<hbm>> -> memref<40x128xf32, #tpu.memory_space<hbm>>
          %dma_start3A_74 = arith.constant 0 : i32
          %dma_start3A_75 = tpu.memref_slice %arg5[%add3A_62, %dma_start3A_74] : memref<10000x128xf32, #tpu.memory_space<hbm>> -> memref<40x128xf32, #tpu.memory_space<hbm>>
          %dma_start3A_76 = arith.constant 0 : i32
          %dma_start3A_77 = arith.constant 0 : i32
          %dma_start3A_78 = tpu.memref_slice %arg8[%run_scoped3A_63, %dma_start3A_76, %dma_start3A_77] : memref<2x80x128xf32, #tpu.memory_space<vmem>> -> memref<1x80x128xf32, #tpu.memory_space<vmem>>
          %dma_start3A_79 = tpu.memref_squeeze %dma_start3A_78 : memref<1x80x128xf32, #tpu.memory_space<vmem>> -> memref<80x128xf32, #tpu.memory_space<vmem>>
          %dma_start3A_80 = arith.constant 0 : i32
          %dma_start3A_81 = arith.constant 0 : i32
          %dma_start3A_82 = tpu.memref_slice %dma_start3A_79[%dma_start3A_80, %dma_start3A_81] : memref<80x128xf32, #tpu.memory_space<vmem>> -> memref<40x128xf32, #tpu.memory_space<vmem>>
          tpu.enqueue_dma source(%dma_start3A_82 : memref<40x128xf32, #tpu.memory_space<vmem>>) target(%dma_start3A_75 : memref<40x128xf32, #tpu.memory_space<hbm>>) target_semaphore(%run_scoped3A_64 : memref<!tpu.dma_semaphore, #tpu.memory_space<semaphore_mem>>)
          %dma_wait3A_83 = arith.constant 0 : i32
          %dma_wait3A_84 = arith.constant 0 : i32
          %dma_wait3A_85 = tpu.memref_slice %arg8[%run_scoped3A_63, %dma_wait3A_83, %dma_wait3A_84] : memref<2x80x128xf32, #tpu.memory_space<vmem>> -> memref<1x80x128xf32, #tpu.memory_space<vmem>>
          %dma_wait3A_86 = tpu.memref_squeeze %dma_wait3A_85 : memref<1x80x128xf32, #tpu.memory_space<vmem>> -> memref<80x128xf32, #tpu.memory_space<vmem>>
          %dma_wait3A_87 = arith.constant 0 : i32
          %dma_wait3A_88 = arith.constant 0 : i32
          %dma_wait3A_89 = tpu.memref_slice %dma_wait3A_86[%dma_wait3A_87, %dma_wait3A_88] : memref<80x128xf32, #tpu.memory_space<vmem>> -> memref<40x128xf32, #tpu.memory_space<vmem>>
          %dma_wait3A_90 = arith.constant 0 : i32
          %dma_wait3A_91 = tpu.memref_slice %arg5[%add3A_62, %dma_wait3A_90] : memref<10000x128xf32, #tpu.memory_space<hbm>> -> memref<40x128xf32, #tpu.memory_space<hbm>>
          %dma_wait3A_92 = arith.constant 0 : i32
          %dma_wait3A_93 = tpu.memref_slice %arg5[%add3A_62, %dma_wait3A_92] : memref<10000x128xf32, #tpu.memory_space<hbm>> -> memref<40x128xf32, #tpu.memory_space<hbm>>
          %dma_wait3A_94 = arith.constant 0 : i32
          %dma_wait3A_95 = arith.constant 0 : i32
          %dma_wait3A_96 = tpu.memref_slice %arg8[%run_scoped3A_63, %dma_wait3A_94, %dma_wait3A_95] : memref<2x80x128xf32, #tpu.memory_space<vmem>> -> memref<1x80x128xf32, #tpu.memory_space<vmem>>
          %dma_wait3A_97 = tpu.memref_squeeze %dma_wait3A_96 : memref<1x80x128xf32, #tpu.memory_space<vmem>> -> memref<80x128xf32, #tpu.memory_space<vmem>>
          %dma_wait3A_98 = arith.constant 0 : i32
          %dma_wait3A_99 = arith.constant 0 : i32
          %dma_wait3A_100 = tpu.memref_slice %dma_wait3A_97[%dma_wait3A_98, %dma_wait3A_99] : memref<80x128xf32, #tpu.memory_space<vmem>> -> memref<40x128xf32, #tpu.memory_space<vmem>>
          tpu.wait_dma2 semaphore(%run_scoped3A_64 : memref<!tpu.dma_semaphore, #tpu.memory_space<semaphore_mem>>) src(%dma_wait3A_100 : memref<40x128xf32, #tpu.memory_space<vmem>>) dst(%dma_wait3A_93 : memref<40x128xf32, #tpu.memory_space<hbm>>)
          tpu.yield
        }) : () -> ()
      } else {
      }
    }
    %scan3A_52 = arith.constant 8 : i32
    return
  }
}

#map = affine_map<(d0, d1) -> (0, 0)>
#map1 = affine_map<(d0, d1) -> (0, 0, 0)>
module attributes {stable_mosaic.version = 14 : i64} {
  func.func @_sc_scatter(%arg0: i32, %arg1: i32, %arg2: memref<10000x128xf32, #tpu.memory_space<hbm>>, %arg3: memref<16x250x80xi32, #tpu.memory_space<hbm>>, %arg4: memref<16x250x80xi32, #tpu.memory_space<hbm>>, %arg5: memref<10000x128xf32, #tpu.memory_space<hbm>>, %arg6: memref<250x80xi32, #tpu.memory_space<vmem>>, %arg7: memref<250x80xi32, #tpu.memory_space<vmem>>, %arg8: memref<2x80x128xf32, #tpu.memory_space<vmem>>, %arg9: memref<5120x128xf32, #tpu.memory_space<vmem_shared>>, %arg10: memref<!tpu.dma_semaphore, #tpu.memory_space<semaphore_mem>>, %arg11: memref<!tpu.dma_semaphore, #tpu.memory_space<semaphore_mem>>, %arg12: memref<!tpu.dma_semaphore, #tpu.memory_space<semaphore_mem>>, %arg13: memref<!tpu.dma_semaphore, #tpu.memory_space<semaphore_mem>>) attributes {dimension_semantics = [#tpu.dimension_semantics<core_parallel>, #tpu.dimension_semantics<subcore_parallel>], iteration_bounds = array<i64: 2, 16>, scalar_prefetch = 0 : i64, scratch_operands = 8 : i64, tpu.core_type = #tpu.core_type<sc_vector_subcore>, window_params = [{transform_indices = #map}, {transform_indices = #map1}, {transform_indices = #map1}, {transform_indices = #map}]} {
    %scan3A = arith.constant 0 : i32
    %scan3A_0 = arith.constant 0 : i32
    %scan3A_1 = arith.constant 80 : i32
    %scan3A_2 = arith.addi %scan3A_0, %scan3A_1 : i32
    %scan3A_3 = arith.constant 1 : i32
    scf.for %scan3A_53 = %scan3A_0 to %scan3A_2 step %scan3A_3  : i32 {
      %scan3A_54 = arith.constant 0 : i32
      %scan3A_55 = arith.constant 8 : i32
      %scan3A_56 = arith.addi %scan3A_54, %scan3A_55 : i32
      %scan3A_57 = arith.constant 1 : i32
      scf.for %scan3A_59 = %scan3A_54 to %scan3A_56 step %scan3A_57  : i32 {
        %broadcast_in_dim3A = arith.constant 0.000000e+00 : f32
        %broadcast_in_dim3A_60 = vector.broadcast %broadcast_in_dim3A : f32 to vector<16xf32>
        %mul3A_61 = arith.constant 16 : i32
        %mul3A_62 = arith.muli %scan3A_59, %mul3A_61 : i32
        %swap3A = arith.constant 0 : i32
        %swap3A_63 = arith.index_cast %swap3A : i32 to index
        %swap3A_64 = arith.index_cast %scan3A_53 : i32 to index
        %swap3A_65 = arith.index_cast %mul3A_62 : i32 to index
        %swap3A_66 = tpu.vector_load %arg8[%swap3A_63, %swap3A_64, %swap3A_65] {strides = array<i32>} : memref<2x80x128xf32, #tpu.memory_space<vmem>>, vector<1x1x16xf32>,
        %swap3A_67 = vector.shape_cast %swap3A_66 : vector<1x1x16xf32> to vector<16xf32>
        %swap3A_68 = vector.shape_cast %broadcast_in_dim3A_60 : vector<16xf32> to vector<1x1x16xf32>
        tpu.vector_store %arg8[%swap3A_63, %swap3A_64, %swap3A_65], %swap3A_68 {strides = array<i32>} : memref<2x80x128xf32, #tpu.memory_space<vmem>>, vector<1x1x16xf32>,
      }
      %scan3A_58 = arith.constant 8 : i32
    }
    %scan3A_4 = arith.constant 80 : i32
    %scan3A_5 = arith.constant 0 : i32
    %scan3A_6 = arith.constant 0 : i32
    %scan3A_7 = arith.constant 4 : i32
    %scan3A_8 = arith.addi %scan3A_6, %scan3A_7 : i32
    %scan3A_9 = arith.constant 1 : i32
    scf.for %scan3A_53 = %scan3A_6 to %scan3A_8 step %scan3A_9  : i32 {
      %mul3A_54 = arith.constant 320 : i32
      %mul3A_55 = arith.muli %arg1, %mul3A_54 : i32
      %mul3A_56 = arith.constant 80 : i32
      %mul3A_57 = arith.muli %scan3A_53, %mul3A_56 : i32
      %add3A = arith.addi %mul3A_55, %mul3A_57 : i32
      %run_scoped3A = arith.constant 0 : i32
      "tpu.region"() ({
        %run_scoped3A_58 = tpu.sem_alloc : memref<!tpu.dma_semaphore, #tpu.memory_space<semaphore_mem>>
        %dma_start3A_59 = arith.constant 0 : i32
        %dma_start3A_60 = arith.constant 0 : i32
        %dma_start3A_61 = tpu.memref_slice %arg8[%run_scoped3A, %dma_start3A_59, %dma_start3A_60] : memref<2x80x128xf32, #tpu.memory_space<vmem>> -> memref<1x80x128xf32, #tpu.memory_space<vmem>>
        %dma_start3A_62 = tpu.memref_squeeze %dma_start3A_61 : memref<1x80x128xf32, #tpu.memory_space<vmem>> -> memref<80x128xf32, #tpu.memory_space<vmem>>
        %dma_start3A_63 = arith.constant 0 : i32
        %dma_start3A_64 = tpu.memref_slice %arg9[%add3A, %dma_start3A_63] : memref<5120x128xf32, #tpu.memory_space<vmem_shared>> -> memref<80x128xf32, #tpu.memory_space<vmem_shared>>
        %dma_start3A_65 = arith.constant 0 : i32
        %dma_start3A_66 = tpu.memref_slice %arg9[%add3A, %dma_start3A_65] : memref<5120x128xf32, #tpu.memory_space<vmem_shared>> -> memref<80x128xf32, #tpu.memory_space<vmem_shared>>
        %dma_start3A_67 = arith.constant 0 : i32
        %dma_start3A_68 = arith.constant 0 : i32
        %dma_start3A_69 = tpu.memref_slice %arg8[%run_scoped3A, %dma_start3A_67, %dma_start3A_68] : memref<2x80x128xf32, #tpu.memory_space<vmem>> -> memref<1x80x128xf32, #tpu.memory_space<vmem>>
        %dma_start3A_70 = tpu.memref_squeeze %dma_start3A_69 : memref<1x80x128xf32, #tpu.memory_space<vmem>> -> memref<80x128xf32, #tpu.memory_space<vmem>>
        tpu.enqueue_dma source(%dma_start3A_70 : memref<80x128xf32, #tpu.memory_space<vmem>>) target(%dma_start3A_66 : memref<80x128xf32, #tpu.memory_space<vmem_shared>>) target_semaphore(%run_scoped3A_58 : memref<!tpu.dma_semaphore, #tpu.memory_space<semaphore_mem>>)
        %dma_wait3A_71 = arith.constant 0 : i32
        %dma_wait3A_72 = arith.constant 0 : i32
        %dma_wait3A_73 = tpu.memref_slice %arg8[%run_scoped3A, %dma_wait3A_71, %dma_wait3A_72] : memref<2x80x128xf32, #tpu.memory_space<vmem>> -> memref<1x80x128xf32, #tpu.memory_space<vmem>>
        %dma_wait3A_74 = tpu.memref_squeeze %dma_wait3A_73 : memref<1x80x128xf32, #tpu.memory_space<vmem>> -> memref<80x128xf32, #tpu.memory_space<vmem>>
        %dma_wait3A_75 = arith.constant 0 : i32
        %dma_wait3A_76 = tpu.memref_slice %arg9[%add3A, %dma_wait3A_75] : memref<5120x128xf32, #tpu.memory_space<vmem_shared>> -> memref<80x128xf32, #tpu.memory_space<vmem_shared>>
        %dma_wait3A_77 = arith.constant 0 : i32
        %dma_wait3A_78 = tpu.memref_slice %arg9[%add3A, %dma_wait3A_77] : memref<5120x128xf32, #tpu.memory_space<vmem_shared>> -> memref<80x128xf32, #tpu.memory_space<vmem_shared>>
        %dma_wait3A_79 = arith.constant 0 : i32
        %dma_wait3A_80 = arith.constant 0 : i32
        %dma_wait3A_81 = tpu.memref_slice %arg8[%run_scoped3A, %dma_wait3A_79, %dma_wait3A_80] : memref<2x80x128xf32, #tpu.memory_space<vmem>> -> memref<1x80x128xf32, #tpu.memory_space<vmem>>
        %dma_wait3A_82 = tpu.memref_squeeze %dma_wait3A_81 : memref<1x80x128xf32, #tpu.memory_space<vmem>> -> memref<80x128xf32, #tpu.memory_space<vmem>>
        tpu.wait_dma2 semaphore(%run_scoped3A_58 : memref<!tpu.dma_semaphore, #tpu.memory_space<semaphore_mem>>) src(%dma_wait3A_82 : memref<80x128xf32, #tpu.memory_space<vmem>>) dst(%dma_wait3A_78 : memref<80x128xf32, #tpu.memory_space<vmem_shared>>)
        tpu.yield
      }) : () -> ()
    }
    %scan3A_10 = arith.constant 4 : i32
    "tpu.region"() ({
      %run_scoped3A = tpu.sem_alloc : memref<!tpu.dma_semaphore, #tpu.memory_space<semaphore_mem>>
      %dma_start3A_53 = arith.constant 0 : i32
      %dma_start3A_54 = arith.constant 0 : i32
      %dma_start3A_55 = tpu.memref_slice %arg3[%arg1, %dma_start3A_53, %dma_start3A_54] : memref<16x250x80xi32, #tpu.memory_space<hbm>> -> memref<1x250x80xi32, #tpu.memory_space<hbm>>
      %dma_start3A_56 = tpu.memref_squeeze %dma_start3A_55 : memref<1x250x80xi32, #tpu.memory_space<hbm>> -> memref<250x80xi32, #tpu.memory_space<hbm>>
      %dma_start3A_57 = arith.constant 0 : i32
      %dma_start3A_58 = arith.constant 0 : i32
      %dma_start3A_59 = tpu.memref_slice %arg3[%arg1, %dma_start3A_57, %dma_start3A_58] : memref<16x250x80xi32, #tpu.memory_space<hbm>> -> memref<1x250x80xi32, #tpu.memory_space<hbm>>
      %dma_start3A_60 = tpu.memref_squeeze %dma_start3A_59 : memref<1x250x80xi32, #tpu.memory_space<hbm>> -> memref<250x80xi32, #tpu.memory_space<hbm>>
      tpu.enqueue_dma source(%dma_start3A_60 : memref<250x80xi32, #tpu.memory_space<hbm>>) target(%arg6 : memref<250x80xi32, #tpu.memory_space<vmem>>) target_semaphore(%run_scoped3A : memref<!tpu.dma_semaphore, #tpu.memory_space<semaphore_mem>>)
      %dma_wait3A_61 = arith.constant 0 : i32
      %dma_wait3A_62 = arith.constant 0 : i32
      %dma_wait3A_63 = tpu.memref_slice %arg3[%arg1, %dma_wait3A_61, %dma_wait3A_62] : memref<16x250x80xi32, #tpu.memory_space<hbm>> -> memref<1x250x80xi32, #tpu.memory_space<hbm>>
      %dma_wait3A_64 = tpu.memref_squeeze %dma_wait3A_63 : memref<1x250x80xi32, #tpu.memory_space<hbm>> -> memref<250x80xi32, #tpu.memory_space<hbm>>
      %dma_wait3A_65 = arith.constant 0 : i32
      %dma_wait3A_66 = arith.constant 0 : i32
      %dma_wait3A_67 = tpu.memref_slice %arg3[%arg1, %dma_wait3A_65, %dma_wait3A_66] : memref<16x250x80xi32, #tpu.memory_space<hbm>> -> memref<1x250x80xi32, #tpu.memory_space<hbm>>
      %dma_wait3A_68 = tpu.memref_squeeze %dma_wait3A_67 : memref<1x250x80xi32, #tpu.memory_space<hbm>> -> memref<250x80xi32, #tpu.memory_space<hbm>>
      tpu.wait_dma2 semaphore(%run_scoped3A : memref<!tpu.dma_semaphore, #tpu.memory_space<semaphore_mem>>) src(%dma_wait3A_68 : memref<250x80xi32, #tpu.memory_space<hbm>>) dst(%arg6 : memref<250x80xi32, #tpu.memory_space<vmem>>)
      tpu.yield
    }) : () -> ()
    "tpu.region"() ({
      %run_scoped3A = tpu.sem_alloc : memref<!tpu.dma_semaphore, #tpu.memory_space<semaphore_mem>>
      %dma_start3A_53 = arith.constant 0 : i32
      %dma_start3A_54 = arith.constant 0 : i32
      %dma_start3A_55 = tpu.memref_slice %arg4[%arg1, %dma_start3A_53, %dma_start3A_54] : memref<16x250x80xi32, #tpu.memory_space<hbm>> -> memref<1x250x80xi32, #tpu.memory_space<hbm>>
      %dma_start3A_56 = tpu.memref_squeeze %dma_start3A_55 : memref<1x250x80xi32, #tpu.memory_space<hbm>> -> memref<250x80xi32, #tpu.memory_space<hbm>>
      %dma_start3A_57 = arith.constant 0 : i32
      %dma_start3A_58 = arith.constant 0 : i32
      %dma_start3A_59 = tpu.memref_slice %arg4[%arg1, %dma_start3A_57, %dma_start3A_58] : memref<16x250x80xi32, #tpu.memory_space<hbm>> -> memref<1x250x80xi32, #tpu.memory_space<hbm>>
      %dma_start3A_60 = tpu.memref_squeeze %dma_start3A_59 : memref<1x250x80xi32, #tpu.memory_space<hbm>> -> memref<250x80xi32, #tpu.memory_space<hbm>>
      tpu.enqueue_dma source(%dma_start3A_60 : memref<250x80xi32, #tpu.memory_space<hbm>>) target(%arg7 : memref<250x80xi32, #tpu.memory_space<vmem>>) target_semaphore(%run_scoped3A : memref<!tpu.dma_semaphore, #tpu.memory_space<semaphore_mem>>)
      %dma_wait3A_61 = arith.constant 0 : i32
      %dma_wait3A_62 = arith.constant 0 : i32
      %dma_wait3A_63 = tpu.memref_slice %arg4[%arg1, %dma_wait3A_61, %dma_wait3A_62] : memref<16x250x80xi32, #tpu.memory_space<hbm>> -> memref<1x250x80xi32, #tpu.memory_space<hbm>>
      %dma_wait3A_64 = tpu.memref_squeeze %dma_wait3A_63 : memref<1x250x80xi32, #tpu.memory_space<hbm>> -> memref<250x80xi32, #tpu.memory_space<hbm>>
      %dma_wait3A_65 = arith.constant 0 : i32
      %dma_wait3A_66 = arith.constant 0 : i32
      %dma_wait3A_67 = tpu.memref_slice %arg4[%arg1, %dma_wait3A_65, %dma_wait3A_66] : memref<16x250x80xi32, #tpu.memory_space<hbm>> -> memref<1x250x80xi32, #tpu.memory_space<hbm>>
      %dma_wait3A_68 = tpu.memref_squeeze %dma_wait3A_67 : memref<1x250x80xi32, #tpu.memory_space<hbm>> -> memref<250x80xi32, #tpu.memory_space<hbm>>
      tpu.wait_dma2 semaphore(%run_scoped3A : memref<!tpu.dma_semaphore, #tpu.memory_space<semaphore_mem>>) src(%dma_wait3A_68 : memref<250x80xi32, #tpu.memory_space<hbm>>) dst(%arg7 : memref<250x80xi32, #tpu.memory_space<vmem>>)
      tpu.yield
    }) : () -> ()
    %mul3A = arith.constant 5000 : i32
    %mul3A_11 = arith.muli %arg0, %mul3A : i32
    %scan3A_12 = arith.constant 0 : i32
    %scan3A_13 = arith.constant 0 : i32
    %scan3A_14 = arith.constant 250 : i32
    %scan3A_15 = arith.addi %scan3A_13, %scan3A_14 : i32
    %scan3A_16 = arith.constant 1 : i32
    scf.for %scan3A_53 = %scan3A_13 to %scan3A_15 step %scan3A_16  : i32 {
      %scan3A_54 = arith.constant 0 : i32
      %scan3A_55 = arith.constant 5 : i32
      %scan3A_56 = arith.addi %scan3A_54, %scan3A_55 : i32
      %scan3A_57 = arith.constant 1 : i32
      scf.for %scan3A_59 = %scan3A_54 to %scan3A_56 step %scan3A_57  : i32 {
        %mul3A_60 = arith.constant 16 : i32
        %mul3A_61 = arith.muli %scan3A_59, %mul3A_60 : i32
        %get3A = arith.index_cast %scan3A_53 : i32 to index
        %get3A_62 = arith.index_cast %mul3A_61 : i32 to index
        %get3A_63 = tpu.vector_load %arg7[%get3A, %get3A_62] {strides = array<i32>} : memref<250x80xi32, #tpu.memory_space<vmem>>, vector<1x16xi32>,
        %get3A_64 = vector.shape_cast %get3A_63 : vector<1x16xi32> to vector<16xi32>
        %sub3A = vector.broadcast %mul3A_11 : i32 to vector<16xi32>
        %sub3A_65 = arith.subi %get3A_64, %sub3A : vector<16xi32>
        %ge3A = arith.constant 0 : i32
        %ge3A_66 = vector.broadcast %ge3A : i32 to vector<16xi32>
        %ge3A_67 = arith.cmpi sge, %sub3A_65, %ge3A_66 : vector<16xi32>
        %lt3A = arith.constant 5000 : i32
        %lt3A_68 = vector.broadcast %lt3A : i32 to vector<16xi32>
        %lt3A_69 = arith.cmpi slt, %sub3A_65, %lt3A_68 : vector<16xi32>
        %and3A = arith.andi %ge3A_67, %lt3A_69 : vector<16xi1>
        %broadcast_in_dim3A = arith.constant 5000 : i32
        %broadcast_in_dim3A_70 = vector.broadcast %broadcast_in_dim3A : i32 to vector<16xi32>
        %select_n3A = arith.select %and3A, %sub3A_65, %broadcast_in_dim3A_70 : vector<16xi1>, vector<16xi32>
        %mul3A_71 = arith.constant 16 : i32
        %mul3A_72 = arith.muli %scan3A_59, %mul3A_71 : i32
        %swap3A = arith.index_cast %scan3A_53 : i32 to index
        %swap3A_73 = arith.index_cast %mul3A_72 : i32 to index
        %swap3A_74 = tpu.vector_load %arg7[%swap3A, %swap3A_73] {strides = array<i32>} : memref<250x80xi32, #tpu.memory_space<vmem>>, vector<1x16xi32>,
        %swap3A_75 = vector.shape_cast %swap3A_74 : vector<1x16xi32> to vector<16xi32>
        %swap3A_76 = vector.shape_cast %select_n3A : vector<16xi32> to vector<1x16xi32>
        tpu.vector_store %arg7[%swap3A, %swap3A_73], %swap3A_76 {strides = array<i32>} : memref<250x80xi32, #tpu.memory_space<vmem>>, vector<1x16xi32>,
      }
      %scan3A_58 = arith.constant 5 : i32
    }
    %scan3A_17 = arith.constant 250 : i32
    %barrier3A = arith.constant 0 : index
    tpu.barrier barrier_id(%barrier3A)
    %dma_start3A = arith.constant 0 : i32
    %dma_start3A_18 = arith.constant 0 : i32
    %dma_start3A_19 = arith.constant 0 : i32
    %dma_start3A_20 = arith.constant 0 : i32
    %dma_start3A_21 = tpu.memref_slice %arg8[%dma_start3A_18, %dma_start3A_19, %dma_start3A_20] : memref<2x80x128xf32, #tpu.memory_space<vmem>> -> memref<1x80x128xf32, #tpu.memory_space<vmem>>
    %dma_start3A_22 = tpu.memref_squeeze %dma_start3A_21 : memref<1x80x128xf32, #tpu.memory_space<vmem>> -> memref<80x128xf32, #tpu.memory_space<vmem>>
    %dma_start3A_23 = arith.constant 0 : i32
    %dma_start3A_24 = tpu.memref_slice %arg6[%dma_start3A, %dma_start3A_23] : memref<250x80xi32, #tpu.memory_space<vmem>> -> memref<1x80xi32, #tpu.memory_space<vmem>>
    %dma_start3A_25 = tpu.memref_squeeze %dma_start3A_24 : memref<1x80xi32, #tpu.memory_space<vmem>> -> memref<80xi32, #tpu.memory_space<vmem>>
    %dma_start3A_26 = arith.constant 0 : i32
    %dma_start3A_27 = arith.constant 0 : i32
    %dma_start3A_28 = tpu.memref_slice %arg2[%dma_start3A_26, %dma_start3A_27] : memref<10000x128xf32, #tpu.memory_space<hbm>> -> memref<10000x128xf32, #tpu.memory_space<hbm>>
    tpu.enqueue_indirect_dma source(%dma_start3A_28 : memref<10000x128xf32, #tpu.memory_space<hbm>>) target(%dma_start3A_22 : memref<80x128xf32, #tpu.memory_space<vmem>>) offsets(%dma_start3A_25 : memref<80xi32, #tpu.memory_space<vmem>>) semaphore(%arg10 : memref<!tpu.dma_semaphore, #tpu.memory_space<semaphore_mem>>)
    %scan3A_29 = arith.constant 0 : i32
    %scan3A_30 = arith.constant 0 : i32
    %scan3A_31 = arith.constant 125 : i32
    %scan3A_32 = arith.addi %scan3A_30, %scan3A_31 : i32
    %scan3A_33 = arith.constant 1 : i32
    scf.for %scan3A_53 = %scan3A_30 to %scan3A_32 step %scan3A_33  : i32 {
      %mul3A_54 = arith.constant 2 : i32
      %mul3A_55 = arith.muli %scan3A_53, %mul3A_54 : i32
      %add3A = arith.constant 1 : i32
      %add3A_56 = arith.addi %mul3A_55, %add3A : i32
      %gt3A = arith.constant 0 : i32
      %gt3A_57 = arith.cmpi sgt, %scan3A_53, %gt3A : i32
      %convert_element_type3A = arith.extui %gt3A_57 : i1 to i32
      %cond3A = arith.constant 0 : i32
      %cond3A_58 = arith.cmpi ne, %convert_element_type3A, %cond3A : i32
      scf.if %cond3A_58 {
        %dma_wait3A_132 = arith.constant 1 : i32
        %dma_wait3A_133 = arith.constant 0 : i32
        %dma_wait3A_134 = arith.constant 0 : i32
        %dma_wait3A_135 = arith.constant 0 : i32
        %dma_wait3A_136 = tpu.memref_slice %arg8[%dma_wait3A_132, %dma_wait3A_134, %dma_wait3A_135] : memref<2x80x128xf32, #tpu.memory_space<vmem>> -> memref<1x80x128xf32, #tpu.memory_space<vmem>>
        %dma_wait3A_137 = tpu.memref_squeeze %dma_wait3A_136 : memref<1x80x128xf32, #tpu.memory_space<vmem>> -> memref<80x128xf32, #tpu.memory_space<vmem>>
        %dma_wait3A_138 = arith.constant 0 : i32
        %dma_wait3A_139 = tpu.memref_slice %arg7[%dma_wait3A_133, %dma_wait3A_138] : memref<250x80xi32, #tpu.memory_space<vmem>> -> memref<1x80xi32, #tpu.memory_space<vmem>>
        %dma_wait3A_140 = tpu.memref_squeeze %dma_wait3A_139 : memref<1x80xi32, #tpu.memory_space<vmem>> -> memref<80xi32, #tpu.memory_space<vmem>>
        %dma_wait3A_141 = arith.constant 0 : i32
        %dma_wait3A_142 = arith.constant 0 : i32
        %dma_wait3A_143 = tpu.memref_slice %arg9[%dma_wait3A_141, %dma_wait3A_142] : memref<5120x128xf32, #tpu.memory_space<vmem_shared>> -> memref<5120x128xf32, #tpu.memory_space<vmem_shared>>
        tpu.wait_indirect_dma semaphore(%arg13 : memref<!tpu.dma_semaphore, #tpu.memory_space<semaphore_mem>>) src(%dma_wait3A_137 : memref<80x128xf32, #tpu.memory_space<vmem>>) dst(%dma_wait3A_143 : memref<5120x128xf32, #tpu.memory_space<vmem_shared>>)
      } else {
      }
      %dma_start3A_59 = arith.constant 1 : i32
      %dma_start3A_60 = arith.constant 0 : i32
      %dma_start3A_61 = arith.constant 0 : i32
      %dma_start3A_62 = tpu.memref_slice %arg8[%dma_start3A_59, %dma_start3A_60, %dma_start3A_61] : memref<2x80x128xf32, #tpu.memory_space<vmem>> -> memref<1x80x128xf32, #tpu.memory_space<vmem>>
      %dma_start3A_63 = tpu.memref_squeeze %dma_start3A_62 : memref<1x80x128xf32, #tpu.memory_space<vmem>> -> memref<80x128xf32, #tpu.memory_space<vmem>>
      %dma_start3A_64 = arith.constant 0 : i32
      %dma_start3A_65 = tpu.memref_slice %arg6[%add3A_56, %dma_start3A_64] : memref<250x80xi32, #tpu.memory_space<vmem>> -> memref<1x80xi32, #tpu.memory_space<vmem>>
      %dma_start3A_66 = tpu.memref_squeeze %dma_start3A_65 : memref<1x80xi32, #tpu.memory_space<vmem>> -> memref<80xi32, #tpu.memory_space<vmem>>
      %dma_start3A_67 = arith.constant 0 : i32
      %dma_start3A_68 = arith.constant 0 : i32
      %dma_start3A_69 = tpu.memref_slice %arg2[%dma_start3A_67, %dma_start3A_68] : memref<10000x128xf32, #tpu.memory_space<hbm>> -> memref<10000x128xf32, #tpu.memory_space<hbm>>
      tpu.enqueue_indirect_dma source(%dma_start3A_69 : memref<10000x128xf32, #tpu.memory_space<hbm>>) target(%dma_start3A_63 : memref<80x128xf32, #tpu.memory_space<vmem>>) offsets(%dma_start3A_66 : memref<80xi32, #tpu.memory_space<vmem>>) semaphore(%arg11 : memref<!tpu.dma_semaphore, #tpu.memory_space<semaphore_mem>>)
      %dma_wait3A_70 = arith.constant 0 : i32
      %dma_wait3A_71 = arith.constant 0 : i32
      %dma_wait3A_72 = arith.constant 0 : i32
      %dma_wait3A_73 = arith.constant 0 : i32
      %dma_wait3A_74 = tpu.memref_slice %arg8[%dma_wait3A_71, %dma_wait3A_72, %dma_wait3A_73] : memref<2x80x128xf32, #tpu.memory_space<vmem>> -> memref<1x80x128xf32, #tpu.memory_space<vmem>>
      %dma_wait3A_75 = tpu.memref_squeeze %dma_wait3A_74 : memref<1x80x128xf32, #tpu.memory_space<vmem>> -> memref<80x128xf32, #tpu.memory_space<vmem>>
      %dma_wait3A_76 = arith.constant 0 : i32
      %dma_wait3A_77 = tpu.memref_slice %arg6[%dma_wait3A_70, %dma_wait3A_76] : memref<250x80xi32, #tpu.memory_space<vmem>> -> memref<1x80xi32, #tpu.memory_space<vmem>>
      %dma_wait3A_78 = tpu.memref_squeeze %dma_wait3A_77 : memref<1x80xi32, #tpu.memory_space<vmem>> -> memref<80xi32, #tpu.memory_space<vmem>>
      %dma_wait3A_79 = arith.constant 0 : i32
      %dma_wait3A_80 = arith.constant 0 : i32
      %dma_wait3A_81 = tpu.memref_slice %arg2[%dma_wait3A_79, %dma_wait3A_80] : memref<10000x128xf32, #tpu.memory_space<hbm>> -> memref<10000x128xf32, #tpu.memory_space<hbm>>
      tpu.wait_indirect_dma semaphore(%arg10 : memref<!tpu.dma_semaphore, #tpu.memory_space<semaphore_mem>>) src(%dma_wait3A_81 : memref<10000x128xf32, #tpu.memory_space<hbm>>) dst(%dma_wait3A_75 : memref<80x128xf32, #tpu.memory_space<vmem>>)
      %dma_start3A_82 = arith.constant 0 : i32
      %dma_start3A_83 = arith.constant 0 : i32
      %dma_start3A_84 = arith.constant 0 : i32
      %dma_start3A_85 = tpu.memref_slice %arg8[%dma_start3A_82, %dma_start3A_83, %dma_start3A_84] : memref<2x80x128xf32, #tpu.memory_space<vmem>> -> memref<1x80x128xf32, #tpu.memory_space<vmem>>
      %dma_start3A_86 = tpu.memref_squeeze %dma_start3A_85 : memref<1x80x128xf32, #tpu.memory_space<vmem>> -> memref<80x128xf32, #tpu.memory_space<vmem>>
      %dma_start3A_87 = arith.constant 0 : i32
      %dma_start3A_88 = tpu.memref_slice %arg7[%mul3A_55, %dma_start3A_87] : memref<250x80xi32, #tpu.memory_space<vmem>> -> memref<1x80xi32, #tpu.memory_space<vmem>>
      %dma_start3A_89 = tpu.memref_squeeze %dma_start3A_88 : memref<1x80xi32, #tpu.memory_space<vmem>> -> memref<80xi32, #tpu.memory_space<vmem>>
      %dma_start3A_90 = arith.constant 0 : i32
      %dma_start3A_91 = arith.constant 0 : i32
      %dma_start3A_92 = tpu.memref_slice %arg9[%dma_start3A_90, %dma_start3A_91] : memref<5120x128xf32, #tpu.memory_space<vmem_shared>> -> memref<5120x128xf32, #tpu.memory_space<vmem_shared>>
      tpu.enqueue_indirect_dma source(%dma_start3A_86 : memref<80x128xf32, #tpu.memory_space<vmem>>) target(%dma_start3A_92 : memref<5120x128xf32, #tpu.memory_space<vmem_shared>>) offsets(%dma_start3A_89 : memref<80xi32, #tpu.memory_space<vmem>>) semaphore(%arg12 : memref<!tpu.dma_semaphore, #tpu.memory_space<semaphore_mem>>) {add = true}
      %dma_wait3A_93 = arith.constant 0 : i32
      %dma_wait3A_94 = arith.constant 0 : i32
      %dma_wait3A_95 = arith.constant 0 : i32
      %dma_wait3A_96 = arith.constant 0 : i32
      %dma_wait3A_97 = tpu.memref_slice %arg8[%dma_wait3A_93, %dma_wait3A_95, %dma_wait3A_96] : memref<2x80x128xf32, #tpu.memory_space<vmem>> -> memref<1x80x128xf32, #tpu.memory_space<vmem>>
      %dma_wait3A_98 = tpu.memref_squeeze %dma_wait3A_97 : memref<1x80x128xf32, #tpu.memory_space<vmem>> -> memref<80x128xf32, #tpu.memory_space<vmem>>
      %dma_wait3A_99 = arith.constant 0 : i32
      %dma_wait3A_100 = tpu.memref_slice %arg7[%dma_wait3A_94, %dma_wait3A_99] : memref<250x80xi32, #tpu.memory_space<vmem>> -> memref<1x80xi32, #tpu.memory_space<vmem>>
      %dma_wait3A_101 = tpu.memref_squeeze %dma_wait3A_100 : memref<1x80xi32, #tpu.memory_space<vmem>> -> memref<80xi32, #tpu.memory_space<vmem>>
      %dma_wait3A_102 = arith.constant 0 : i32
      %dma_wait3A_103 = arith.constant 0 : i32
      %dma_wait3A_104 = tpu.memref_slice %arg9[%dma_wait3A_102, %dma_wait3A_103] : memref<5120x128xf32, #tpu.memory_space<vmem_shared>> -> memref<5120x128xf32, #tpu.memory_space<vmem_shared>>
      tpu.wait_indirect_dma semaphore(%arg12 : memref<!tpu.dma_semaphore, #tpu.memory_space<semaphore_mem>>) src(%dma_wait3A_98 : memref<80x128xf32, #tpu.memory_space<vmem>>) dst(%dma_wait3A_104 : memref<5120x128xf32, #tpu.memory_space<vmem_shared>>)
      %lt3A = arith.constant 124 : i32
      %lt3A_105 = arith.cmpi slt, %scan3A_53, %lt3A : i32
      %convert_element_type3A_106 = arith.extui %lt3A_105 : i1 to i32
      %cond3A_107 = arith.constant 0 : i32
      %cond3A_108 = arith.cmpi ne, %convert_element_type3A_106, %cond3A_107 : i32
      scf.if %cond3A_108 {
        %add3A_132 = arith.constant 2 : i32
        %add3A_133 = arith.addi %mul3A_55, %add3A_132 : i32
        %dma_start3A_134 = arith.constant 0 : i32
        %dma_start3A_135 = arith.constant 0 : i32
        %dma_start3A_136 = arith.constant 0 : i32
        %dma_start3A_137 = tpu.memref_slice %arg8[%dma_start3A_134, %dma_start3A_135, %dma_start3A_136] : memref<2x80x128xf32, #tpu.memory_space<vmem>> -> memref<1x80x128xf32, #tpu.memory_space<vmem>>
        %dma_start3A_138 = tpu.memref_squeeze %dma_start3A_137 : memref<1x80x128xf32, #tpu.memory_space<vmem>> -> memref<80x128xf32, #tpu.memory_space<vmem>>
        %dma_start3A_139 = arith.constant 0 : i32
        %dma_start3A_140 = tpu.memref_slice %arg6[%add3A_133, %dma_start3A_139] : memref<250x80xi32, #tpu.memory_space<vmem>> -> memref<1x80xi32, #tpu.memory_space<vmem>>
        %dma_start3A_141 = tpu.memref_squeeze %dma_start3A_140 : memref<1x80xi32, #tpu.memory_space<vmem>> -> memref<80xi32, #tpu.memory_space<vmem>>
        %dma_start3A_142 = arith.constant 0 : i32
        %dma_start3A_143 = arith.constant 0 : i32
        %dma_start3A_144 = tpu.memref_slice %arg2[%dma_start3A_142, %dma_start3A_143] : memref<10000x128xf32, #tpu.memory_space<hbm>> -> memref<10000x128xf32, #tpu.memory_space<hbm>>
        tpu.enqueue_indirect_dma source(%dma_start3A_144 : memref<10000x128xf32, #tpu.memory_space<hbm>>) target(%dma_start3A_138 : memref<80x128xf32, #tpu.memory_space<vmem>>) offsets(%dma_start3A_141 : memref<80xi32, #tpu.memory_space<vmem>>) semaphore(%arg10 : memref<!tpu.dma_semaphore, #tpu.memory_space<semaphore_mem>>)
      } else {
      }
      %dma_wait3A_109 = arith.constant 0 : i32
      %dma_wait3A_110 = arith.constant 1 : i32
      %dma_wait3A_111 = arith.constant 0 : i32
      %dma_wait3A_112 = arith.constant 0 : i32
      %dma_wait3A_113 = tpu.memref_slice %arg8[%dma_wait3A_110, %dma_wait3A_111, %dma_wait3A_112] : memref<2x80x128xf32, #tpu.memory_space<vmem>> -> memref<1x80x128xf32, #tpu.memory_space<vmem>>
      %dma_wait3A_114 = tpu.memref_squeeze %dma_wait3A_113 : memref<1x80x128xf32, #tpu.memory_space<vmem>> -> memref<80x128xf32, #tpu.memory_space<vmem>>
      %dma_wait3A_115 = arith.constant 0 : i32
      %dma_wait3A_116 = tpu.memref_slice %arg6[%dma_wait3A_109, %dma_wait3A_115] : memref<250x80xi32, #tpu.memory_space<vmem>> -> memref<1x80xi32, #tpu.memory_space<vmem>>
      %dma_wait3A_117 = tpu.memref_squeeze %dma_wait3A_116 : memref<1x80xi32, #tpu.memory_space<vmem>> -> memref<80xi32, #tpu.memory_space<vmem>>
      %dma_wait3A_118 = arith.constant 0 : i32
      %dma_wait3A_119 = arith.constant 0 : i32
      %dma_wait3A_120 = tpu.memref_slice %arg2[%dma_wait3A_118, %dma_wait3A_119] : memref<10000x128xf32, #tpu.memory_space<hbm>> -> memref<10000x128xf32, #tpu.memory_space<hbm>>
      tpu.wait_indirect_dma semaphore(%arg11 : memref<!tpu.dma_semaphore, #tpu.memory_space<semaphore_mem>>) src(%dma_wait3A_120 : memref<10000x128xf32, #tpu.memory_space<hbm>>) dst(%dma_wait3A_114 : memref<80x128xf32, #tpu.memory_space<vmem>>)
      %dma_start3A_121 = arith.constant 1 : i32
      %dma_start3A_122 = arith.constant 0 : i32
      %dma_start3A_123 = arith.constant 0 : i32
      %dma_start3A_124 = tpu.memref_slice %arg8[%dma_start3A_121, %dma_start3A_122, %dma_start3A_123] : memref<2x80x128xf32, #tpu.memory_space<vmem>> -> memref<1x80x128xf32, #tpu.memory_space<vmem>>
      %dma_start3A_125 = tpu.memref_squeeze %dma_start3A_124 : memref<1x80x128xf32, #tpu.memory_space<vmem>> -> memref<80x128xf32, #tpu.memory_space<vmem>>
      %dma_start3A_126 = arith.constant 0 : i32
      %dma_start3A_127 = tpu.memref_slice %arg7[%add3A_56, %dma_start3A_126] : memref<250x80xi32, #tpu.memory_space<vmem>> -> memref<1x80xi32, #tpu.memory_space<vmem>>
      %dma_start3A_128 = tpu.memref_squeeze %dma_start3A_127 : memref<1x80xi32, #tpu.memory_space<vmem>> -> memref<80xi32, #tpu.memory_space<vmem>>
      %dma_start3A_129 = arith.constant 0 : i32
      %dma_start3A_130 = arith.constant 0 : i32
      %dma_start3A_131 = tpu.memref_slice %arg9[%dma_start3A_129, %dma_start3A_130] : memref<5120x128xf32, #tpu.memory_space<vmem_shared>> -> memref<5120x128xf32, #tpu.memory_space<vmem_shared>>
      tpu.enqueue_indirect_dma source(%dma_start3A_125 : memref<80x128xf32, #tpu.memory_space<vmem>>) target(%dma_start3A_131 : memref<5120x128xf32, #tpu.memory_space<vmem_shared>>) offsets(%dma_start3A_128 : memref<80xi32, #tpu.memory_space<vmem>>) semaphore(%arg13 : memref<!tpu.dma_semaphore, #tpu.memory_space<semaphore_mem>>) {add = true}
    }
    %scan3A_34 = arith.constant 125 : i32
    %dma_wait3A = arith.constant 1 : i32
    %dma_wait3A_35 = arith.constant 0 : i32
    %dma_wait3A_36 = arith.constant 0 : i32
    %dma_wait3A_37 = arith.constant 0 : i32
    %dma_wait3A_38 = tpu.memref_slice %arg8[%dma_wait3A, %dma_wait3A_36, %dma_wait3A_37] : memref<2x80x128xf32, #tpu.memory_space<vmem>> -> memref<1x80x128xf32, #tpu.memory_space<vmem>>
    %dma_wait3A_39 = tpu.memref_squeeze %dma_wait3A_38 : memref<1x80x128xf32, #tpu.memory_space<vmem>> -> memref<80x128xf32, #tpu.memory_space<vmem>>
    %dma_wait3A_40 = arith.constant 0 : i32
    %dma_wait3A_41 = tpu.memref_slice %arg7[%dma_wait3A_35, %dma_wait3A_40] : memref<250x80xi32, #tpu.memory_space<vmem>> -> memref<1x80xi32, #tpu.memory_space<vmem>>
    %dma_wait3A_42 = tpu.memref_squeeze %dma_wait3A_41 : memref<1x80xi32, #tpu.memory_space<vmem>> -> memref<80xi32, #tpu.memory_space<vmem>>
    %dma_wait3A_43 = arith.constant 0 : i32
    %dma_wait3A_44 = arith.constant 0 : i32
    %dma_wait3A_45 = tpu.memref_slice %arg9[%dma_wait3A_43, %dma_wait3A_44] : memref<5120x128xf32, #tpu.memory_space<vmem_shared>> -> memref<5120x128xf32, #tpu.memory_space<vmem_shared>>
    tpu.wait_indirect_dma semaphore(%arg13 : memref<!tpu.dma_semaphore, #tpu.memory_space<semaphore_mem>>) src(%dma_wait3A_39 : memref<80x128xf32, #tpu.memory_space<vmem>>) dst(%dma_wait3A_45 : memref<5120x128xf32, #tpu.memory_space<vmem_shared>>)
    %barrier3A_46 = arith.constant 0 : index
    tpu.barrier barrier_id(%barrier3A_46)
    %scan3A_47 = arith.constant 0 : i32
    %scan3A_48 = arith.constant 0 : i32
    %scan3A_49 = arith.constant 8 : i32
    %scan3A_50 = arith.addi %scan3A_48, %scan3A_49 : i32
    %scan3A_51 = arith.constant 1 : i32
    scf.for %scan3A_53 = %scan3A_48 to %scan3A_50 step %scan3A_51  : i32 {
      %mul3A_54 = arith.constant 320 : i32
      %mul3A_55 = arith.muli %arg1, %mul3A_54 : i32
      %mul3A_56 = arith.constant 40 : i32
      %mul3A_57 = arith.muli %scan3A_53, %mul3A_56 : i32
      %add3A = arith.addi %mul3A_55, %mul3A_57 : i32
      %lt3A = arith.constant 5000 : i32
      %lt3A_58 = arith.cmpi slt, %add3A, %lt3A : i32
      %convert_element_type3A = arith.extui %lt3A_58 : i1 to i32
      %cond3A = arith.constant 0 : i32
      %cond3A_59 = arith.cmpi ne, %convert_element_type3A, %cond3A : i32
      scf.if %cond3A_59 {
        %run_scoped3A = arith.constant 0 : i32
        "tpu.region"() ({
          %run_scoped3A_64 = tpu.sem_alloc : memref<!tpu.dma_semaphore, #tpu.memory_space<semaphore_mem>>
          %dma_start3A_65 = arith.constant 0 : i32
          %dma_start3A_66 = arith.constant 0 : i32
          %dma_start3A_67 = tpu.memref_slice %arg8[%run_scoped3A, %dma_start3A_65, %dma_start3A_66] : memref<2x80x128xf32, #tpu.memory_space<vmem>> -> memref<1x80x128xf32, #tpu.memory_space<vmem>>
          %dma_start3A_68 = tpu.memref_squeeze %dma_start3A_67 : memref<1x80x128xf32, #tpu.memory_space<vmem>> -> memref<80x128xf32, #tpu.memory_space<vmem>>
          %dma_start3A_69 = arith.constant 0 : i32
          %dma_start3A_70 = arith.constant 0 : i32
          %dma_start3A_71 = tpu.memref_slice %dma_start3A_68[%dma_start3A_69, %dma_start3A_70] : memref<80x128xf32, #tpu.memory_space<vmem>> -> memref<40x128xf32, #tpu.memory_space<vmem>>
          %dma_start3A_72 = arith.constant 0 : i32
          %dma_start3A_73 = tpu.memref_slice %arg9[%add3A, %dma_start3A_72] : memref<5120x128xf32, #tpu.memory_space<vmem_shared>> -> memref<40x128xf32, #tpu.memory_space<vmem_shared>>
          %dma_start3A_74 = arith.constant 0 : i32
          %dma_start3A_75 = arith.constant 0 : i32
          %dma_start3A_76 = tpu.memref_slice %arg8[%run_scoped3A, %dma_start3A_74, %dma_start3A_75] : memref<2x80x128xf32, #tpu.memory_space<vmem>> -> memref<1x80x128xf32, #tpu.memory_space<vmem>>
          %dma_start3A_77 = tpu.memref_squeeze %dma_start3A_76 : memref<1x80x128xf32, #tpu.memory_space<vmem>> -> memref<80x128xf32, #tpu.memory_space<vmem>>
          %dma_start3A_78 = arith.constant 0 : i32
          %dma_start3A_79 = arith.constant 0 : i32
          %dma_start3A_80 = tpu.memref_slice %dma_start3A_77[%dma_start3A_78, %dma_start3A_79] : memref<80x128xf32, #tpu.memory_space<vmem>> -> memref<40x128xf32, #tpu.memory_space<vmem>>
          %dma_start3A_81 = arith.constant 0 : i32
          %dma_start3A_82 = tpu.memref_slice %arg9[%add3A, %dma_start3A_81] : memref<5120x128xf32, #tpu.memory_space<vmem_shared>> -> memref<40x128xf32, #tpu.memory_space<vmem_shared>>
          tpu.enqueue_dma source(%dma_start3A_82 : memref<40x128xf32, #tpu.memory_space<vmem_shared>>) target(%dma_start3A_80 : memref<40x128xf32, #tpu.memory_space<vmem>>) target_semaphore(%run_scoped3A_64 : memref<!tpu.dma_semaphore, #tpu.memory_space<semaphore_mem>>)
          %dma_wait3A_83 = arith.constant 0 : i32
          %dma_wait3A_84 = arith.constant 0 : i32
          %dma_wait3A_85 = tpu.memref_slice %arg8[%run_scoped3A, %dma_wait3A_83, %dma_wait3A_84] : memref<2x80x128xf32, #tpu.memory_space<vmem>> -> memref<1x80x128xf32, #tpu.memory_space<vmem>>
          %dma_wait3A_86 = tpu.memref_squeeze %dma_wait3A_85 : memref<1x80x128xf32, #tpu.memory_space<vmem>> -> memref<80x128xf32, #tpu.memory_space<vmem>>
          %dma_wait3A_87 = arith.constant 0 : i32
          %dma_wait3A_88 = arith.constant 0 : i32
          %dma_wait3A_89 = tpu.memref_slice %dma_wait3A_86[%dma_wait3A_87, %dma_wait3A_88] : memref<80x128xf32, #tpu.memory_space<vmem>> -> memref<40x128xf32, #tpu.memory_space<vmem>>
          %dma_wait3A_90 = arith.constant 0 : i32
          %dma_wait3A_91 = tpu.memref_slice %arg9[%add3A, %dma_wait3A_90] : memref<5120x128xf32, #tpu.memory_space<vmem_shared>> -> memref<40x128xf32, #tpu.memory_space<vmem_shared>>
          %dma_wait3A_92 = arith.constant 0 : i32
          %dma_wait3A_93 = arith.constant 0 : i32
          %dma_wait3A_94 = tpu.memref_slice %arg8[%run_scoped3A, %dma_wait3A_92, %dma_wait3A_93] : memref<2x80x128xf32, #tpu.memory_space<vmem>> -> memref<1x80x128xf32, #tpu.memory_space<vmem>>
          %dma_wait3A_95 = tpu.memref_squeeze %dma_wait3A_94 : memref<1x80x128xf32, #tpu.memory_space<vmem>> -> memref<80x128xf32, #tpu.memory_space<vmem>>
          %dma_wait3A_96 = arith.constant 0 : i32
          %dma_wait3A_97 = arith.constant 0 : i32
          %dma_wait3A_98 = tpu.memref_slice %dma_wait3A_95[%dma_wait3A_96, %dma_wait3A_97] : memref<80x128xf32, #tpu.memory_space<vmem>> -> memref<40x128xf32, #tpu.memory_space<vmem>>
          %dma_wait3A_99 = arith.constant 0 : i32
          %dma_wait3A_100 = tpu.memref_slice %arg9[%add3A, %dma_wait3A_99] : memref<5120x128xf32, #tpu.memory_space<vmem_shared>> -> memref<40x128xf32, #tpu.memory_space<vmem_shared>>
          tpu.wait_dma2 semaphore(%run_scoped3A_64 : memref<!tpu.dma_semaphore, #tpu.memory_space<semaphore_mem>>) src(%dma_wait3A_100 : memref<40x128xf32, #tpu.memory_space<vmem_shared>>) dst(%dma_wait3A_98 : memref<40x128xf32, #tpu.memory_space<vmem>>)
          tpu.yield
        }) : () -> ()
        %mul3A_60 = arith.constant 5000 : i32
        %mul3A_61 = arith.muli %arg0, %mul3A_60 : i32
        %add3A_62 = arith.addi %mul3A_61, %add3A : i32
        %run_scoped3A_63 = arith.constant 0 : i32
        "tpu.region"() ({
          %run_scoped3A_64 = tpu.sem_alloc : memref<!tpu.dma_semaphore, #tpu.memory_space<semaphore_mem>>
          %dma_start3A_65 = arith.constant 0 : i32
          %dma_start3A_66 = arith.constant 0 : i32
          %dma_start3A_67 = tpu.memref_slice %arg8[%run_scoped3A_63, %dma_start3A_65, %dma_start3A_66] : memref<2x80x128xf32, #tpu.memory_space<vmem>> -> memref<1x80x128xf32, #tpu.memory_space<vmem>>
          %dma_start3A_68 = tpu.memref_squeeze %dma_start3A_67 : memref<1x80x128xf32, #tpu.memory_space<vmem>> -> memref<80x128xf32, #tpu.memory_space<vmem>>
          %dma_start3A_69 = arith.constant 0 : i32
          %dma_start3A_70 = arith.constant 0 : i32
          %dma_start3A_71 = tpu.memref_slice %dma_start3A_68[%dma_start3A_69, %dma_start3A_70] : memref<80x128xf32, #tpu.memory_space<vmem>> -> memref<40x128xf32, #tpu.memory_space<vmem>>
          %dma_start3A_72 = arith.constant 0 : i32
          %dma_start3A_73 = tpu.memref_slice %arg5[%add3A_62, %dma_start3A_72] : memref<10000x128xf32, #tpu.memory_space<hbm>> -> memref<40x128xf32, #tpu.memory_space<hbm>>
          %dma_start3A_74 = arith.constant 0 : i32
          %dma_start3A_75 = tpu.memref_slice %arg5[%add3A_62, %dma_start3A_74] : memref<10000x128xf32, #tpu.memory_space<hbm>> -> memref<40x128xf32, #tpu.memory_space<hbm>>
          %dma_start3A_76 = arith.constant 0 : i32
          %dma_start3A_77 = arith.constant 0 : i32
          %dma_start3A_78 = tpu.memref_slice %arg8[%run_scoped3A_63, %dma_start3A_76, %dma_start3A_77] : memref<2x80x128xf32, #tpu.memory_space<vmem>> -> memref<1x80x128xf32, #tpu.memory_space<vmem>>
          %dma_start3A_79 = tpu.memref_squeeze %dma_start3A_78 : memref<1x80x128xf32, #tpu.memory_space<vmem>> -> memref<80x128xf32, #tpu.memory_space<vmem>>
          %dma_start3A_80 = arith.constant 0 : i32
          %dma_start3A_81 = arith.constant 0 : i32
          %dma_start3A_82 = tpu.memref_slice %dma_start3A_79[%dma_start3A_80, %dma_start3A_81] : memref<80x128xf32, #tpu.memory_space<vmem>> -> memref<40x128xf32, #tpu.memory_space<vmem>>
          tpu.enqueue_dma source(%dma_start3A_82 : memref<40x128xf32, #tpu.memory_space<vmem>>) target(%dma_start3A_75 : memref<40x128xf32, #tpu.memory_space<hbm>>) target_semaphore(%run_scoped3A_64 : memref<!tpu.dma_semaphore, #tpu.memory_space<semaphore_mem>>)
          %dma_wait3A_83 = arith.constant 0 : i32
          %dma_wait3A_84 = arith.constant 0 : i32
          %dma_wait3A_85 = tpu.memref_slice %arg8[%run_scoped3A_63, %dma_wait3A_83, %dma_wait3A_84] : memref<2x80x128xf32, #tpu.memory_space<vmem>> -> memref<1x80x128xf32, #tpu.memory_space<vmem>>
          %dma_wait3A_86 = tpu.memref_squeeze %dma_wait3A_85 : memref<1x80x128xf32, #tpu.memory_space<vmem>> -> memref<80x128xf32, #tpu.memory_space<vmem>>
          %dma_wait3A_87 = arith.constant 0 : i32
          %dma_wait3A_88 = arith.constant 0 : i32
          %dma_wait3A_89 = tpu.memref_slice %dma_wait3A_86[%dma_wait3A_87, %dma_wait3A_88] : memref<80x128xf32, #tpu.memory_space<vmem>> -> memref<40x128xf32, #tpu.memory_space<vmem>>
          %dma_wait3A_90 = arith.constant 0 : i32
          %dma_wait3A_91 = tpu.memref_slice %arg5[%add3A_62, %dma_wait3A_90] : memref<10000x128xf32, #tpu.memory_space<hbm>> -> memref<40x128xf32, #tpu.memory_space<hbm>>
          %dma_wait3A_92 = arith.constant 0 : i32
          %dma_wait3A_93 = tpu.memref_slice %arg5[%add3A_62, %dma_wait3A_92] : memref<10000x128xf32, #tpu.memory_space<hbm>> -> memref<40x128xf32, #tpu.memory_space<hbm>>
          %dma_wait3A_94 = arith.constant 0 : i32
          %dma_wait3A_95 = arith.constant 0 : i32
          %dma_wait3A_96 = tpu.memref_slice %arg8[%run_scoped3A_63, %dma_wait3A_94, %dma_wait3A_95] : memref<2x80x128xf32, #tpu.memory_space<vmem>> -> memref<1x80x128xf32, #tpu.memory_space<vmem>>
          %dma_wait3A_97 = tpu.memref_squeeze %dma_wait3A_96 : memref<1x80x128xf32, #tpu.memory_space<vmem>> -> memref<80x128xf32, #tpu.memory_space<vmem>>
          %dma_wait3A_98 = arith.constant 0 : i32
          %dma_wait3A_99 = arith.constant 0 : i32
          %dma_wait3A_100 = tpu.memref_slice %dma_wait3A_97[%dma_wait3A_98, %dma_wait3A_99] : memref<80x128xf32, #tpu.memory_space<vmem>> -> memref<40x128xf32, #tpu.memory_space<vmem>>
          tpu.wait_dma2 semaphore(%run_scoped3A_64 : memref<!tpu.dma_semaphore, #tpu.memory_space<semaphore_mem>>) src(%dma_wait3A_100 : memref<40x128xf32, #tpu.memory_space<vmem>>) dst(%dma_wait3A_93 : memref<40x128xf32, #tpu.memory_space<hbm>>)
          tpu.yield
        }) : () -> ()
      } else {
      }
    }
    %scan3A_52 = arith.constant 8 : i32
    return
  }
}

#map = affine_map<(d0, d1) -> (0, 0, 0)>
#map1 = affine_map<(d0, d1) -> (0)>
module attributes {stable_mosaic.version = 14 : i64} {
  func.func @_sc_degree(%arg0: i32, %arg1: i32, %arg2: memref<32x125x80xi32, #tpu.memory_space<hbm>>, %arg3: memref<20000xf32, #tpu.memory_space<hbm>>, %arg4: memref<125x80xi32, #tpu.memory_space<vmem>>, %arg5: memref<80xf32, #tpu.memory_space<vmem>>, %arg6: memref<2000xf32, #tpu.memory_space<vmem>>, %arg7: memref<10000xf32, #tpu.memory_space<vmem_shared>>, %arg8: memref<!tpu.dma_semaphore, #tpu.memory_space<semaphore_mem>>) attributes {dimension_semantics = [#tpu.dimension_semantics<core_parallel>, #tpu.dimension_semantics<subcore_parallel>], iteration_bounds = array<i64: 2, 16>, scalar_prefetch = 0 : i64, scratch_operands = 5 : i64, tpu.core_type = #tpu.core_type<sc_vector_subcore>, window_params = [{transform_indices = #map}, {transform_indices = #map1}]} {
    %mul3A = arith.constant 16 : i32
    %mul3A_0 = arith.muli %arg0, %mul3A : i32
    %add3A = arith.addi %mul3A_0, %arg1 : i32
    %scan3A = arith.constant 0 : i32
    %scan3A_1 = arith.constant 0 : i32
    %scan3A_2 = arith.constant 125 : i32
    %scan3A_3 = arith.addi %scan3A_1, %scan3A_2 : i32
    %scan3A_4 = arith.constant 1 : i32
    scf.for %scan3A_48 = %scan3A_1 to %scan3A_3 step %scan3A_4  : i32 {
      %broadcast_in_dim3A_49 = arith.constant 0.000000e+00 : f32
      %broadcast_in_dim3A_50 = vector.broadcast %broadcast_in_dim3A_49 : f32 to vector<16xf32>
      %mul3A_51 = arith.constant 16 : i32
      %mul3A_52 = arith.muli %scan3A_48, %mul3A_51 : i32
      %swap3A_53 = arith.index_cast %mul3A_52 : i32 to index
      %swap3A_54 = tpu.vector_load %arg6[%swap3A_53] {strides = array<i32>} : memref<2000xf32, #tpu.memory_space<vmem>>, vector<16xf32>,
      %swap3A_55 = vector.shape_cast %swap3A_54 : vector<16xf32> to vector<16xf32>
      %swap3A_56 = vector.shape_cast %broadcast_in_dim3A_50 : vector<16xf32> to vector<16xf32>
      tpu.vector_store %arg6[%swap3A_53], %swap3A_56 {strides = array<i32>} : memref<2000xf32, #tpu.memory_space<vmem>>, vector<16xf32>,
    }
    %scan3A_5 = arith.constant 125 : i32
    %lt3A = arith.constant 5 : i32
    %lt3A_6 = arith.cmpi slt, %arg1, %lt3A : i32
    %convert_element_type3A = arith.extui %lt3A_6 : i1 to i32
    %cond3A = arith.constant 0 : i32
    %cond3A_7 = arith.cmpi ne, %convert_element_type3A, %cond3A : i32
    scf.if %cond3A_7 {
      %mul3A_48 = arith.constant 2000 : i32
      %mul3A_49 = arith.muli %arg1, %mul3A_48 : i32
      "tpu.region"() ({
        %run_scoped3A = tpu.sem_alloc : memref<!tpu.dma_semaphore, #tpu.memory_space<semaphore_mem>>
        %dma_start3A = tpu.memref_slice %arg7[%mul3A_49] : memref<10000xf32, #tpu.memory_space<vmem_shared>> -> memref<2000xf32, #tpu.memory_space<vmem_shared>>
        %dma_start3A_50 = tpu.memref_slice %arg7[%mul3A_49] : memref<10000xf32, #tpu.memory_space<vmem_shared>> -> memref<2000xf32, #tpu.memory_space<vmem_shared>>
        tpu.enqueue_dma source(%arg6 : memref<2000xf32, #tpu.memory_space<vmem>>) target(%dma_start3A_50 : memref<2000xf32, #tpu.memory_space<vmem_shared>>) target_semaphore(%run_scoped3A : memref<!tpu.dma_semaphore, #tpu.memory_space<semaphore_mem>>)
        %dma_wait3A = tpu.memref_slice %arg7[%mul3A_49] : memref<10000xf32, #tpu.memory_space<vmem_shared>> -> memref<2000xf32, #tpu.memory_space<vmem_shared>>
        %dma_wait3A_51 = tpu.memref_slice %arg7[%mul3A_49] : memref<10000xf32, #tpu.memory_space<vmem_shared>> -> memref<2000xf32, #tpu.memory_space<vmem_shared>>
        tpu.wait_dma2 semaphore(%run_scoped3A : memref<!tpu.dma_semaphore, #tpu.memory_space<semaphore_mem>>) src(%arg6 : memref<2000xf32, #tpu.memory_space<vmem>>) dst(%dma_wait3A_51 : memref<2000xf32, #tpu.memory_space<vmem_shared>>)
        tpu.yield
      }) : () -> ()
    } else {
    }
    %broadcast_in_dim3A = arith.constant 1.000000e+00 : f32
    %broadcast_in_dim3A_8 = vector.broadcast %broadcast_in_dim3A : f32 to vector<16xf32>
    %swap3A = arith.constant 0 : index
    %swap3A_9 = tpu.vector_load %arg5[%swap3A] {strides = array<i32>} : memref<80xf32, #tpu.memory_space<vmem>>, vector<16xf32>,
    %swap3A_10 = vector.shape_cast %swap3A_9 : vector<16xf32> to vector<16xf32>
    %swap3A_11 = vector.shape_cast %broadcast_in_dim3A_8 : vector<16xf32> to vector<16xf32>
    tpu.vector_store %arg5[%swap3A], %swap3A_11 {strides = array<i32>} : memref<80xf32, #tpu.memory_space<vmem>>, vector<16xf32>,
    %broadcast_in_dim3A_12 = arith.constant 1.000000e+00 : f32
    %broadcast_in_dim3A_13 = vector.broadcast %broadcast_in_dim3A_12 : f32 to vector<16xf32>
    %swap3A_14 = arith.constant 16 : index
    %swap3A_15 = tpu.vector_load %arg5[%swap3A_14] {strides = array<i32>} : memref<80xf32, #tpu.memory_space<vmem>>, vector<16xf32>,
    %swap3A_16 = vector.shape_cast %swap3A_15 : vector<16xf32> to vector<16xf32>
    %swap3A_17 = vector.shape_cast %broadcast_in_dim3A_13 : vector<16xf32> to vector<16xf32>
    tpu.vector_store %arg5[%swap3A_14], %swap3A_17 {strides = array<i32>} : memref<80xf32, #tpu.memory_space<vmem>>, vector<16xf32>,
    %broadcast_in_dim3A_18 = arith.constant 1.000000e+00 : f32
    %broadcast_in_dim3A_19 = vector.broadcast %broadcast_in_dim3A_18 : f32 to vector<16xf32>
    %swap3A_20 = arith.constant 32 : index
    %swap3A_21 = tpu.vector_load %arg5[%swap3A_20] {strides = array<i32>} : memref<80xf32, #tpu.memory_space<vmem>>, vector<16xf32>,
    %swap3A_22 = vector.shape_cast %swap3A_21 : vector<16xf32> to vector<16xf32>
    %swap3A_23 = vector.shape_cast %broadcast_in_dim3A_19 : vector<16xf32> to vector<16xf32>
    tpu.vector_store %arg5[%swap3A_20], %swap3A_23 {strides = array<i32>} : memref<80xf32, #tpu.memory_space<vmem>>, vector<16xf32>,
    %broadcast_in_dim3A_24 = arith.constant 1.000000e+00 : f32
    %broadcast_in_dim3A_25 = vector.broadcast %broadcast_in_dim3A_24 : f32 to vector<16xf32>
    %swap3A_26 = arith.constant 48 : index
    %swap3A_27 = tpu.vector_load %arg5[%swap3A_26] {strides = array<i32>} : memref<80xf32, #tpu.memory_space<vmem>>, vector<16xf32>,
    %swap3A_28 = vector.shape_cast %swap3A_27 : vector<16xf32> to vector<16xf32>
    %swap3A_29 = vector.shape_cast %broadcast_in_dim3A_25 : vector<16xf32> to vector<16xf32>
    tpu.vector_store %arg5[%swap3A_26], %swap3A_29 {strides = array<i32>} : memref<80xf32, #tpu.memory_space<vmem>>, vector<16xf32>,
    %broadcast_in_dim3A_30 = arith.constant 1.000000e+00 : f32
    %broadcast_in_dim3A_31 = vector.broadcast %broadcast_in_dim3A_30 : f32 to vector<16xf32>
    %swap3A_32 = arith.constant 64 : index
    %swap3A_33 = tpu.vector_load %arg5[%swap3A_32] {strides = array<i32>} : memref<80xf32, #tpu.memory_space<vmem>>, vector<16xf32>,
    %swap3A_34 = vector.shape_cast %swap3A_33 : vector<16xf32> to vector<16xf32>
    %swap3A_35 = vector.shape_cast %broadcast_in_dim3A_31 : vector<16xf32> to vector<16xf32>
    tpu.vector_store %arg5[%swap3A_32], %swap3A_35 {strides = array<i32>} : memref<80xf32, #tpu.memory_space<vmem>>, vector<16xf32>,
    "tpu.region"() ({
      %run_scoped3A = tpu.sem_alloc : memref<!tpu.dma_semaphore, #tpu.memory_space<semaphore_mem>>
      %dma_start3A = arith.constant 0 : i32
      %dma_start3A_48 = arith.constant 0 : i32
      %dma_start3A_49 = tpu.memref_slice %arg2[%add3A, %dma_start3A, %dma_start3A_48] : memref<32x125x80xi32, #tpu.memory_space<hbm>> -> memref<1x125x80xi32, #tpu.memory_space<hbm>>
      %dma_start3A_50 = tpu.memref_squeeze %dma_start3A_49 : memref<1x125x80xi32, #tpu.memory_space<hbm>> -> memref<125x80xi32, #tpu.memory_space<hbm>>
      %dma_start3A_51 = arith.constant 0 : i32
      %dma_start3A_52 = arith.constant 0 : i32
      %dma_start3A_53 = tpu.memref_slice %arg2[%add3A, %dma_start3A_51, %dma_start3A_52] : memref<32x125x80xi32, #tpu.memory_space<hbm>> -> memref<1x125x80xi32, #tpu.memory_space<hbm>>
      %dma_start3A_54 = tpu.memref_squeeze %dma_start3A_53 : memref<1x125x80xi32, #tpu.memory_space<hbm>> -> memref<125x80xi32, #tpu.memory_space<hbm>>
      tpu.enqueue_dma source(%dma_start3A_54 : memref<125x80xi32, #tpu.memory_space<hbm>>) target(%arg4 : memref<125x80xi32, #tpu.memory_space<vmem>>) target_semaphore(%run_scoped3A : memref<!tpu.dma_semaphore, #tpu.memory_space<semaphore_mem>>)
      %dma_wait3A = arith.constant 0 : i32
      %dma_wait3A_55 = arith.constant 0 : i32
      %dma_wait3A_56 = tpu.memref_slice %arg2[%add3A, %dma_wait3A, %dma_wait3A_55] : memref<32x125x80xi32, #tpu.memory_space<hbm>> -> memref<1x125x80xi32, #tpu.memory_space<hbm>>
      %dma_wait3A_57 = tpu.memref_squeeze %dma_wait3A_56 : memref<1x125x80xi32, #tpu.memory_space<hbm>> -> memref<125x80xi32, #tpu.memory_space<hbm>>
      %dma_wait3A_58 = arith.constant 0 : i32
      %dma_wait3A_59 = arith.constant 0 : i32
      %dma_wait3A_60 = tpu.memref_slice %arg2[%add3A, %dma_wait3A_58, %dma_wait3A_59] : memref<32x125x80xi32, #tpu.memory_space<hbm>> -> memref<1x125x80xi32, #tpu.memory_space<hbm>>
      %dma_wait3A_61 = tpu.memref_squeeze %dma_wait3A_60 : memref<1x125x80xi32, #tpu.memory_space<hbm>> -> memref<125x80xi32, #tpu.memory_space<hbm>>
      tpu.wait_dma2 semaphore(%run_scoped3A : memref<!tpu.dma_semaphore, #tpu.memory_space<semaphore_mem>>) src(%dma_wait3A_61 : memref<125x80xi32, #tpu.memory_space<hbm>>) dst(%arg4 : memref<125x80xi32, #tpu.memory_space<vmem>>)
      tpu.yield
    }) : () -> ()
    %barrier3A = arith.constant 0 : index
    tpu.barrier barrier_id(%barrier3A)
    %scan3A_36 = arith.constant 0 : i32
    %scan3A_37 = arith.constant 0 : i32
    %scan3A_38 = arith.constant 125 : i32
    %scan3A_39 = arith.addi %scan3A_37, %scan3A_38 : i32
    %scan3A_40 = arith.constant 1 : i32
    scf.for %scan3A_48 = %scan3A_37 to %scan3A_39 step %scan3A_40  : i32 {
      %dma_start3A = arith.constant 0 : i32
      %dma_start3A_49 = tpu.memref_slice %arg4[%scan3A_48, %dma_start3A] : memref<125x80xi32, #tpu.memory_space<vmem>> -> memref<1x80xi32, #tpu.memory_space<vmem>>
      %dma_start3A_50 = tpu.memref_squeeze %dma_start3A_49 : memref<1x80xi32, #tpu.memory_space<vmem>> -> memref<80xi32, #tpu.memory_space<vmem>>
      %dma_start3A_51 = arith.constant 0 : i32
      %dma_start3A_52 = tpu.memref_slice %arg7[%dma_start3A_51] : memref<10000xf32, #tpu.memory_space<vmem_shared>> -> memref<10000xf32, #tpu.memory_space<vmem_shared>>
      tpu.enqueue_indirect_dma source(%arg5 : memref<80xf32, #tpu.memory_space<vmem>>) target(%dma_start3A_52 : memref<10000xf32, #tpu.memory_space<vmem_shared>>) offsets(%dma_start3A_50 : memref<80xi32, #tpu.memory_space<vmem>>) semaphore(%arg8 : memref<!tpu.dma_semaphore, #tpu.memory_space<semaphore_mem>>) {add = true}
      %dma_wait3A = arith.constant 0 : i32
      %dma_wait3A_53 = tpu.memref_slice %arg4[%scan3A_48, %dma_wait3A] : memref<125x80xi32, #tpu.memory_space<vmem>> -> memref<1x80xi32, #tpu.memory_space<vmem>>
      %dma_wait3A_54 = tpu.memref_squeeze %dma_wait3A_53 : memref<1x80xi32, #tpu.memory_space<vmem>> -> memref<80xi32, #tpu.memory_space<vmem>>
      %dma_wait3A_55 = arith.constant 0 : i32
      %dma_wait3A_56 = tpu.memref_slice %arg7[%dma_wait3A_55] : memref<10000xf32, #tpu.memory_space<vmem_shared>> -> memref<10000xf32, #tpu.memory_space<vmem_shared>>
      tpu.wait_indirect_dma semaphore(%arg8 : memref<!tpu.dma_semaphore, #tpu.memory_space<semaphore_mem>>) src(%arg5 : memref<80xf32, #tpu.memory_space<vmem>>) dst(%dma_wait3A_56 : memref<10000xf32, #tpu.memory_space<vmem_shared>>)
    }
    %scan3A_41 = arith.constant 125 : i32
    %barrier3A_42 = arith.constant 0 : index
    tpu.barrier barrier_id(%barrier3A_42)
    %lt3A_43 = arith.constant 5 : i32
    %lt3A_44 = arith.cmpi slt, %arg1, %lt3A_43 : i32
    %convert_element_type3A_45 = arith.extui %lt3A_44 : i1 to i32
    %cond3A_46 = arith.constant 0 : i32
    %cond3A_47 = arith.cmpi ne, %convert_element_type3A_45, %cond3A_46 : i32
    scf.if %cond3A_47 {
      %mul3A_48 = arith.constant 2000 : i32
      %mul3A_49 = arith.muli %arg1, %mul3A_48 : i32
      "tpu.region"() ({
        %run_scoped3A = tpu.sem_alloc : memref<!tpu.dma_semaphore, #tpu.memory_space<semaphore_mem>>
        %dma_start3A = tpu.memref_slice %arg7[%mul3A_49] : memref<10000xf32, #tpu.memory_space<vmem_shared>> -> memref<2000xf32, #tpu.memory_space<vmem_shared>>
        %dma_start3A_55 = tpu.memref_slice %arg7[%mul3A_49] : memref<10000xf32, #tpu.memory_space<vmem_shared>> -> memref<2000xf32, #tpu.memory_space<vmem_shared>>
        tpu.enqueue_dma source(%dma_start3A_55 : memref<2000xf32, #tpu.memory_space<vmem_shared>>) target(%arg6 : memref<2000xf32, #tpu.memory_space<vmem>>) target_semaphore(%run_scoped3A : memref<!tpu.dma_semaphore, #tpu.memory_space<semaphore_mem>>)
        %dma_wait3A = tpu.memref_slice %arg7[%mul3A_49] : memref<10000xf32, #tpu.memory_space<vmem_shared>> -> memref<2000xf32, #tpu.memory_space<vmem_shared>>
        %dma_wait3A_56 = tpu.memref_slice %arg7[%mul3A_49] : memref<10000xf32, #tpu.memory_space<vmem_shared>> -> memref<2000xf32, #tpu.memory_space<vmem_shared>>
        tpu.wait_dma2 semaphore(%run_scoped3A : memref<!tpu.dma_semaphore, #tpu.memory_space<semaphore_mem>>) src(%dma_wait3A_56 : memref<2000xf32, #tpu.memory_space<vmem_shared>>) dst(%arg6 : memref<2000xf32, #tpu.memory_space<vmem>>)
        tpu.yield
      }) : () -> ()
      %mul3A_50 = arith.constant 10000 : i32
      %mul3A_51 = arith.muli %arg0, %mul3A_50 : i32
      %mul3A_52 = arith.constant 2000 : i32
      %mul3A_53 = arith.muli %arg1, %mul3A_52 : i32
      %add3A_54 = arith.addi %mul3A_51, %mul3A_53 : i32
      "tpu.region"() ({
        %run_scoped3A = tpu.sem_alloc : memref<!tpu.dma_semaphore, #tpu.memory_space<semaphore_mem>>
        %dma_start3A = tpu.memref_slice %arg3[%add3A_54] : memref<20000xf32, #tpu.memory_space<hbm>> -> memref<2000xf32, #tpu.memory_space<hbm>>
        %dma_start3A_55 = tpu.memref_slice %arg3[%add3A_54] : memref<20000xf32, #tpu.memory_space<hbm>> -> memref<2000xf32, #tpu.memory_space<hbm>>
        tpu.enqueue_dma source(%arg6 : memref<2000xf32, #tpu.memory_space<vmem>>) target(%dma_start3A_55 : memref<2000xf32, #tpu.memory_space<hbm>>) target_semaphore(%run_scoped3A : memref<!tpu.dma_semaphore, #tpu.memory_space<semaphore_mem>>)
        %dma_wait3A = tpu.memref_slice %arg3[%add3A_54] : memref<20000xf32, #tpu.memory_space<hbm>> -> memref<2000xf32, #tpu.memory_space<hbm>>
        %dma_wait3A_56 = tpu.memref_slice %arg3[%add3A_54] : memref<20000xf32, #tpu.memory_space<hbm>> -> memref<2000xf32, #tpu.memory_space<hbm>>
        tpu.wait_dma2 semaphore(%run_scoped3A : memref<!tpu.dma_semaphore, #tpu.memory_space<semaphore_mem>>) src(%arg6 : memref<2000xf32, #tpu.memory_space<vmem>>) dst(%dma_wait3A_56 : memref<2000xf32, #tpu.memory_space<hbm>>)
        tpu.yield
      }) : () -> ()
    } else {
    }
    return
  }
}

#map = affine_map<(d0, d1) -> (0, 0)>
#map1 = affine_map<(d0, d1) -> (0, 0, 0)>
module attributes {stable_mosaic.version = 14 : i64} {
  func.func @_sc_scatter(%arg0: i32, %arg1: i32, %arg2: memref<10000x128xf32, #tpu.memory_space<hbm>>, %arg3: memref<16x250x80xi32, #tpu.memory_space<hbm>>, %arg4: memref<16x250x80xi32, #tpu.memory_space<hbm>>, %arg5: memref<10000x128xf32, #tpu.memory_space<hbm>>, %arg6: memref<250x80xi32, #tpu.memory_space<vmem>>, %arg7: memref<250x80xi32, #tpu.memory_space<vmem>>, %arg8: memref<2x80x128xf32, #tpu.memory_space<vmem>>, %arg9: memref<5120x128xf32, #tpu.memory_space<vmem_shared>>, %arg10: memref<!tpu.dma_semaphore, #tpu.memory_space<semaphore_mem>>, %arg11: memref<!tpu.dma_semaphore, #tpu.memory_space<semaphore_mem>>, %arg12: memref<!tpu.dma_semaphore, #tpu.memory_space<semaphore_mem>>, %arg13: memref<!tpu.dma_semaphore, #tpu.memory_space<semaphore_mem>>) attributes {dimension_semantics = [#tpu.dimension_semantics<core_parallel>, #tpu.dimension_semantics<subcore_parallel>], iteration_bounds = array<i64: 2, 16>, scalar_prefetch = 0 : i64, scratch_operands = 8 : i64, tpu.core_type = #tpu.core_type<sc_vector_subcore>, window_params = [{transform_indices = #map}, {transform_indices = #map1}, {transform_indices = #map1}, {transform_indices = #map}]} {
    %scan3A = arith.constant 0 : i32
    %scan3A_0 = arith.constant 0 : i32
    %scan3A_1 = arith.constant 80 : i32
    %scan3A_2 = arith.addi %scan3A_0, %scan3A_1 : i32
    %scan3A_3 = arith.constant 1 : i32
    scf.for %scan3A_53 = %scan3A_0 to %scan3A_2 step %scan3A_3  : i32 {
      %scan3A_54 = arith.constant 0 : i32
      %scan3A_55 = arith.constant 8 : i32
      %scan3A_56 = arith.addi %scan3A_54, %scan3A_55 : i32
      %scan3A_57 = arith.constant 1 : i32
      scf.for %scan3A_59 = %scan3A_54 to %scan3A_56 step %scan3A_57  : i32 {
        %broadcast_in_dim3A = arith.constant 0.000000e+00 : f32
        %broadcast_in_dim3A_60 = vector.broadcast %broadcast_in_dim3A : f32 to vector<16xf32>
        %mul3A_61 = arith.constant 16 : i32
        %mul3A_62 = arith.muli %scan3A_59, %mul3A_61 : i32
        %swap3A = arith.constant 0 : i32
        %swap3A_63 = arith.index_cast %swap3A : i32 to index
        %swap3A_64 = arith.index_cast %scan3A_53 : i32 to index
        %swap3A_65 = arith.index_cast %mul3A_62 : i32 to index
        %swap3A_66 = tpu.vector_load %arg8[%swap3A_63, %swap3A_64, %swap3A_65] {strides = array<i32>} : memref<2x80x128xf32, #tpu.memory_space<vmem>>, vector<1x1x16xf32>,
        %swap3A_67 = vector.shape_cast %swap3A_66 : vector<1x1x16xf32> to vector<16xf32>
        %swap3A_68 = vector.shape_cast %broadcast_in_dim3A_60 : vector<16xf32> to vector<1x1x16xf32>
        tpu.vector_store %arg8[%swap3A_63, %swap3A_64, %swap3A_65], %swap3A_68 {strides = array<i32>} : memref<2x80x128xf32, #tpu.memory_space<vmem>>, vector<1x1x16xf32>,
      }
      %scan3A_58 = arith.constant 8 : i32
    }
    %scan3A_4 = arith.constant 80 : i32
    %scan3A_5 = arith.constant 0 : i32
    %scan3A_6 = arith.constant 0 : i32
    %scan3A_7 = arith.constant 4 : i32
    %scan3A_8 = arith.addi %scan3A_6, %scan3A_7 : i32
    %scan3A_9 = arith.constant 1 : i32
    scf.for %scan3A_53 = %scan3A_6 to %scan3A_8 step %scan3A_9  : i32 {
      %mul3A_54 = arith.constant 320 : i32
      %mul3A_55 = arith.muli %arg1, %mul3A_54 : i32
      %mul3A_56 = arith.constant 80 : i32
      %mul3A_57 = arith.muli %scan3A_53, %mul3A_56 : i32
      %add3A = arith.addi %mul3A_55, %mul3A_57 : i32
      %run_scoped3A = arith.constant 0 : i32
      "tpu.region"() ({
        %run_scoped3A_58 = tpu.sem_alloc : memref<!tpu.dma_semaphore, #tpu.memory_space<semaphore_mem>>
        %dma_start3A_59 = arith.constant 0 : i32
        %dma_start3A_60 = arith.constant 0 : i32
        %dma_start3A_61 = tpu.memref_slice %arg8[%run_scoped3A, %dma_start3A_59, %dma_start3A_60] : memref<2x80x128xf32, #tpu.memory_space<vmem>> -> memref<1x80x128xf32, #tpu.memory_space<vmem>>
        %dma_start3A_62 = tpu.memref_squeeze %dma_start3A_61 : memref<1x80x128xf32, #tpu.memory_space<vmem>> -> memref<80x128xf32, #tpu.memory_space<vmem>>
        %dma_start3A_63 = arith.constant 0 : i32
        %dma_start3A_64 = tpu.memref_slice %arg9[%add3A, %dma_start3A_63] : memref<5120x128xf32, #tpu.memory_space<vmem_shared>> -> memref<80x128xf32, #tpu.memory_space<vmem_shared>>
        %dma_start3A_65 = arith.constant 0 : i32
        %dma_start3A_66 = tpu.memref_slice %arg9[%add3A, %dma_start3A_65] : memref<5120x128xf32, #tpu.memory_space<vmem_shared>> -> memref<80x128xf32, #tpu.memory_space<vmem_shared>>
        %dma_start3A_67 = arith.constant 0 : i32
        %dma_start3A_68 = arith.constant 0 : i32
        %dma_start3A_69 = tpu.memref_slice %arg8[%run_scoped3A, %dma_start3A_67, %dma_start3A_68] : memref<2x80x128xf32, #tpu.memory_space<vmem>> -> memref<1x80x128xf32, #tpu.memory_space<vmem>>
        %dma_start3A_70 = tpu.memref_squeeze %dma_start3A_69 : memref<1x80x128xf32, #tpu.memory_space<vmem>> -> memref<80x128xf32, #tpu.memory_space<vmem>>
        tpu.enqueue_dma source(%dma_start3A_70 : memref<80x128xf32, #tpu.memory_space<vmem>>) target(%dma_start3A_66 : memref<80x128xf32, #tpu.memory_space<vmem_shared>>) target_semaphore(%run_scoped3A_58 : memref<!tpu.dma_semaphore, #tpu.memory_space<semaphore_mem>>)
        %dma_wait3A_71 = arith.constant 0 : i32
        %dma_wait3A_72 = arith.constant 0 : i32
        %dma_wait3A_73 = tpu.memref_slice %arg8[%run_scoped3A, %dma_wait3A_71, %dma_wait3A_72] : memref<2x80x128xf32, #tpu.memory_space<vmem>> -> memref<1x80x128xf32, #tpu.memory_space<vmem>>
        %dma_wait3A_74 = tpu.memref_squeeze %dma_wait3A_73 : memref<1x80x128xf32, #tpu.memory_space<vmem>> -> memref<80x128xf32, #tpu.memory_space<vmem>>
        %dma_wait3A_75 = arith.constant 0 : i32
        %dma_wait3A_76 = tpu.memref_slice %arg9[%add3A, %dma_wait3A_75] : memref<5120x128xf32, #tpu.memory_space<vmem_shared>> -> memref<80x128xf32, #tpu.memory_space<vmem_shared>>
        %dma_wait3A_77 = arith.constant 0 : i32
        %dma_wait3A_78 = tpu.memref_slice %arg9[%add3A, %dma_wait3A_77] : memref<5120x128xf32, #tpu.memory_space<vmem_shared>> -> memref<80x128xf32, #tpu.memory_space<vmem_shared>>
        %dma_wait3A_79 = arith.constant 0 : i32
        %dma_wait3A_80 = arith.constant 0 : i32
        %dma_wait3A_81 = tpu.memref_slice %arg8[%run_scoped3A, %dma_wait3A_79, %dma_wait3A_80] : memref<2x80x128xf32, #tpu.memory_space<vmem>> -> memref<1x80x128xf32, #tpu.memory_space<vmem>>
        %dma_wait3A_82 = tpu.memref_squeeze %dma_wait3A_81 : memref<1x80x128xf32, #tpu.memory_space<vmem>> -> memref<80x128xf32, #tpu.memory_space<vmem>>
        tpu.wait_dma2 semaphore(%run_scoped3A_58 : memref<!tpu.dma_semaphore, #tpu.memory_space<semaphore_mem>>) src(%dma_wait3A_82 : memref<80x128xf32, #tpu.memory_space<vmem>>) dst(%dma_wait3A_78 : memref<80x128xf32, #tpu.memory_space<vmem_shared>>)
        tpu.yield
      }) : () -> ()
    }
    %scan3A_10 = arith.constant 4 : i32
    "tpu.region"() ({
      %run_scoped3A = tpu.sem_alloc : memref<!tpu.dma_semaphore, #tpu.memory_space<semaphore_mem>>
      %dma_start3A_53 = arith.constant 0 : i32
      %dma_start3A_54 = arith.constant 0 : i32
      %dma_start3A_55 = tpu.memref_slice %arg3[%arg1, %dma_start3A_53, %dma_start3A_54] : memref<16x250x80xi32, #tpu.memory_space<hbm>> -> memref<1x250x80xi32, #tpu.memory_space<hbm>>
      %dma_start3A_56 = tpu.memref_squeeze %dma_start3A_55 : memref<1x250x80xi32, #tpu.memory_space<hbm>> -> memref<250x80xi32, #tpu.memory_space<hbm>>
      %dma_start3A_57 = arith.constant 0 : i32
      %dma_start3A_58 = arith.constant 0 : i32
      %dma_start3A_59 = tpu.memref_slice %arg3[%arg1, %dma_start3A_57, %dma_start3A_58] : memref<16x250x80xi32, #tpu.memory_space<hbm>> -> memref<1x250x80xi32, #tpu.memory_space<hbm>>
      %dma_start3A_60 = tpu.memref_squeeze %dma_start3A_59 : memref<1x250x80xi32, #tpu.memory_space<hbm>> -> memref<250x80xi32, #tpu.memory_space<hbm>>
      tpu.enqueue_dma source(%dma_start3A_60 : memref<250x80xi32, #tpu.memory_space<hbm>>) target(%arg6 : memref<250x80xi32, #tpu.memory_space<vmem>>) target_semaphore(%run_scoped3A : memref<!tpu.dma_semaphore, #tpu.memory_space<semaphore_mem>>)
      %dma_wait3A_61 = arith.constant 0 : i32
      %dma_wait3A_62 = arith.constant 0 : i32
      %dma_wait3A_63 = tpu.memref_slice %arg3[%arg1, %dma_wait3A_61, %dma_wait3A_62] : memref<16x250x80xi32, #tpu.memory_space<hbm>> -> memref<1x250x80xi32, #tpu.memory_space<hbm>>
      %dma_wait3A_64 = tpu.memref_squeeze %dma_wait3A_63 : memref<1x250x80xi32, #tpu.memory_space<hbm>> -> memref<250x80xi32, #tpu.memory_space<hbm>>
      %dma_wait3A_65 = arith.constant 0 : i32
      %dma_wait3A_66 = arith.constant 0 : i32
      %dma_wait3A_67 = tpu.memref_slice %arg3[%arg1, %dma_wait3A_65, %dma_wait3A_66] : memref<16x250x80xi32, #tpu.memory_space<hbm>> -> memref<1x250x80xi32, #tpu.memory_space<hbm>>
      %dma_wait3A_68 = tpu.memref_squeeze %dma_wait3A_67 : memref<1x250x80xi32, #tpu.memory_space<hbm>> -> memref<250x80xi32, #tpu.memory_space<hbm>>
      tpu.wait_dma2 semaphore(%run_scoped3A : memref<!tpu.dma_semaphore, #tpu.memory_space<semaphore_mem>>) src(%dma_wait3A_68 : memref<250x80xi32, #tpu.memory_space<hbm>>) dst(%arg6 : memref<250x80xi32, #tpu.memory_space<vmem>>)
      tpu.yield
    }) : () -> ()
    "tpu.region"() ({
      %run_scoped3A = tpu.sem_alloc : memref<!tpu.dma_semaphore, #tpu.memory_space<semaphore_mem>>
      %dma_start3A_53 = arith.constant 0 : i32
      %dma_start3A_54 = arith.constant 0 : i32
      %dma_start3A_55 = tpu.memref_slice %arg4[%arg1, %dma_start3A_53, %dma_start3A_54] : memref<16x250x80xi32, #tpu.memory_space<hbm>> -> memref<1x250x80xi32, #tpu.memory_space<hbm>>
      %dma_start3A_56 = tpu.memref_squeeze %dma_start3A_55 : memref<1x250x80xi32, #tpu.memory_space<hbm>> -> memref<250x80xi32, #tpu.memory_space<hbm>>
      %dma_start3A_57 = arith.constant 0 : i32
      %dma_start3A_58 = arith.constant 0 : i32
      %dma_start3A_59 = tpu.memref_slice %arg4[%arg1, %dma_start3A_57, %dma_start3A_58] : memref<16x250x80xi32, #tpu.memory_space<hbm>> -> memref<1x250x80xi32, #tpu.memory_space<hbm>>
      %dma_start3A_60 = tpu.memref_squeeze %dma_start3A_59 : memref<1x250x80xi32, #tpu.memory_space<hbm>> -> memref<250x80xi32, #tpu.memory_space<hbm>>
      tpu.enqueue_dma source(%dma_start3A_60 : memref<250x80xi32, #tpu.memory_space<hbm>>) target(%arg7 : memref<250x80xi32, #tpu.memory_space<vmem>>) target_semaphore(%run_scoped3A : memref<!tpu.dma_semaphore, #tpu.memory_space<semaphore_mem>>)
      %dma_wait3A_61 = arith.constant 0 : i32
      %dma_wait3A_62 = arith.constant 0 : i32
      %dma_wait3A_63 = tpu.memref_slice %arg4[%arg1, %dma_wait3A_61, %dma_wait3A_62] : memref<16x250x80xi32, #tpu.memory_space<hbm>> -> memref<1x250x80xi32, #tpu.memory_space<hbm>>
      %dma_wait3A_64 = tpu.memref_squeeze %dma_wait3A_63 : memref<1x250x80xi32, #tpu.memory_space<hbm>> -> memref<250x80xi32, #tpu.memory_space<hbm>>
      %dma_wait3A_65 = arith.constant 0 : i32
      %dma_wait3A_66 = arith.constant 0 : i32
      %dma_wait3A_67 = tpu.memref_slice %arg4[%arg1, %dma_wait3A_65, %dma_wait3A_66] : memref<16x250x80xi32, #tpu.memory_space<hbm>> -> memref<1x250x80xi32, #tpu.memory_space<hbm>>
      %dma_wait3A_68 = tpu.memref_squeeze %dma_wait3A_67 : memref<1x250x80xi32, #tpu.memory_space<hbm>> -> memref<250x80xi32, #tpu.memory_space<hbm>>
      tpu.wait_dma2 semaphore(%run_scoped3A : memref<!tpu.dma_semaphore, #tpu.memory_space<semaphore_mem>>) src(%dma_wait3A_68 : memref<250x80xi32, #tpu.memory_space<hbm>>) dst(%arg7 : memref<250x80xi32, #tpu.memory_space<vmem>>)
      tpu.yield
    }) : () -> ()
    %mul3A = arith.constant 5000 : i32
    %mul3A_11 = arith.muli %arg0, %mul3A : i32
    %scan3A_12 = arith.constant 0 : i32
    %scan3A_13 = arith.constant 0 : i32
    %scan3A_14 = arith.constant 250 : i32
    %scan3A_15 = arith.addi %scan3A_13, %scan3A_14 : i32
    %scan3A_16 = arith.constant 1 : i32
    scf.for %scan3A_53 = %scan3A_13 to %scan3A_15 step %scan3A_16  : i32 {
      %scan3A_54 = arith.constant 0 : i32
      %scan3A_55 = arith.constant 5 : i32
      %scan3A_56 = arith.addi %scan3A_54, %scan3A_55 : i32
      %scan3A_57 = arith.constant 1 : i32
      scf.for %scan3A_59 = %scan3A_54 to %scan3A_56 step %scan3A_57  : i32 {
        %mul3A_60 = arith.constant 16 : i32
        %mul3A_61 = arith.muli %scan3A_59, %mul3A_60 : i32
        %get3A = arith.index_cast %scan3A_53 : i32 to index
        %get3A_62 = arith.index_cast %mul3A_61 : i32 to index
        %get3A_63 = tpu.vector_load %arg7[%get3A, %get3A_62] {strides = array<i32>} : memref<250x80xi32, #tpu.memory_space<vmem>>, vector<1x16xi32>,
        %get3A_64 = vector.shape_cast %get3A_63 : vector<1x16xi32> to vector<16xi32>
        %sub3A = vector.broadcast %mul3A_11 : i32 to vector<16xi32>
        %sub3A_65 = arith.subi %get3A_64, %sub3A : vector<16xi32>
        %ge3A = arith.constant 0 : i32
        %ge3A_66 = vector.broadcast %ge3A : i32 to vector<16xi32>
        %ge3A_67 = arith.cmpi sge, %sub3A_65, %ge3A_66 : vector<16xi32>
        %lt3A = arith.constant 5000 : i32
        %lt3A_68 = vector.broadcast %lt3A : i32 to vector<16xi32>
        %lt3A_69 = arith.cmpi slt, %sub3A_65, %lt3A_68 : vector<16xi32>
        %and3A = arith.andi %ge3A_67, %lt3A_69 : vector<16xi1>
        %broadcast_in_dim3A = arith.constant 5000 : i32
        %broadcast_in_dim3A_70 = vector.broadcast %broadcast_in_dim3A : i32 to vector<16xi32>
        %select_n3A = arith.select %and3A, %sub3A_65, %broadcast_in_dim3A_70 : vector<16xi1>, vector<16xi32>
        %mul3A_71 = arith.constant 16 : i32
        %mul3A_72 = arith.muli %scan3A_59, %mul3A_71 : i32
        %swap3A = arith.index_cast %scan3A_53 : i32 to index
        %swap3A_73 = arith.index_cast %mul3A_72 : i32 to index
        %swap3A_74 = tpu.vector_load %arg7[%swap3A, %swap3A_73] {strides = array<i32>} : memref<250x80xi32, #tpu.memory_space<vmem>>, vector<1x16xi32>,
        %swap3A_75 = vector.shape_cast %swap3A_74 : vector<1x16xi32> to vector<16xi32>
        %swap3A_76 = vector.shape_cast %select_n3A : vector<16xi32> to vector<1x16xi32>
        tpu.vector_store %arg7[%swap3A, %swap3A_73], %swap3A_76 {strides = array<i32>} : memref<250x80xi32, #tpu.memory_space<vmem>>, vector<1x16xi32>,
      }
      %scan3A_58 = arith.constant 5 : i32
    }
    %scan3A_17 = arith.constant 250 : i32
    %barrier3A = arith.constant 0 : index
    tpu.barrier barrier_id(%barrier3A)
    %dma_start3A = arith.constant 0 : i32
    %dma_start3A_18 = arith.constant 0 : i32
    %dma_start3A_19 = arith.constant 0 : i32
    %dma_start3A_20 = arith.constant 0 : i32
    %dma_start3A_21 = tpu.memref_slice %arg8[%dma_start3A_18, %dma_start3A_19, %dma_start3A_20] : memref<2x80x128xf32, #tpu.memory_space<vmem>> -> memref<1x80x128xf32, #tpu.memory_space<vmem>>
    %dma_start3A_22 = tpu.memref_squeeze %dma_start3A_21 : memref<1x80x128xf32, #tpu.memory_space<vmem>> -> memref<80x128xf32, #tpu.memory_space<vmem>>
    %dma_start3A_23 = arith.constant 0 : i32
    %dma_start3A_24 = tpu.memref_slice %arg6[%dma_start3A, %dma_start3A_23] : memref<250x80xi32, #tpu.memory_space<vmem>> -> memref<1x80xi32, #tpu.memory_space<vmem>>
    %dma_start3A_25 = tpu.memref_squeeze %dma_start3A_24 : memref<1x80xi32, #tpu.memory_space<vmem>> -> memref<80xi32, #tpu.memory_space<vmem>>
    %dma_start3A_26 = arith.constant 0 : i32
    %dma_start3A_27 = arith.constant 0 : i32
    %dma_start3A_28 = tpu.memref_slice %arg2[%dma_start3A_26, %dma_start3A_27] : memref<10000x128xf32, #tpu.memory_space<hbm>> -> memref<10000x128xf32, #tpu.memory_space<hbm>>
    tpu.enqueue_indirect_dma source(%dma_start3A_28 : memref<10000x128xf32, #tpu.memory_space<hbm>>) target(%dma_start3A_22 : memref<80x128xf32, #tpu.memory_space<vmem>>) offsets(%dma_start3A_25 : memref<80xi32, #tpu.memory_space<vmem>>) semaphore(%arg10 : memref<!tpu.dma_semaphore, #tpu.memory_space<semaphore_mem>>)
    %scan3A_29 = arith.constant 0 : i32
    %scan3A_30 = arith.constant 0 : i32
    %scan3A_31 = arith.constant 125 : i32
    %scan3A_32 = arith.addi %scan3A_30, %scan3A_31 : i32
    %scan3A_33 = arith.constant 1 : i32
    scf.for %scan3A_53 = %scan3A_30 to %scan3A_32 step %scan3A_33  : i32 {
      %mul3A_54 = arith.constant 2 : i32
      %mul3A_55 = arith.muli %scan3A_53, %mul3A_54 : i32
      %add3A = arith.constant 1 : i32
      %add3A_56 = arith.addi %mul3A_55, %add3A : i32
      %gt3A = arith.constant 0 : i32
      %gt3A_57 = arith.cmpi sgt, %scan3A_53, %gt3A : i32
      %convert_element_type3A = arith.extui %gt3A_57 : i1 to i32
      %cond3A = arith.constant 0 : i32
      %cond3A_58 = arith.cmpi ne, %convert_element_type3A, %cond3A : i32
      scf.if %cond3A_58 {
        %dma_wait3A_132 = arith.constant 1 : i32
        %dma_wait3A_133 = arith.constant 0 : i32
        %dma_wait3A_134 = arith.constant 0 : i32
        %dma_wait3A_135 = arith.constant 0 : i32
        %dma_wait3A_136 = tpu.memref_slice %arg8[%dma_wait3A_132, %dma_wait3A_134, %dma_wait3A_135] : memref<2x80x128xf32, #tpu.memory_space<vmem>> -> memref<1x80x128xf32, #tpu.memory_space<vmem>>
        %dma_wait3A_137 = tpu.memref_squeeze %dma_wait3A_136 : memref<1x80x128xf32, #tpu.memory_space<vmem>> -> memref<80x128xf32, #tpu.memory_space<vmem>>
        %dma_wait3A_138 = arith.constant 0 : i32
        %dma_wait3A_139 = tpu.memref_slice %arg7[%dma_wait3A_133, %dma_wait3A_138] : memref<250x80xi32, #tpu.memory_space<vmem>> -> memref<1x80xi32, #tpu.memory_space<vmem>>
        %dma_wait3A_140 = tpu.memref_squeeze %dma_wait3A_139 : memref<1x80xi32, #tpu.memory_space<vmem>> -> memref<80xi32, #tpu.memory_space<vmem>>
        %dma_wait3A_141 = arith.constant 0 : i32
        %dma_wait3A_142 = arith.constant 0 : i32
        %dma_wait3A_143 = tpu.memref_slice %arg9[%dma_wait3A_141, %dma_wait3A_142] : memref<5120x128xf32, #tpu.memory_space<vmem_shared>> -> memref<5120x128xf32, #tpu.memory_space<vmem_shared>>
        tpu.wait_indirect_dma semaphore(%arg13 : memref<!tpu.dma_semaphore, #tpu.memory_space<semaphore_mem>>) src(%dma_wait3A_137 : memref<80x128xf32, #tpu.memory_space<vmem>>) dst(%dma_wait3A_143 : memref<5120x128xf32, #tpu.memory_space<vmem_shared>>)
      } else {
      }
      %dma_start3A_59 = arith.constant 1 : i32
      %dma_start3A_60 = arith.constant 0 : i32
      %dma_start3A_61 = arith.constant 0 : i32
      %dma_start3A_62 = tpu.memref_slice %arg8[%dma_start3A_59, %dma_start3A_60, %dma_start3A_61] : memref<2x80x128xf32, #tpu.memory_space<vmem>> -> memref<1x80x128xf32, #tpu.memory_space<vmem>>
      %dma_start3A_63 = tpu.memref_squeeze %dma_start3A_62 : memref<1x80x128xf32, #tpu.memory_space<vmem>> -> memref<80x128xf32, #tpu.memory_space<vmem>>
      %dma_start3A_64 = arith.constant 0 : i32
      %dma_start3A_65 = tpu.memref_slice %arg6[%add3A_56, %dma_start3A_64] : memref<250x80xi32, #tpu.memory_space<vmem>> -> memref<1x80xi32, #tpu.memory_space<vmem>>
      %dma_start3A_66 = tpu.memref_squeeze %dma_start3A_65 : memref<1x80xi32, #tpu.memory_space<vmem>> -> memref<80xi32, #tpu.memory_space<vmem>>
      %dma_start3A_67 = arith.constant 0 : i32
      %dma_start3A_68 = arith.constant 0 : i32
      %dma_start3A_69 = tpu.memref_slice %arg2[%dma_start3A_67, %dma_start3A_68] : memref<10000x128xf32, #tpu.memory_space<hbm>> -> memref<10000x128xf32, #tpu.memory_space<hbm>>
      tpu.enqueue_indirect_dma source(%dma_start3A_69 : memref<10000x128xf32, #tpu.memory_space<hbm>>) target(%dma_start3A_63 : memref<80x128xf32, #tpu.memory_space<vmem>>) offsets(%dma_start3A_66 : memref<80xi32, #tpu.memory_space<vmem>>) semaphore(%arg11 : memref<!tpu.dma_semaphore, #tpu.memory_space<semaphore_mem>>)
      %dma_wait3A_70 = arith.constant 0 : i32
      %dma_wait3A_71 = arith.constant 0 : i32
      %dma_wait3A_72 = arith.constant 0 : i32
      %dma_wait3A_73 = arith.constant 0 : i32
      %dma_wait3A_74 = tpu.memref_slice %arg8[%dma_wait3A_71, %dma_wait3A_72, %dma_wait3A_73] : memref<2x80x128xf32, #tpu.memory_space<vmem>> -> memref<1x80x128xf32, #tpu.memory_space<vmem>>
      %dma_wait3A_75 = tpu.memref_squeeze %dma_wait3A_74 : memref<1x80x128xf32, #tpu.memory_space<vmem>> -> memref<80x128xf32, #tpu.memory_space<vmem>>
      %dma_wait3A_76 = arith.constant 0 : i32
      %dma_wait3A_77 = tpu.memref_slice %arg6[%dma_wait3A_70, %dma_wait3A_76] : memref<250x80xi32, #tpu.memory_space<vmem>> -> memref<1x80xi32, #tpu.memory_space<vmem>>
      %dma_wait3A_78 = tpu.memref_squeeze %dma_wait3A_77 : memref<1x80xi32, #tpu.memory_space<vmem>> -> memref<80xi32, #tpu.memory_space<vmem>>
      %dma_wait3A_79 = arith.constant 0 : i32
      %dma_wait3A_80 = arith.constant 0 : i32
      %dma_wait3A_81 = tpu.memref_slice %arg2[%dma_wait3A_79, %dma_wait3A_80] : memref<10000x128xf32, #tpu.memory_space<hbm>> -> memref<10000x128xf32, #tpu.memory_space<hbm>>
      tpu.wait_indirect_dma semaphore(%arg10 : memref<!tpu.dma_semaphore, #tpu.memory_space<semaphore_mem>>) src(%dma_wait3A_81 : memref<10000x128xf32, #tpu.memory_space<hbm>>) dst(%dma_wait3A_75 : memref<80x128xf32, #tpu.memory_space<vmem>>)
      %dma_start3A_82 = arith.constant 0 : i32
      %dma_start3A_83 = arith.constant 0 : i32
      %dma_start3A_84 = arith.constant 0 : i32
      %dma_start3A_85 = tpu.memref_slice %arg8[%dma_start3A_82, %dma_start3A_83, %dma_start3A_84] : memref<2x80x128xf32, #tpu.memory_space<vmem>> -> memref<1x80x128xf32, #tpu.memory_space<vmem>>
      %dma_start3A_86 = tpu.memref_squeeze %dma_start3A_85 : memref<1x80x128xf32, #tpu.memory_space<vmem>> -> memref<80x128xf32, #tpu.memory_space<vmem>>
      %dma_start3A_87 = arith.constant 0 : i32
      %dma_start3A_88 = tpu.memref_slice %arg7[%mul3A_55, %dma_start3A_87] : memref<250x80xi32, #tpu.memory_space<vmem>> -> memref<1x80xi32, #tpu.memory_space<vmem>>
      %dma_start3A_89 = tpu.memref_squeeze %dma_start3A_88 : memref<1x80xi32, #tpu.memory_space<vmem>> -> memref<80xi32, #tpu.memory_space<vmem>>
      %dma_start3A_90 = arith.constant 0 : i32
      %dma_start3A_91 = arith.constant 0 : i32
      %dma_start3A_92 = tpu.memref_slice %arg9[%dma_start3A_90, %dma_start3A_91] : memref<5120x128xf32, #tpu.memory_space<vmem_shared>> -> memref<5120x128xf32, #tpu.memory_space<vmem_shared>>
      tpu.enqueue_indirect_dma source(%dma_start3A_86 : memref<80x128xf32, #tpu.memory_space<vmem>>) target(%dma_start3A_92 : memref<5120x128xf32, #tpu.memory_space<vmem_shared>>) offsets(%dma_start3A_89 : memref<80xi32, #tpu.memory_space<vmem>>) semaphore(%arg12 : memref<!tpu.dma_semaphore, #tpu.memory_space<semaphore_mem>>) {add = true}
      %dma_wait3A_93 = arith.constant 0 : i32
      %dma_wait3A_94 = arith.constant 0 : i32
      %dma_wait3A_95 = arith.constant 0 : i32
      %dma_wait3A_96 = arith.constant 0 : i32
      %dma_wait3A_97 = tpu.memref_slice %arg8[%dma_wait3A_93, %dma_wait3A_95, %dma_wait3A_96] : memref<2x80x128xf32, #tpu.memory_space<vmem>> -> memref<1x80x128xf32, #tpu.memory_space<vmem>>
      %dma_wait3A_98 = tpu.memref_squeeze %dma_wait3A_97 : memref<1x80x128xf32, #tpu.memory_space<vmem>> -> memref<80x128xf32, #tpu.memory_space<vmem>>
      %dma_wait3A_99 = arith.constant 0 : i32
      %dma_wait3A_100 = tpu.memref_slice %arg7[%dma_wait3A_94, %dma_wait3A_99] : memref<250x80xi32, #tpu.memory_space<vmem>> -> memref<1x80xi32, #tpu.memory_space<vmem>>
      %dma_wait3A_101 = tpu.memref_squeeze %dma_wait3A_100 : memref<1x80xi32, #tpu.memory_space<vmem>> -> memref<80xi32, #tpu.memory_space<vmem>>
      %dma_wait3A_102 = arith.constant 0 : i32
      %dma_wait3A_103 = arith.constant 0 : i32
      %dma_wait3A_104 = tpu.memref_slice %arg9[%dma_wait3A_102, %dma_wait3A_103] : memref<5120x128xf32, #tpu.memory_space<vmem_shared>> -> memref<5120x128xf32, #tpu.memory_space<vmem_shared>>
      tpu.wait_indirect_dma semaphore(%arg12 : memref<!tpu.dma_semaphore, #tpu.memory_space<semaphore_mem>>) src(%dma_wait3A_98 : memref<80x128xf32, #tpu.memory_space<vmem>>) dst(%dma_wait3A_104 : memref<5120x128xf32, #tpu.memory_space<vmem_shared>>)
      %lt3A = arith.constant 124 : i32
      %lt3A_105 = arith.cmpi slt, %scan3A_53, %lt3A : i32
      %convert_element_type3A_106 = arith.extui %lt3A_105 : i1 to i32
      %cond3A_107 = arith.constant 0 : i32
      %cond3A_108 = arith.cmpi ne, %convert_element_type3A_106, %cond3A_107 : i32
      scf.if %cond3A_108 {
        %add3A_132 = arith.constant 2 : i32
        %add3A_133 = arith.addi %mul3A_55, %add3A_132 : i32
        %dma_start3A_134 = arith.constant 0 : i32
        %dma_start3A_135 = arith.constant 0 : i32
        %dma_start3A_136 = arith.constant 0 : i32
        %dma_start3A_137 = tpu.memref_slice %arg8[%dma_start3A_134, %dma_start3A_135, %dma_start3A_136] : memref<2x80x128xf32, #tpu.memory_space<vmem>> -> memref<1x80x128xf32, #tpu.memory_space<vmem>>
        %dma_start3A_138 = tpu.memref_squeeze %dma_start3A_137 : memref<1x80x128xf32, #tpu.memory_space<vmem>> -> memref<80x128xf32, #tpu.memory_space<vmem>>
        %dma_start3A_139 = arith.constant 0 : i32
        %dma_start3A_140 = tpu.memref_slice %arg6[%add3A_133, %dma_start3A_139] : memref<250x80xi32, #tpu.memory_space<vmem>> -> memref<1x80xi32, #tpu.memory_space<vmem>>
        %dma_start3A_141 = tpu.memref_squeeze %dma_start3A_140 : memref<1x80xi32, #tpu.memory_space<vmem>> -> memref<80xi32, #tpu.memory_space<vmem>>
        %dma_start3A_142 = arith.constant 0 : i32
        %dma_start3A_143 = arith.constant 0 : i32
        %dma_start3A_144 = tpu.memref_slice %arg2[%dma_start3A_142, %dma_start3A_143] : memref<10000x128xf32, #tpu.memory_space<hbm>> -> memref<10000x128xf32, #tpu.memory_space<hbm>>
        tpu.enqueue_indirect_dma source(%dma_start3A_144 : memref<10000x128xf32, #tpu.memory_space<hbm>>) target(%dma_start3A_138 : memref<80x128xf32, #tpu.memory_space<vmem>>) offsets(%dma_start3A_141 : memref<80xi32, #tpu.memory_space<vmem>>) semaphore(%arg10 : memref<!tpu.dma_semaphore, #tpu.memory_space<semaphore_mem>>)
      } else {
      }
      %dma_wait3A_109 = arith.constant 0 : i32
      %dma_wait3A_110 = arith.constant 1 : i32
      %dma_wait3A_111 = arith.constant 0 : i32
      %dma_wait3A_112 = arith.constant 0 : i32
      %dma_wait3A_113 = tpu.memref_slice %arg8[%dma_wait3A_110, %dma_wait3A_111, %dma_wait3A_112] : memref<2x80x128xf32, #tpu.memory_space<vmem>> -> memref<1x80x128xf32, #tpu.memory_space<vmem>>
      %dma_wait3A_114 = tpu.memref_squeeze %dma_wait3A_113 : memref<1x80x128xf32, #tpu.memory_space<vmem>> -> memref<80x128xf32, #tpu.memory_space<vmem>>
      %dma_wait3A_115 = arith.constant 0 : i32
      %dma_wait3A_116 = tpu.memref_slice %arg6[%dma_wait3A_109, %dma_wait3A_115] : memref<250x80xi32, #tpu.memory_space<vmem>> -> memref<1x80xi32, #tpu.memory_space<vmem>>
      %dma_wait3A_117 = tpu.memref_squeeze %dma_wait3A_116 : memref<1x80xi32, #tpu.memory_space<vmem>> -> memref<80xi32, #tpu.memory_space<vmem>>
      %dma_wait3A_118 = arith.constant 0 : i32
      %dma_wait3A_119 = arith.constant 0 : i32
      %dma_wait3A_120 = tpu.memref_slice %arg2[%dma_wait3A_118, %dma_wait3A_119] : memref<10000x128xf32, #tpu.memory_space<hbm>> -> memref<10000x128xf32, #tpu.memory_space<hbm>>
      tpu.wait_indirect_dma semaphore(%arg11 : memref<!tpu.dma_semaphore, #tpu.memory_space<semaphore_mem>>) src(%dma_wait3A_120 : memref<10000x128xf32, #tpu.memory_space<hbm>>) dst(%dma_wait3A_114 : memref<80x128xf32, #tpu.memory_space<vmem>>)
      %dma_start3A_121 = arith.constant 1 : i32
      %dma_start3A_122 = arith.constant 0 : i32
      %dma_start3A_123 = arith.constant 0 : i32
      %dma_start3A_124 = tpu.memref_slice %arg8[%dma_start3A_121, %dma_start3A_122, %dma_start3A_123] : memref<2x80x128xf32, #tpu.memory_space<vmem>> -> memref<1x80x128xf32, #tpu.memory_space<vmem>>
      %dma_start3A_125 = tpu.memref_squeeze %dma_start3A_124 : memref<1x80x128xf32, #tpu.memory_space<vmem>> -> memref<80x128xf32, #tpu.memory_space<vmem>>
      %dma_start3A_126 = arith.constant 0 : i32
      %dma_start3A_127 = tpu.memref_slice %arg7[%add3A_56, %dma_start3A_126] : memref<250x80xi32, #tpu.memory_space<vmem>> -> memref<1x80xi32, #tpu.memory_space<vmem>>
      %dma_start3A_128 = tpu.memref_squeeze %dma_start3A_127 : memref<1x80xi32, #tpu.memory_space<vmem>> -> memref<80xi32, #tpu.memory_space<vmem>>
      %dma_start3A_129 = arith.constant 0 : i32
      %dma_start3A_130 = arith.constant 0 : i32
      %dma_start3A_131 = tpu.memref_slice %arg9[%dma_start3A_129, %dma_start3A_130] : memref<5120x128xf32, #tpu.memory_space<vmem_shared>> -> memref<5120x128xf32, #tpu.memory_space<vmem_shared>>
      tpu.enqueue_indirect_dma source(%dma_start3A_125 : memref<80x128xf32, #tpu.memory_space<vmem>>) target(%dma_start3A_131 : memref<5120x128xf32, #tpu.memory_space<vmem_shared>>) offsets(%dma_start3A_128 : memref<80xi32, #tpu.memory_space<vmem>>) semaphore(%arg13 : memref<!tpu.dma_semaphore, #tpu.memory_space<semaphore_mem>>) {add = true}
    }
    %scan3A_34 = arith.constant 125 : i32
    %dma_wait3A = arith.constant 1 : i32
    %dma_wait3A_35 = arith.constant 0 : i32
    %dma_wait3A_36 = arith.constant 0 : i32
    %dma_wait3A_37 = arith.constant 0 : i32
    %dma_wait3A_38 = tpu.memref_slice %arg8[%dma_wait3A, %dma_wait3A_36, %dma_wait3A_37] : memref<2x80x128xf32, #tpu.memory_space<vmem>> -> memref<1x80x128xf32, #tpu.memory_space<vmem>>
    %dma_wait3A_39 = tpu.memref_squeeze %dma_wait3A_38 : memref<1x80x128xf32, #tpu.memory_space<vmem>> -> memref<80x128xf32, #tpu.memory_space<vmem>>
    %dma_wait3A_40 = arith.constant 0 : i32
    %dma_wait3A_41 = tpu.memref_slice %arg7[%dma_wait3A_35, %dma_wait3A_40] : memref<250x80xi32, #tpu.memory_space<vmem>> -> memref<1x80xi32, #tpu.memory_space<vmem>>
    %dma_wait3A_42 = tpu.memref_squeeze %dma_wait3A_41 : memref<1x80xi32, #tpu.memory_space<vmem>> -> memref<80xi32, #tpu.memory_space<vmem>>
    %dma_wait3A_43 = arith.constant 0 : i32
    %dma_wait3A_44 = arith.constant 0 : i32
    %dma_wait3A_45 = tpu.memref_slice %arg9[%dma_wait3A_43, %dma_wait3A_44] : memref<5120x128xf32, #tpu.memory_space<vmem_shared>> -> memref<5120x128xf32, #tpu.memory_space<vmem_shared>>
    tpu.wait_indirect_dma semaphore(%arg13 : memref<!tpu.dma_semaphore, #tpu.memory_space<semaphore_mem>>) src(%dma_wait3A_39 : memref<80x128xf32, #tpu.memory_space<vmem>>) dst(%dma_wait3A_45 : memref<5120x128xf32, #tpu.memory_space<vmem_shared>>)
    %barrier3A_46 = arith.constant 0 : index
    tpu.barrier barrier_id(%barrier3A_46)
    %scan3A_47 = arith.constant 0 : i32
    %scan3A_48 = arith.constant 0 : i32
    %scan3A_49 = arith.constant 8 : i32
    %scan3A_50 = arith.addi %scan3A_48, %scan3A_49 : i32
    %scan3A_51 = arith.constant 1 : i32
    scf.for %scan3A_53 = %scan3A_48 to %scan3A_50 step %scan3A_51  : i32 {
      %mul3A_54 = arith.constant 320 : i32
      %mul3A_55 = arith.muli %arg1, %mul3A_54 : i32
      %mul3A_56 = arith.constant 40 : i32
      %mul3A_57 = arith.muli %scan3A_53, %mul3A_56 : i32
      %add3A = arith.addi %mul3A_55, %mul3A_57 : i32
      %lt3A = arith.constant 5000 : i32
      %lt3A_58 = arith.cmpi slt, %add3A, %lt3A : i32
      %convert_element_type3A = arith.extui %lt3A_58 : i1 to i32
      %cond3A = arith.constant 0 : i32
      %cond3A_59 = arith.cmpi ne, %convert_element_type3A, %cond3A : i32
      scf.if %cond3A_59 {
        %run_scoped3A = arith.constant 0 : i32
        "tpu.region"() ({
          %run_scoped3A_64 = tpu.sem_alloc : memref<!tpu.dma_semaphore, #tpu.memory_space<semaphore_mem>>
          %dma_start3A_65 = arith.constant 0 : i32
          %dma_start3A_66 = arith.constant 0 : i32
          %dma_start3A_67 = tpu.memref_slice %arg8[%run_scoped3A, %dma_start3A_65, %dma_start3A_66] : memref<2x80x128xf32, #tpu.memory_space<vmem>> -> memref<1x80x128xf32, #tpu.memory_space<vmem>>
          %dma_start3A_68 = tpu.memref_squeeze %dma_start3A_67 : memref<1x80x128xf32, #tpu.memory_space<vmem>> -> memref<80x128xf32, #tpu.memory_space<vmem>>
          %dma_start3A_69 = arith.constant 0 : i32
          %dma_start3A_70 = arith.constant 0 : i32
          %dma_start3A_71 = tpu.memref_slice %dma_start3A_68[%dma_start3A_69, %dma_start3A_70] : memref<80x128xf32, #tpu.memory_space<vmem>> -> memref<40x128xf32, #tpu.memory_space<vmem>>
          %dma_start3A_72 = arith.constant 0 : i32
          %dma_start3A_73 = tpu.memref_slice %arg9[%add3A, %dma_start3A_72] : memref<5120x128xf32, #tpu.memory_space<vmem_shared>> -> memref<40x128xf32, #tpu.memory_space<vmem_shared>>
          %dma_start3A_74 = arith.constant 0 : i32
          %dma_start3A_75 = arith.constant 0 : i32
          %dma_start3A_76 = tpu.memref_slice %arg8[%run_scoped3A, %dma_start3A_74, %dma_start3A_75] : memref<2x80x128xf32, #tpu.memory_space<vmem>> -> memref<1x80x128xf32, #tpu.memory_space<vmem>>
          %dma_start3A_77 = tpu.memref_squeeze %dma_start3A_76 : memref<1x80x128xf32, #tpu.memory_space<vmem>> -> memref<80x128xf32, #tpu.memory_space<vmem>>
          %dma_start3A_78 = arith.constant 0 : i32
          %dma_start3A_79 = arith.constant 0 : i32
          %dma_start3A_80 = tpu.memref_slice %dma_start3A_77[%dma_start3A_78, %dma_start3A_79] : memref<80x128xf32, #tpu.memory_space<vmem>> -> memref<40x128xf32, #tpu.memory_space<vmem>>
          %dma_start3A_81 = arith.constant 0 : i32
          %dma_start3A_82 = tpu.memref_slice %arg9[%add3A, %dma_start3A_81] : memref<5120x128xf32, #tpu.memory_space<vmem_shared>> -> memref<40x128xf32, #tpu.memory_space<vmem_shared>>
          tpu.enqueue_dma source(%dma_start3A_82 : memref<40x128xf32, #tpu.memory_space<vmem_shared>>) target(%dma_start3A_80 : memref<40x128xf32, #tpu.memory_space<vmem>>) target_semaphore(%run_scoped3A_64 : memref<!tpu.dma_semaphore, #tpu.memory_space<semaphore_mem>>)
          %dma_wait3A_83 = arith.constant 0 : i32
          %dma_wait3A_84 = arith.constant 0 : i32
          %dma_wait3A_85 = tpu.memref_slice %arg8[%run_scoped3A, %dma_wait3A_83, %dma_wait3A_84] : memref<2x80x128xf32, #tpu.memory_space<vmem>> -> memref<1x80x128xf32, #tpu.memory_space<vmem>>
          %dma_wait3A_86 = tpu.memref_squeeze %dma_wait3A_85 : memref<1x80x128xf32, #tpu.memory_space<vmem>> -> memref<80x128xf32, #tpu.memory_space<vmem>>
          %dma_wait3A_87 = arith.constant 0 : i32
          %dma_wait3A_88 = arith.constant 0 : i32
          %dma_wait3A_89 = tpu.memref_slice %dma_wait3A_86[%dma_wait3A_87, %dma_wait3A_88] : memref<80x128xf32, #tpu.memory_space<vmem>> -> memref<40x128xf32, #tpu.memory_space<vmem>>
          %dma_wait3A_90 = arith.constant 0 : i32
          %dma_wait3A_91 = tpu.memref_slice %arg9[%add3A, %dma_wait3A_90] : memref<5120x128xf32, #tpu.memory_space<vmem_shared>> -> memref<40x128xf32, #tpu.memory_space<vmem_shared>>
          %dma_wait3A_92 = arith.constant 0 : i32
          %dma_wait3A_93 = arith.constant 0 : i32
          %dma_wait3A_94 = tpu.memref_slice %arg8[%run_scoped3A, %dma_wait3A_92, %dma_wait3A_93] : memref<2x80x128xf32, #tpu.memory_space<vmem>> -> memref<1x80x128xf32, #tpu.memory_space<vmem>>
          %dma_wait3A_95 = tpu.memref_squeeze %dma_wait3A_94 : memref<1x80x128xf32, #tpu.memory_space<vmem>> -> memref<80x128xf32, #tpu.memory_space<vmem>>
          %dma_wait3A_96 = arith.constant 0 : i32
          %dma_wait3A_97 = arith.constant 0 : i32
          %dma_wait3A_98 = tpu.memref_slice %dma_wait3A_95[%dma_wait3A_96, %dma_wait3A_97] : memref<80x128xf32, #tpu.memory_space<vmem>> -> memref<40x128xf32, #tpu.memory_space<vmem>>
          %dma_wait3A_99 = arith.constant 0 : i32
          %dma_wait3A_100 = tpu.memref_slice %arg9[%add3A, %dma_wait3A_99] : memref<5120x128xf32, #tpu.memory_space<vmem_shared>> -> memref<40x128xf32, #tpu.memory_space<vmem_shared>>
          tpu.wait_dma2 semaphore(%run_scoped3A_64 : memref<!tpu.dma_semaphore, #tpu.memory_space<semaphore_mem>>) src(%dma_wait3A_100 : memref<40x128xf32, #tpu.memory_space<vmem_shared>>) dst(%dma_wait3A_98 : memref<40x128xf32, #tpu.memory_space<vmem>>)
          tpu.yield
        }) : () -> ()
        %mul3A_60 = arith.constant 5000 : i32
        %mul3A_61 = arith.muli %arg0, %mul3A_60 : i32
        %add3A_62 = arith.addi %mul3A_61, %add3A : i32
        %run_scoped3A_63 = arith.constant 0 : i32
        "tpu.region"() ({
          %run_scoped3A_64 = tpu.sem_alloc : memref<!tpu.dma_semaphore, #tpu.memory_space<semaphore_mem>>
          %dma_start3A_65 = arith.constant 0 : i32
          %dma_start3A_66 = arith.constant 0 : i32
          %dma_start3A_67 = tpu.memref_slice %arg8[%run_scoped3A_63, %dma_start3A_65, %dma_start3A_66] : memref<2x80x128xf32, #tpu.memory_space<vmem>> -> memref<1x80x128xf32, #tpu.memory_space<vmem>>
          %dma_start3A_68 = tpu.memref_squeeze %dma_start3A_67 : memref<1x80x128xf32, #tpu.memory_space<vmem>> -> memref<80x128xf32, #tpu.memory_space<vmem>>
          %dma_start3A_69 = arith.constant 0 : i32
          %dma_start3A_70 = arith.constant 0 : i32
          %dma_start3A_71 = tpu.memref_slice %dma_start3A_68[%dma_start3A_69, %dma_start3A_70] : memref<80x128xf32, #tpu.memory_space<vmem>> -> memref<40x128xf32, #tpu.memory_space<vmem>>
          %dma_start3A_72 = arith.constant 0 : i32
          %dma_start3A_73 = tpu.memref_slice %arg5[%add3A_62, %dma_start3A_72] : memref<10000x128xf32, #tpu.memory_space<hbm>> -> memref<40x128xf32, #tpu.memory_space<hbm>>
          %dma_start3A_74 = arith.constant 0 : i32
          %dma_start3A_75 = tpu.memref_slice %arg5[%add3A_62, %dma_start3A_74] : memref<10000x128xf32, #tpu.memory_space<hbm>> -> memref<40x128xf32, #tpu.memory_space<hbm>>
          %dma_start3A_76 = arith.constant 0 : i32
          %dma_start3A_77 = arith.constant 0 : i32
          %dma_start3A_78 = tpu.memref_slice %arg8[%run_scoped3A_63, %dma_start3A_76, %dma_start3A_77] : memref<2x80x128xf32, #tpu.memory_space<vmem>> -> memref<1x80x128xf32, #tpu.memory_space<vmem>>
          %dma_start3A_79 = tpu.memref_squeeze %dma_start3A_78 : memref<1x80x128xf32, #tpu.memory_space<vmem>> -> memref<80x128xf32, #tpu.memory_space<vmem>>
          %dma_start3A_80 = arith.constant 0 : i32
          %dma_start3A_81 = arith.constant 0 : i32
          %dma_start3A_82 = tpu.memref_slice %dma_start3A_79[%dma_start3A_80, %dma_start3A_81] : memref<80x128xf32, #tpu.memory_space<vmem>> -> memref<40x128xf32, #tpu.memory_space<vmem>>
          tpu.enqueue_dma source(%dma_start3A_82 : memref<40x128xf32, #tpu.memory_space<vmem>>) target(%dma_start3A_75 : memref<40x128xf32, #tpu.memory_space<hbm>>) target_semaphore(%run_scoped3A_64 : memref<!tpu.dma_semaphore, #tpu.memory_space<semaphore_mem>>)
          %dma_wait3A_83 = arith.constant 0 : i32
          %dma_wait3A_84 = arith.constant 0 : i32
          %dma_wait3A_85 = tpu.memref_slice %arg8[%run_scoped3A_63, %dma_wait3A_83, %dma_wait3A_84] : memref<2x80x128xf32, #tpu.memory_space<vmem>> -> memref<1x80x128xf32, #tpu.memory_space<vmem>>
          %dma_wait3A_86 = tpu.memref_squeeze %dma_wait3A_85 : memref<1x80x128xf32, #tpu.memory_space<vmem>> -> memref<80x128xf32, #tpu.memory_space<vmem>>
          %dma_wait3A_87 = arith.constant 0 : i32
          %dma_wait3A_88 = arith.constant 0 : i32
          %dma_wait3A_89 = tpu.memref_slice %dma_wait3A_86[%dma_wait3A_87, %dma_wait3A_88] : memref<80x128xf32, #tpu.memory_space<vmem>> -> memref<40x128xf32, #tpu.memory_space<vmem>>
          %dma_wait3A_90 = arith.constant 0 : i32
          %dma_wait3A_91 = tpu.memref_slice %arg5[%add3A_62, %dma_wait3A_90] : memref<10000x128xf32, #tpu.memory_space<hbm>> -> memref<40x128xf32, #tpu.memory_space<hbm>>
          %dma_wait3A_92 = arith.constant 0 : i32
          %dma_wait3A_93 = tpu.memref_slice %arg5[%add3A_62, %dma_wait3A_92] : memref<10000x128xf32, #tpu.memory_space<hbm>> -> memref<40x128xf32, #tpu.memory_space<hbm>>
          %dma_wait3A_94 = arith.constant 0 : i32
          %dma_wait3A_95 = arith.constant 0 : i32
          %dma_wait3A_96 = tpu.memref_slice %arg8[%run_scoped3A_63, %dma_wait3A_94, %dma_wait3A_95] : memref<2x80x128xf32, #tpu.memory_space<vmem>> -> memref<1x80x128xf32, #tpu.memory_space<vmem>>
          %dma_wait3A_97 = tpu.memref_squeeze %dma_wait3A_96 : memref<1x80x128xf32, #tpu.memory_space<vmem>> -> memref<80x128xf32, #tpu.memory_space<vmem>>
          %dma_wait3A_98 = arith.constant 0 : i32
          %dma_wait3A_99 = arith.constant 0 : i32
          %dma_wait3A_100 = tpu.memref_slice %dma_wait3A_97[%dma_wait3A_98, %dma_wait3A_99] : memref<80x128xf32, #tpu.memory_space<vmem>> -> memref<40x128xf32, #tpu.memory_space<vmem>>
          tpu.wait_dma2 semaphore(%run_scoped3A_64 : memref<!tpu.dma_semaphore, #tpu.memory_space<semaphore_mem>>) src(%dma_wait3A_100 : memref<40x128xf32, #tpu.memory_space<vmem>>) dst(%dma_wait3A_93 : memref<40x128xf32, #tpu.memory_space<hbm>>)
          tpu.yield
        }) : () -> ()
      } else {
      }
    }
    %scan3A_52 = arith.constant 8 : i32
    return
  }
}

module attributes {stable_mosaic.version = 14 : i64} {
  func.func @_tc_first_body(%arg0: i32, %arg1: memref<2x2000x1xf32, #tpu.memory_space<vmem>>, %arg2: memref<2000x128xf32, #tpu.memory_space<vmem>>, %arg3: memref<128x128xf32, #tpu.memory_space<vmem>>, %arg4: memref<2000x128xf32, #tpu.memory_space<vmem>>, %arg5: memref<2000x1xf32, #tpu.memory_space<vmem>>) attributes {dimension_semantics = [#tpu.dimension_semantics<arbitrary>], iteration_bounds = array<i64: 5>, scalar_prefetch = 0 : i64, scratch_operands = 0 : i64, tpu.core_type = #tpu.core_type<tc>, window_params = [{transform_indices = @transform_0, window_bounds = array<i64: 2, 2000, 1>}, {transform_indices = @transform_1, window_bounds = array<i64: 2000, 128>}, {pipeline_mode = #tpu.pipeline_mode<synchronous>, transform_indices = @transform_2, window_bounds = array<i64: 128, 128>}, {transform_indices = @transform_3, window_bounds = array<i64: 2000, 128>}, {transform_indices = @transform_4, window_bounds = array<i64: 2000, 1>}]} {
    %get3A = arith.constant 0 : index
    %get3A_0 = arith.constant 0 : index
    %get3A_1 = arith.constant 0 : index
    %get3A_2 = vector.load %arg1[%get3A, %get3A_0, %get3A_1] : memref<2x2000x1xf32, #tpu.memory_space<vmem>>, vector<1x2000x1xf32>
    %get3A_3 = vector.shape_cast %get3A_2 : vector<1x2000x1xf32> to vector<2000x1xf32>
    %add3A = arith.constant 1.000000e+00 : f32
    %add3A_4 = vector.broadcast %add3A : f32 to vector<2000x1xf32>
    %add3A_5 = arith.addf %add3A_4, %get3A_3 : vector<2000x1xf32>
    %get3A_6 = arith.constant 1 : index
    %get3A_7 = arith.constant 0 : index
    %get3A_8 = arith.constant 0 : index
    %get3A_9 = vector.load %arg1[%get3A_6, %get3A_7, %get3A_8] : memref<2x2000x1xf32, #tpu.memory_space<vmem>>, vector<1x2000x1xf32>
    %get3A_10 = vector.shape_cast %get3A_9 : vector<1x2000x1xf32> to vector<2000x1xf32>
    %add3A_11 = arith.addf %add3A_5, %get3A_10 : vector<2000x1xf32>
    %rsqrt3A = math.rsqrt %add3A_11 : vector<2000x1xf32>
    %get3A_12 = arith.constant 0 : index
    %get3A_13 = arith.constant 0 : index
    %get3A_14 = vector.load %arg2[%get3A_12, %get3A_13] : memref<2000x128xf32, #tpu.memory_space<vmem>>, vector<2000x128xf32>
    %get3A_15 = arith.constant 0 : index
    %get3A_16 = arith.constant 0 : index
    %get3A_17 = vector.load %arg3[%get3A_15, %get3A_16] : memref<128x128xf32, #tpu.memory_space<vmem>>, vector<128x128xf32>
    %dot_general3A = arith.constant dense<0.000000e+00> : vector<2000x128xf32>
    %dot_general3A_18 = tpu.matmul %get3A_14, %get3A_17, %dot_general3A {dimension_numbers = #tpu.dot_dimension_numbers<[1], [0], [0], [1], [0, 0, 1, 1], [], []>, transpose_lhs_hint = false} : vector<2000x128xf32>, vector<128x128xf32>, vector<2000x128xf32> -> vector<2000x128xf32>
    %mul3A = vector.broadcast %rsqrt3A : vector<2000x1xf32> to vector<2000x128xf32>
    %mul3A_19 = arith.mulf %dot_general3A_18, %mul3A : vector<2000x128xf32>
    %swap3A = arith.constant 0 : index
    %swap3A_20 = arith.constant 0 : index
    %swap3A_21 = vector.load %arg4[%swap3A, %swap3A_20] : memref<2000x128xf32, #tpu.memory_space<vmem>>, vector<2000x128xf32>
    tpu.vector_store %arg4[%swap3A, %swap3A_20], %mul3A_19 {strides = array<i32>} : memref<2000x128xf32, #tpu.memory_space<vmem>>, vector<2000x128xf32>,
    %swap3A_22 = arith.constant 0 : index
    %swap3A_23 = arith.constant 0 : index
    %swap3A_24 = vector.load %arg5[%swap3A_22, %swap3A_23] : memref<2000x1xf32, #tpu.memory_space<vmem>>, vector<2000x1xf32>
    tpu.vector_store %arg5[%swap3A_22, %swap3A_23], %rsqrt3A {strides = array<i32>} : memref<2000x1xf32, #tpu.memory_space<vmem>>, vector<2000x1xf32>,
    return
  }
  func.func @transform_0(%arg0: i32) -> (i32, i32, i32) {
    %c0_i32 = arith.constant 0 : i32
    %c0_i32_0 = arith.constant 0 : i32
    %c0_i32_1 = arith.constant 0 : i32
    return %c0_i32, %arg0, %c0_i32_0 : i32, i32, i32
  }
  func.func @transform_1(%arg0: i32) -> (i32, i32) {
    %c0_i32 = arith.constant 0 : i32
    %c0_i32_0 = arith.constant 0 : i32
    return %arg0, %c0_i32 : i32, i32
  }
  func.func @transform_2(%arg0: i32) -> (i32, i32) {
    %c0_i32 = arith.constant 0 : i32
    %c0_i32_0 = arith.constant 0 : i32
    %c0_i32_1 = arith.constant 0 : i32
    return %c0_i32, %c0_i32_0 : i32, i32
  }
  func.func @transform_3(%arg0: i32) -> (i32, i32) {
    %c0_i32 = arith.constant 0 : i32
    %c0_i32_0 = arith.constant 0 : i32
    return %arg0, %c0_i32 : i32, i32
  }
  func.func @transform_4(%arg0: i32) -> (i32, i32) {
    %c0_i32 = arith.constant 0 : i32
    %c0_i32_0 = arith.constant 0 : i32
    return %arg0, %c0_i32 : i32, i32
  }
}

module attributes {stable_mosaic.version = 14 : i64} {
  func.func @_tc_mid_body(%arg0: i32, %arg1: memref<2000x128xf32, #tpu.memory_space<vmem>>, %arg2: memref<2000x128xf32, #tpu.memory_space<vmem>>, %arg3: memref<2000x1xf32, #tpu.memory_space<vmem>>, %arg4: memref<1x128xf32, #tpu.memory_space<vmem>>, %arg5: memref<128x128xf32, #tpu.memory_space<vmem>>, %arg6: memref<2000x128xf32, #tpu.memory_space<vmem>>) attributes {dimension_semantics = [#tpu.dimension_semantics<arbitrary>], iteration_bounds = array<i64: 5>, scalar_prefetch = 0 : i64, scratch_operands = 0 : i64, tpu.core_type = #tpu.core_type<tc>, window_params = [{transform_indices = @transform_0, window_bounds = array<i64: 2000, 128>}, {transform_indices = @transform_1, window_bounds = array<i64: 2000, 128>}, {transform_indices = @transform_2, window_bounds = array<i64: 2000, 1>}, {pipeline_mode = #tpu.pipeline_mode<synchronous>, transform_indices = @transform_3, window_bounds = array<i64: 1, 128>}, {pipeline_mode = #tpu.pipeline_mode<synchronous>, transform_indices = @transform_4, window_bounds = array<i64: 128, 128>}, {transform_indices = @transform_5, window_bounds = array<i64: 2000, 128>}]} {
    %get3A = arith.constant 0 : index
    %get3A_0 = arith.constant 0 : index
    %get3A_1 = vector.load %arg1[%get3A, %get3A_0] : memref<2000x128xf32, #tpu.memory_space<vmem>>, vector<2000x128xf32>
    %get3A_2 = arith.constant 0 : index
    %get3A_3 = arith.constant 0 : index
    %get3A_4 = vector.load %arg2[%get3A_2, %get3A_3] : memref<2000x128xf32, #tpu.memory_space<vmem>>, vector<2000x128xf32>
    %add3A = arith.addf %get3A_1, %get3A_4 : vector<2000x128xf32>
    %get3A_5 = arith.constant 0 : index
    %get3A_6 = arith.constant 0 : index
    %get3A_7 = vector.load %arg3[%get3A_5, %get3A_6] : memref<2000x1xf32, #tpu.memory_space<vmem>>, vector<2000x1xf32>
    %mul3A = vector.broadcast %get3A_7 : vector<2000x1xf32> to vector<2000x128xf32>
    %mul3A_8 = arith.mulf %mul3A, %add3A : vector<2000x128xf32>
    %get3A_9 = arith.constant 0 : index
    %get3A_10 = arith.constant 0 : index
    %get3A_11 = vector.load %arg4[%get3A_9, %get3A_10] : memref<1x128xf32, #tpu.memory_space<vmem>>, vector<1x128xf32>
    %add3A_12 = vector.broadcast %get3A_11 : vector<1x128xf32> to vector<2000x128xf32>
    %add3A_13 = arith.addf %mul3A_8, %add3A_12 : vector<2000x128xf32>
    %max3A = arith.constant 0.000000e+00 : f32
    %max3A_14 = vector.broadcast %max3A : f32 to vector<2000x128xf32>
    %max3A_15 = arith.maximumf %add3A_13, %max3A_14 : vector<2000x128xf32>
    %get3A_16 = arith.constant 0 : index
    %get3A_17 = arith.constant 0 : index
    %get3A_18 = vector.load %arg5[%get3A_16, %get3A_17] : memref<128x128xf32, #tpu.memory_space<vmem>>, vector<128x128xf32>
    %dot_general3A = arith.constant dense<0.000000e+00> : vector<2000x128xf32>
    %dot_general3A_19 = tpu.matmul %max3A_15, %get3A_18, %dot_general3A {dimension_numbers = #tpu.dot_dimension_numbers<[1], [0], [0], [1], [0, 0, 1, 1], [], []>, transpose_lhs_hint = false} : vector<2000x128xf32>, vector<128x128xf32>, vector<2000x128xf32> -> vector<2000x128xf32>
    %get3A_20 = arith.constant 0 : index
    %get3A_21 = arith.constant 0 : index
    %get3A_22 = vector.load %arg3[%get3A_20, %get3A_21] : memref<2000x1xf32, #tpu.memory_space<vmem>>, vector<2000x1xf32>
    %mul3A_23 = vector.broadcast %get3A_22 : vector<2000x1xf32> to vector<2000x128xf32>
    %mul3A_24 = arith.mulf %dot_general3A_19, %mul3A_23 : vector<2000x128xf32>
    %swap3A = arith.constant 0 : index
    %swap3A_25 = arith.constant 0 : index
    %swap3A_26 = vector.load %arg6[%swap3A, %swap3A_25] : memref<2000x128xf32, #tpu.memory_space<vmem>>, vector<2000x128xf32>
    tpu.vector_store %arg6[%swap3A, %swap3A_25], %mul3A_24 {strides = array<i32>} : memref<2000x128xf32, #tpu.memory_space<vmem>>, vector<2000x128xf32>,
    return
  }
  func.func @transform_0(%arg0: i32) -> (i32, i32) {
    %c0_i32 = arith.constant 0 : i32
    %c0_i32_0 = arith.constant 0 : i32
    return %arg0, %c0_i32 : i32, i32
  }
  func.func @transform_1(%arg0: i32) -> (i32, i32) {
    %c0_i32 = arith.constant 0 : i32
    %c0_i32_0 = arith.constant 0 : i32
    return %arg0, %c0_i32 : i32, i32
  }
  func.func @transform_2(%arg0: i32) -> (i32, i32) {
    %c0_i32 = arith.constant 0 : i32
    %c0_i32_0 = arith.constant 0 : i32
    return %arg0, %c0_i32 : i32, i32
  }
  func.func @transform_3(%arg0: i32) -> (i32, i32) {
    %c0_i32 = arith.constant 0 : i32
    %c0_i32_0 = arith.constant 0 : i32
    %c0_i32_1 = arith.constant 0 : i32
    return %c0_i32, %c0_i32_0 : i32, i32
  }
  func.func @transform_4(%arg0: i32) -> (i32, i32) {
    %c0_i32 = arith.constant 0 : i32
    %c0_i32_0 = arith.constant 0 : i32
    %c0_i32_1 = arith.constant 0 : i32
    return %c0_i32, %c0_i32_0 : i32, i32
  }
  func.func @transform_5(%arg0: i32) -> (i32, i32) {
    %c0_i32 = arith.constant 0 : i32
    %c0_i32_0 = arith.constant 0 : i32
    return %arg0, %c0_i32 : i32, i32
  }
}

module attributes {stable_mosaic.version = 14 : i64} {
  func.func @_tc_final_body(%arg0: i32, %arg1: memref<2000x128xf32, #tpu.memory_space<vmem>>, %arg2: memref<2000x128xf32, #tpu.memory_space<vmem>>, %arg3: memref<2000x1xf32, #tpu.memory_space<vmem>>, %arg4: memref<1x128xf32, #tpu.memory_space<vmem>>, %arg5: memref<2000x128xf32, #tpu.memory_space<vmem>>) attributes {dimension_semantics = [#tpu.dimension_semantics<arbitrary>], iteration_bounds = array<i64: 5>, scalar_prefetch = 0 : i64, scratch_operands = 0 : i64, tpu.core_type = #tpu.core_type<tc>, window_params = [{transform_indices = @transform_0, window_bounds = array<i64: 2000, 128>}, {transform_indices = @transform_1, window_bounds = array<i64: 2000, 128>}, {transform_indices = @transform_2, window_bounds = array<i64: 2000, 1>}, {pipeline_mode = #tpu.pipeline_mode<synchronous>, transform_indices = @transform_3, window_bounds = array<i64: 1, 128>}, {transform_indices = @transform_4, window_bounds = array<i64: 2000, 128>}]} {
    %get3A = arith.constant 0 : index
    %get3A_0 = arith.constant 0 : index
    %get3A_1 = vector.load %arg1[%get3A, %get3A_0] : memref<2000x128xf32, #tpu.memory_space<vmem>>, vector<2000x128xf32>
    %get3A_2 = arith.constant 0 : index
    %get3A_3 = arith.constant 0 : index
    %get3A_4 = vector.load %arg2[%get3A_2, %get3A_3] : memref<2000x128xf32, #tpu.memory_space<vmem>>, vector<2000x128xf32>
    %add3A = arith.addf %get3A_1, %get3A_4 : vector<2000x128xf32>
    %get3A_5 = arith.constant 0 : index
    %get3A_6 = arith.constant 0 : index
    %get3A_7 = vector.load %arg3[%get3A_5, %get3A_6] : memref<2000x1xf32, #tpu.memory_space<vmem>>, vector<2000x1xf32>
    %mul3A = vector.broadcast %get3A_7 : vector<2000x1xf32> to vector<2000x128xf32>
    %mul3A_8 = arith.mulf %mul3A, %add3A : vector<2000x128xf32>
    %get3A_9 = arith.constant 0 : index
    %get3A_10 = arith.constant 0 : index
    %get3A_11 = vector.load %arg4[%get3A_9, %get3A_10] : memref<1x128xf32, #tpu.memory_space<vmem>>, vector<1x128xf32>
    %add3A_12 = vector.broadcast %get3A_11 : vector<1x128xf32> to vector<2000x128xf32>
    %add3A_13 = arith.addf %mul3A_8, %add3A_12 : vector<2000x128xf32>
    %swap3A = arith.constant 0 : index
    %swap3A_14 = arith.constant 0 : index
    %swap3A_15 = vector.load %arg5[%swap3A, %swap3A_14] : memref<2000x128xf32, #tpu.memory_space<vmem>>, vector<2000x128xf32>
    tpu.vector_store %arg5[%swap3A, %swap3A_14], %add3A_13 {strides = array<i32>} : memref<2000x128xf32, #tpu.memory_space<vmem>>, vector<2000x128xf32>,
    return
  }
  func.func @transform_0(%arg0: i32) -> (i32, i32) {
    %c0_i32 = arith.constant 0 : i32
    %c0_i32_0 = arith.constant 0 : i32
    return %arg0, %c0_i32 : i32, i32
  }
  func.func @transform_1(%arg0: i32) -> (i32, i32) {
    %c0_i32 = arith.constant 0 : i32
    %c0_i32_0 = arith.constant 0 : i32
    return %arg0, %c0_i32 : i32, i32
  }
  func.func @transform_2(%arg0: i32) -> (i32, i32) {
    %c0_i32 = arith.constant 0 : i32
    %c0_i32_0 = arith.constant 0 : i32
    return %arg0, %c0_i32 : i32, i32
  }
  func.func @transform_3(%arg0: i32) -> (i32, i32) {
    %c0_i32 = arith.constant 0 : i32
    %c0_i32_0 = arith.constant 0 : i32
    %c0_i32_1 = arith.constant 0 : i32
    return %c0_i32, %c0_i32_0 : i32, i32
  }
  func.func @transform_4(%arg0: i32) -> (i32, i32) {
    %c0_i32 = arith.constant 0 : i32
    %c0_i32_0 = arith.constant 0 : i32
    return %arg0, %c0_i32 : i32, i32
  }
}

</mosaic_0001>

<sc_bundles>
// kernel: kernel.10.cloned.1.call-start
scs
__scs_entry_jumppad:
0x0: {  	(pc) =	sbr.rel $0x88, $3  }
0x1: {  	(tag) =	ssettag $0x0;
	lr =	simm.s32 $0x1  }
0x2: {  	[smem:$0x3F99] =	sst lr;
	_ =	strace $0xD0000000  }
0x3: {  	_ = 	snop  }
0x4: {  	_ = 	snop  }
0x5: {  	_ = 	snop  }
0x6: {  	_ = 	snop  }
0x7: {  	_ = 	snop  }
__scs_overlays_trampoline_lowered:
0x8: {  	[smem:$0x3FA8] =	sst s0  }
0x9: {  	[smem:$0x3FA9] =	sst s1  }
0xa: {  	[smem:$0x3FAA] =	sst s2  }
0xb: {  	[smem:$0x3FAB] =	sst s3  }
0xc: {  	[smem:$0x3FAC] =	sst s4  }
0xd: {  	[smem:$0x3FAD] =	sst s5  }
0xe: {  	[smem:$0x3FAE] =	sst s6  }
0xf: {  	[smem:$0x3FAF] =	sst s7  }
0x10: {  	[smem:$0x3FB0] =	sst s8  }
0x11: {  	[smem:$0x3FB1] =	sst s9;
	s0 =	simm.s32 @!p0 $0x0  }
0x12: {  	s1 =	sld [smem:$0x3F97];
	s0 =	simm.s32 @p0 $0x1  }
0x13: {  	[smem:$0x3FB2] =	sst s0;
	s0 =	simm.s32 @!p1 $0x0  }
0x14: {  	s2 =	sld [smem:$0x3F96];
	s0 =	simm.s32 @p1 $0x1  }
0x15: {  	[smem:$0x3FB3] =	sst s0;
	s0 =	simm.s32 @!p2 $0x0  }
0x16: {  	s3 =	sld [smem:$0x3FDB];
	s0 =	simm.s32 @p2 $0x1  }
0x17: {  	s4 =	simm.s32 $0x1BF5;
	[smem:$0x3FB5] =	sst s0  }
0x18: {  	s0 =	sld [smem:$0x3F98];
	_ =	swait.ge [sflag:s4], $0x0  }
0x19: {  	s7 =	sld [smem:$0x3F99]  }
0x1a: {  	s8 =	sadd.s32 $0xFFFFE003, lr  }
0x1b: {  	s9 =	sadd.s32 $0xFFFFFEF7, lr;
	s5 =	simm.s32 $0xFFFFFFFF;
	p2 =	slt.u32 s8, $0xFFFFF086  }
0x1c: {  	p1 =	slt.u32 s9, $0xF7A;
	s5 =	simm.s32 @!p2 $0x0  }
0x1d: {  	s5 =	simm.s32 @p1 $0x1;
	p0 =	seq.s32 s7, s2  }
0x1e: {  	s7 =	smul.u32 @!p0 $0xF7A, s2;
	p2 =	seq.s32 @!p0 s5, $0x0  }
0x1f: {  	s9 =	smul.u32 $0xF7A, s1;
	s8 =	simm.s32 @!p0 $0x1BF5;
	p2 =	por !p2, p0  }
0x20: {  	[sflag:s8] =	ssyncset.s32 @!p0 $0xFFFFF086;
	s6 =	sadd.s32 @!p0 s3, s7;
	s7 =	simm.s32 @!p0 $0x108  }
0x21: {  	s3 =	sadd.s32 s3, s9;
	s6 =	sadd.s32 @!p0 $0x88, s6;
	s7 =	simm.s32 @p2 $0x1082  }
0x22: {  	[simem:s7], [sflag:s8] =	dma.local @!p0 [hbm:s6], $0xF7A  }
0x23: {  	s9 =	sor.u32 $0xD0000000, s2;
	s6 =	simm.s32 $0x108;
	_ =	swait.ge @!p0 [sflag:s8], $0x0  }
0x24: {  	s3 =	sadd.s32 $0x88, s3;
	s6 =	simm.s32 @!p1 $0x1082;
	[sflag:s4] =	ssyncset.s32 $0xFFFFF086  }
0x25: {  	[simem:s6], [sflag:s4] =	dma.local [hbm:s3], $0xF7A  }
0x26: {  	[smem:$0x3F99] =	sst s1;
	(tag) =	ssettag s2;
	_ =	strace s9  }
0x27: {  	s1 =	sld [smem:$0x3FA9]  }
0x28: {  	s2 =	sld [smem:$0x3FAA]  }
0x29: {  	s4 =	sld [smem:$0x3FAC]  }
0x2a: {  	p0 =	seq.s32 s5, $0x0;
	s5 =	sld [smem:$0x3FAD]  }
0x2b: {  	s6 =	sld [smem:$0x3FAE]  }
0x2c: {  	s7 =	sld [smem:$0x3FAF]  }
0x2d: {  	s3 =	simm.s32 $0x108;
	s8 =	sld [smem:$0x3FB0]  }
0x2e: {  	s3 =	simm.s32 @!p0 $0x1082;
	s9 =	sld [smem:$0x3FB1]  }
0x2f: {  	lr =	sadd.s32 s0, s3;
	s0 =	sld [smem:$0x3FA8]  }
0x30: {  	s3 =	sld [smem:$0x3FAB]  }
0x31: {  	[smem:$0x3FB4] =	sst s10  }
0x32: {  	s10 =	sld [smem:$0x3FB2];
	_ =	sdelay $0x3  }
0x33: {  	p0 =	seq.s32 s10, $0x1;
	s10 =	sld [smem:$0x3FB4];
	_ =	sdelay $0x3  }
0x34: {  	[smem:$0x3FB4] =	sst s10  }
0x35: {  	s10 =	sld [smem:$0x3FB3];
	_ =	sdelay $0x3  }
0x36: {  	p1 =	seq.s32 s10, $0x1;
	s10 =	sld [smem:$0x3FB4];
	_ =	sdelay $0x3  }
0x37: {  	[smem:$0x3FB4] =	sst s10  }
0x38: {  	s10 =	sld [smem:$0x3FB5]  }
0x39: {  	_ = 	snop;
	(pc) =	sbr.ind lr, $3  }
0x3a: {  	_ = 	snop  }
0x3b: {  	_ = 	snop  }
0x3c: {  	p2 =	seq.s32 s10, $0x1;
	s10 =	sld [smem:$0x3FB4]  }
0x3d: {  	_ =	shalt  }
0x3e: {  	_ =	shalt  }
0x3f: {  	_ =	shalt  }
0x40: {  	_ =	shalt  }
0x41: {  	_ =	shalt  }
0x42: {  	_ =	shalt  }
0x43: {  	_ =	shalt  }
0x44: {  	_ =	shalt  }
0x45: {  	_ =	shalt  }
0x46: {  	_ =	shalt  }
0x47: {  	_ =	shalt  }
0x48: {  	_ =	shalt  }
0x49: {  	_ =	shalt  }
0x4a: {  	_ =	shalt  }
0x4b: {  	_ =	shalt  }
0x4c: {  	_ =	shalt  }
0x4d: {  	_ =	shalt  }
0x4e: {  	_ =	shalt  }
0x4f: {  	_ =	shalt  }
0x50: {  	_ =	shalt  }
0x51: {  	_ =	shalt  }
0x52: {  	_ =	shalt  }
0x53: {  	_ =	shalt  }
0x54: {  	_ =	shalt  }
0x55: {  	_ =	shalt  }
0x56: {  	_ =	shalt  }
0x57: {  	_ =	shalt  }
0x58: {  	_ =	shalt  }
0x59: {  	_ =	shalt  }
0x5a: {  	_ =	shalt  }
0x5b: {  	_ =	shalt  }
0x5c: {  	_ =	shalt  }
0x5d: {  	_ =	shalt  }
0x5e: {  	_ =	shalt  }
0x5f: {  	_ =	shalt  }
0x60: {  	_ =	shalt  }
0x61: {  	_ =	shalt  }
0x62: {  	_ =	shalt  }
0x63: {  	_ =	shalt  }
0x64: {  	_ =	shalt  }
0x65: {  	_ =	shalt  }
0x66: {  	_ =	shalt  }
0x67: {  	_ =	shalt  }
0x68: {  	_ =	shalt  }
0x69: {  	_ =	shalt  }
0x6a: {  	_ =	shalt  }
0x6b: {  	_ =	shalt  }
0x6c: {  	_ =	shalt  }
0x6d: {  	_ =	shalt  }
0x6e: {  	_ =	shalt  }
0x6f: {  	_ =	shalt  }
0x70: {  	_ =	shalt  }
0x71: {  	_ =	shalt  }
0x72: {  	_ =	shalt  }
0x73: {  	_ =	shalt  }
0x74: {  	_ =	shalt  }
0x75: {  	_ =	shalt  }
0x76: {  	_ =	shalt  }
0x77: {  	_ =	shalt  }
0x78: {  	_ =	shalt  }
0x79: {  	_ =	shalt  }
0x7a: {  	_ =	shalt  }
0x7b: {  	_ =	shalt  }
0x7c: {  	_ =	shalt  }
0x7d: {  	_ =	shalt  }
0x7e: {  	_ =	shalt  }
0x7f: {  	_ =	shalt  }
0x80: {  	_ =	shalt  }
0x81: {  	_ =	shalt  }
0x82: {  	_ =	shalt  }
0x83: {  	_ =	shalt  }
0x84: {  	_ =	shalt  }
0x85: {  	_ =	shalt  }
0x86: {  	_ =	shalt  }
0x87: {  	_ =	shalt  }
.Lfunc_end0:
.L_simem_size_0:
called_computation_lowered:
.L_overlay_start_0:
0x88: {  	s2 =	sld [smem:$0x3FD9]  }
0x89: {  	s3 =	sld [smem:$0x3FFE];
	_ =	sdelay $0x1  }
0x8a: {  	s1 =	srdreg.scid  }
0x8b: {  	s0 =	sand.u32 $0x1, s1  }
0x8c: {  	s17 =	sshll.u32 s0, $0xA;
	s2 =	sadd.s32 s3, s2  }
0x8d: {  	s2 =	sadd.s32 s2, s17  }
0x8e: {  	[smem:$0x3FC0] =	sst s2  }
0x8f: {  	_ = 	snop  }
0x90: {  	s2 =	sld [smem:$0x3FD0];
	(tm) =	ssettm $0x1  }
0x91: {  	s18 =	sld [smem:$0x3FFB];
	_ =	sdelay $0x3  }
0x92: {  	_ =	strace s18  }
0x93: {  	s3 =	sld [smem:$0x3FFC];
	_ =	sdelay $0x3  }
0x94: {  	_ =	strace s3  }
0x95: {  	s3 =	sld [smem:$0x3FFD];
	_ =	sdelay $0x3  }
0x96: {  	_ =	strace s3  }
0x97: {  	_ =	strace $0x8FFFFFFF  }
0x98: {  	s19 =	sld [smem:$0x3FDB];
	_ =	sdelay $0x1  }
0x99: {  	s4 =	simm.s32 $_scs_section_size  }
0x9a: {  	s5 =	simm.s32 $_size__tile_overlayer_lowered;
	s6 =	simm.s32 $_tile_overlayer_lowered  }
0x9b: {  	s22 =	simm.s32 $0x1BFF;
	s21 =	sshll.u32 s6, $0x1;
	s3 =	sadd.s32 s4, s19  }
0x9c: {  	s7 =	simm.s32 $0x0;
	s20 =	sshll.u32 s5, $0x1;
	s5 =	sadd.s32 s21, s3  }
0x9d: {  	[timem:s7], [sflag:s22] =	dma.local [hbm:s5], s20  }
0x9e: {  	_ =	swait.ge [sflag:s22], s20  }
0x9f: {  	s4 =	ssub.s32 $0x0, s20;
	[sflag:s22] =	ssyncset.done $0x0  }
0xa0: {  	[sflag:s22] =	ssyncadd.s32 s4;
	_ =	sdelay $0x1  }
0xa1: {  	s23 =	simm.s32 $0x1B8B  }
0xa2: {  	_ =	swait.ge [sflag:s23], $0x1  }
0xa3: {  	[sflag:s23] =	ssyncset.done $0x0  }
0xa4: {  	s25 =	simm.s32 $0x1B8E;
	s24 =	sld [smem:$0x3FFE];
	[sflag:s23] =	ssyncadd.s32 $0xFFFFFFFF  }
0xa5: {  	s26 =	simm.s32 $execute0_lowered;
	[smem:$0x3FD2] =	sst s25  }
0xa6: {  	s5 =	sshll.u32 s26, $0x1;
	_ =	strace $0x80000046;
	[dreg:$0x1] =	wrdreg $0xFFFFFFFF  }
0xa7: {  	s28 =	simm.s32 $_size_execute0_lowered;
	s3 =	sadd.s32 s3, s5;
	[dreg:$0x0] =	wrdreg $0x0  }
0xa8: {  	s5 =	sshll.u32 s28, $0x1;
	[dreg:$0x2] =	wrdreg s3  }
0xa9: {  	[dreg:$0x3] =	wrdreg s5  }
0xaa: {  	[dreg:$0x4] =	wrdreg $0xC0  }
0xab: {  	_ =	task [dreg:s7], $0x5FFFF  }
0xac: {  	[dreg:$0x1] =	wrdreg $0xFFFFFFFF  }
0xad: {  	[dreg:$0x0] =	wrdreg $0x60  }
0xae: {  	[dreg:$0x2] =	wrdreg s2  }
0xaf: {  	[dreg:$0x3] =	wrdreg s24  }
0xb0: {  	[dreg:$0x4] =	wrdreg $0x48800  }
0xb1: {  	[dreg:$0x5] =	wrdreg $0x9  }
0xb2: {  	_ =	task.clear_ibuf [dreg:s7], $0x6FFFF;
	_ =	strace $0x90000046  }
0xb3: {  	s29 =	simm.s32 $0x9;
	_ =	strace $0x80000048  }
0xb4: {  	_ =	swait.ge [sflag:s29], $0x1  }
0xb5: {  	[sflag:s29] =	ssyncadd.s32 $0xFFFFFFFF  }
0xb6: {  	_ =	strace $0x90000048  }
0xb7: {  	_ =	sfence  }
0xb8: {  	s30 =	sld [smem:$0x0];
	_ =	sdelay $0x2  }
0xb9: {  	s31 =	sshll.u32 s1, $0xD;
	s1 =	sshrl.u32 s1, $0x2  }
0xba: {  	s3 =	sand.u32 $0x4000, s31;
	s1 =	sadd.s32 s1, s30  }
0xbb: {  	s0 =	sor.u32 s3, s0;
	s1 =	sshll.u32 s1, $0x11  }
0xbc: {  	s0 =	sor.u32 s1, s0  }
0xbd: {  	s0 =	sadd.s32 $0x8F2B, s0  }
0xbe: {  	[sflag:s0] =	ssyncadd.remote.s32 $0x1  }
0xbf: {  	_ =	sfence.sel $0xFFFF  }
0xc0: {  	[dreg:$0x0] =	wrdreg $0xFFFFFFFF;
	(pc) =	sbr.abs _section_cstart, $3  }
0xc1: {  	[dreg:$0x1] =	wrdreg $0xFFFFFFFF  }
0xc2: {  	_ =	task.clear_ibuf [dreg:s7], $0x2FFFF;
	_ =	strace $0x9FFFFFFF  }
0xc3: {  	(tm) =	ssettm $0x7FFFFFFF  }
tec
execute0_lowered:
.L_overlay_start_1:
0x0: {  	(tag) =	ssettag $0x1  }
0x1: {  	s5 =	rddreg [dreg:$0x0]  }
0x2: {  	s1 =	srdreg.scid;
	s4 =	rddreg [dreg:$0x1]  }
0x3: {  	s0 =	stileid.u32;
	s2 =	rddreg [dreg:$0x2];
	s3 =	simm.s32 $0x0  }
0x4: {  	s11 =	simm.s32 $0x4000;
	s6 =	sand.u32 $0x1, s1;
	s1 =	rddreg [dreg:$0x3]  }
0x5: {  	s12 =	simm.s32 $0x1;
	s7 =	smul.u32 $0x7D0, s0;
	[smem:$0x7FF] =	sst s3  }
0x6: {  	s10 =	smul.u32 $0x1F40, s0;
	s31 =	sshll.u32 s0, $0xB;
	p0 =	sgt.u32 s0, $0x4  }
0x7: {  	s8 =	smul.u32 $0x2710, s6;
	s9 =	ssub.s32 $0x2, s6;
	_ =	strace $0x80000047  }
0x8: {  	s6 =	sshll.u32 s6, $0xF;
	s5 =	sadd.s32 s5, s31;
	s29 =	sshrl.u32 s9, $0x1  }
0x9: {  	s30 =	sshrl.u32 s10, $0x2;
	s5 =	sadd.s32 s6, s5;
	s8 =	sadd.s32 s7, s8  }
0xa: {  	s6 =	sadd.s32 s7, s2;
	s10 =	simm.s32 $0x50;
	s8 =	sshrl.u32 s8, $0x3  }
0xb: {  	s9 =	ssub.s32 s9, s29;
	s8 =	sadd.s32 s8, s4;
	s4 =	sadd.s32 s30, s2  }
0xc: {  	v0 =	vimm.f32 $0.0e+00;
	v1 =	vimm.f32 $1.000000000e+00;
	s7 =	sadd.s32 $0x3600, s8;
	s8 =	smax.u32 s9, $0x1;
	s9 =	simm.s32 $0x2  }
.LBB2_1:
0xd: {  	s13 =	simm.s32 $0x40;
	s14 =	simm.s32 $0x0  }
.LBB2_2:
0xe: {  	p1 =	sne.s32 s13, $0x1F00;
	[tilespmem:s14+$0x4080] =	vst v0;
	s14 =	smov.u32 s13;
	s13 =	sadd.s32 $0x40, s13  }
.Ltmp0:
0xf: {  	(pc) =	sbr.rel @p1 .LBB2_2-.Ltmp0, $2  }
0x10: {  	_ =	sdelay $0x2  }
0x11: {  	s14 =	sshra.s32 s14, $0x2  }
0x12: {  	[tilespmem:s14+$0x4080] =	vst v0;
	s13 =	simm.s32 @!p0 $0x4080  }
0x13: {  	[spmem:s4] =	stream.linear.scatter @!p0 [tilespmem:s13], [sflag:$0x2], $0x7D0, $0x38;
	[tilespmem:$0x4AF8] =	vst v63  }
0x14: {  	s13 =	simm.s32 @!p0 $0x2  }
0x15: {  	_ =	swait.ge @!p0 [sflag:s13], $0x7D0  }
0x16: {  	[sflag:s13] =	ssyncset.done @!p0 $0x0  }
0x17: {  	[sflag:s13] =	ssyncadd.s32 @!p0 $0xFFFFF830  }
0x18: {  	[tilespmem:$0x4000] =	vst v1  }
0x19: {  	[tilespmem:$0x4010] =	vst v1  }
0x1a: {  	[tilespmem:$0x4020] =	vst v1  }
0x1b: {  	[tilespmem:$0x4030] =	vst v1  }
0x1c: {  	s30 =	simm.s32 $0x0;
	[tilespmem:$0x4040] =	vst v1  }
0x1d: {  	[tilespmem:s30], [sflag:$0x2] =	stream.linear.gather [hbm4b:s5+s30], $0x3E80, $0x38;
	[tilespmem:$0x4AF8] =	vst v63  }
0x1e: {  	_ =	swait.ge [sflag:s9], $0x3E80  }
0x1f: {  	[sflag:s9] =	ssyncset.done $0x0  }
0x20: {  	[sflag:s9] =	ssyncadd.s32 $0xFFFFC180  }
0x21: {  	s31 =	simm.s32 $0x0;
	[bflag:$0x0] =	sbarrier.arrive $0xFFFF  }
0x22: {  	[spmem:s2] =	stream.indirect.scatter.add.f32 [tilespmem:s11], [sflag:$0x1], $0x1, s31, s10, $0xb8;
	[tilespmem:$0x4AF8] =	vst v63  }
0x23: {  	_ =	swait.ge [sflag:s12], $0x50  }
0x24: {  	s13 =	simm.s32 $0x200;
	[sflag:s12] =	ssyncset.done $0x0  }
.LBB2_4:
0x25: {  	s14 =	sshra.s32 s13, $0x2;
	[sflag:s12] =	ssyncadd.s32 $0xFFFFFFB0;
	p1 =	sne.s32 s13, $0xF800  }
0x26: {  	[spmem:s2] =	stream.indirect.scatter.add.f32 [tilespmem:s11], [sflag:$0x1], $0x1, s14, s10, $0xb8;
	[tilespmem:$0x4AF8] =	vst v63  }
.Ltmp1:
0x27: {  	_ = 	snop;
	(pc) =	sbr.rel @p1 .LBB2_4-.Ltmp1, $4  }
0x28: {  	_ = 	snop  }
0x29: {  	s13 =	sadd.s32 $0x200, s13  }
0x2a: {  	_ =	swait.ge [sflag:s12], $0x50  }
0x2b: {  	[sflag:s12] =	ssyncset.done $0x0  }
0x2c: {  	[sflag:s12] =	ssyncadd.s32 $0xFFFFFFB0  }
0x2d: {  	s13 =	simm.s32 @!p0 $0x4080;
	s14 =	simm.s32 @!p0 $0x2;
	[bflag:$0x0] =	sbarrier.arrive $0xFFFF  }
0x2e: {  	[tilespmem:s13], [sflag:$0x2] =	stream.linear.gather @!p0 [spmem:s6], $0x7D0, $0x38;
	[tilespmem:$0x4AF8] =	vst v63  }
0x2f: {  	s3 =	sadd.s32 $0x1, s3;
	_ =	swait.ge @!p0 [sflag:s14], $0x7D0  }
0x30: {  	p1 =	sne.s32 s3, s8;
	[sflag:s14] =	ssyncset.done @!p0 $0x0  }
.Ltmp2:
0x31: {  	s15 =	simm.s32 @!p0 $0x0;
	[sflag:s14] =	ssyncadd.s32 @!p0 $0xFFFFF830;
	(pc) =	sbr.rel @p1 .LBB2_1-.Ltmp2, $4  }
0x32: {  	[hbm4b:s7+s15] =	stream.linear.scatter @!p0 [tilespmem:s13], [sflag:$0x2], $0x7D0, $0x38;
	[tilespmem:$0x4AF8] =	vst v63  }
0x33: {  	_ =	swait.ge @!p0 [sflag:s14], $0x7D0  }
0x34: {  	[sflag:s14] =	ssyncset.done @!p0 $0x0  }
0x35: {  	[sflag:s14] =	ssyncadd.s32 @!p0 $0xFFFFF830  }
0x36: {  	_ =	sfence.sel $0x180000  }
0x37: {  	[bflag:$0x0] =	sbarrier.arrive $0xFFFF  }
0x38: {  	p0 =	sne.s32 s0, $0x0;
	_ =	strace $0x90000047  }
0x39: {  	s0 =	sadd.s32 @!p0 $0x100000, s1;
	[bflag:$0x2] =	sbarrier.arrive $0xFFFF  }
0x3a: {  	[sflag:s0] =	ssyncadd.tile.s32 @!p0 $0x1;
	_ =	shalt  }
.Lfunc_end2:
_tile_overlayer_lowered:
.L_overlay_start_2:
0x3b: {  	(tag) =	ssettag $0x2  }
0x3c: {  	s0 =	rddreg [dreg:$0x0];
	s2 =	stileid.u32  }
0x3d: {  	s1 =	rddreg [dreg:$0x1];
	p0 =	sne.s32 s2, $0x0  }
0x3e: {  	s3 =	rddreg [dreg:$0x2];
	[bflag:$0x3] =	sbarrier.arrive $0xFFFF;
	s2 =	simm.s32 @!p0 $0x1C02  }
0x3f: {  	[timem:s3], [sflag:s2] =	dma.local @!p0 [hbm:s0], s1  }
0x40: {  	s0 =	simm.s32 @!p0 $0x2  }
0x41: {  	_ =	swait.ge @!p0 [sflag:s0], s1  }
0x42: {  	s1 =	ssub.s32 @!p0 $0x0, s1;
	[sflag:s0] =	ssyncset.done @!p0 $0x0  }
0x43: {  	[sflag:s0] =	ssyncadd.s32 @!p0 s1  }
0x44: {  	[bflag:$0x3] =	sbarrier.arrive $0xFFFF  }
0x45: {  	_ =	shalt  }

// kernel: kernel.13.cloned.1.call-start
scs
__scs_entry_jumppad:
0x0: {  	(pc) =	sbr.rel $0x88, $3  }
0x1: {  	(tag) =	ssettag $0x0;
	lr =	simm.s32 $0x1  }
0x2: {  	[smem:$0x3F99] =	sst lr;
	_ =	strace $0xD0000000  }
0x3: {  	_ = 	snop  }
0x4: {  	_ = 	snop  }
0x5: {  	_ = 	snop  }
0x6: {  	_ = 	snop  }
0x7: {  	_ = 	snop  }
__scs_overlays_trampoline_lowered:
0x8: {  	[smem:$0x3FA8] =	sst s0  }
0x9: {  	[smem:$0x3FA9] =	sst s1  }
0xa: {  	[smem:$0x3FAA] =	sst s2  }
0xb: {  	[smem:$0x3FAB] =	sst s3  }
0xc: {  	[smem:$0x3FAC] =	sst s4  }
0xd: {  	[smem:$0x3FAD] =	sst s5  }
0xe: {  	[smem:$0x3FAE] =	sst s6  }
0xf: {  	[smem:$0x3FAF] =	sst s7  }
0x10: {  	[smem:$0x3FB0] =	sst s8  }
0x11: {  	[smem:$0x3FB1] =	sst s9;
	s0 =	simm.s32 @!p0 $0x0  }
0x12: {  	s1 =	sld [smem:$0x3F97];
	s0 =	simm.s32 @p0 $0x1  }
0x13: {  	[smem:$0x3FB2] =	sst s0;
	s0 =	simm.s32 @!p1 $0x0  }
0x14: {  	s2 =	sld [smem:$0x3F96];
	s0 =	simm.s32 @p1 $0x1  }
0x15: {  	[smem:$0x3FB3] =	sst s0;
	s0 =	simm.s32 @!p2 $0x0  }
0x16: {  	s3 =	sld [smem:$0x3FDB];
	s0 =	simm.s32 @p2 $0x1  }
0x17: {  	s4 =	simm.s32 $0x1BF5;
	[smem:$0x3FB5] =	sst s0  }
0x18: {  	s0 =	sld [smem:$0x3F98];
	_ =	swait.ge [sflag:s4], $0x0  }
0x19: {  	s7 =	sld [smem:$0x3F99]  }
0x1a: {  	s8 =	sadd.s32 $0xFFFFE003, lr  }
0x1b: {  	s9 =	sadd.s32 $0xFFFFFEF7, lr;
	s5 =	simm.s32 $0xFFFFFFFF;
	p2 =	slt.u32 s8, $0xFFFFF086  }
0x1c: {  	p1 =	slt.u32 s9, $0xF7A;
	s5 =	simm.s32 @!p2 $0x0  }
0x1d: {  	s5 =	simm.s32 @p1 $0x1;
	p0 =	seq.s32 s7, s2  }
0x1e: {  	s7 =	smul.u32 @!p0 $0xF7A, s2;
	p2 =	seq.s32 @!p0 s5, $0x0  }
0x1f: {  	s9 =	smul.u32 $0xF7A, s1;
	s8 =	simm.s32 @!p0 $0x1BF5;
	p2 =	por !p2, p0  }
0x20: {  	[sflag:s8] =	ssyncset.s32 @!p0 $0xFFFFF086;
	s6 =	sadd.s32 @!p0 s3, s7;
	s7 =	simm.s32 @!p0 $0x108  }
0x21: {  	s3 =	sadd.s32 s3, s9;
	s6 =	sadd.s32 @!p0 $0x88, s6;
	s7 =	simm.s32 @p2 $0x1082  }
0x22: {  	[simem:s7], [sflag:s8] =	dma.local @!p0 [hbm:s6], $0xF7A  }
0x23: {  	s9 =	sor.u32 $0xD0000000, s2;
	s6 =	simm.s32 $0x108;
	_ =	swait.ge @!p0 [sflag:s8], $0x0  }
0x24: {  	s3 =	sadd.s32 $0x88, s3;
	s6 =	simm.s32 @!p1 $0x1082;
	[sflag:s4] =	ssyncset.s32 $0xFFFFF086  }
0x25: {  	[simem:s6], [sflag:s4] =	dma.local [hbm:s3], $0xF7A  }
0x26: {  	[smem:$0x3F99] =	sst s1;
	(tag) =	ssettag s2;
	_ =	strace s9  }
0x27: {  	s1 =	sld [smem:$0x3FA9]  }
0x28: {  	s2 =	sld [smem:$0x3FAA]  }
0x29: {  	s4 =	sld [smem:$0x3FAC]  }
0x2a: {  	p0 =	seq.s32 s5, $0x0;
	s5 =	sld [smem:$0x3FAD]  }
0x2b: {  	s6 =	sld [smem:$0x3FAE]  }
0x2c: {  	s7 =	sld [smem:$0x3FAF]  }
0x2d: {  	s3 =	simm.s32 $0x108;
	s8 =	sld [smem:$0x3FB0]  }
0x2e: {  	s3 =	simm.s32 @!p0 $0x1082;
	s9 =	sld [smem:$0x3FB1]  }
0x2f: {  	lr =	sadd.s32 s0, s3;
	s0 =	sld [smem:$0x3FA8]  }
0x30: {  	s3 =	sld [smem:$0x3FAB]  }
0x31: {  	[smem:$0x3FB4] =	sst s10  }
0x32: {  	s10 =	sld [smem:$0x3FB2];
	_ =	sdelay $0x3  }
0x33: {  	p0 =	seq.s32 s10, $0x1;
	s10 =	sld [smem:$0x3FB4];
	_ =	sdelay $0x3  }
0x34: {  	[smem:$0x3FB4] =	sst s10  }
0x35: {  	s10 =	sld [smem:$0x3FB3];
	_ =	sdelay $0x3  }
0x36: {  	p1 =	seq.s32 s10, $0x1;
	s10 =	sld [smem:$0x3FB4];
	_ =	sdelay $0x3  }
0x37: {  	[smem:$0x3FB4] =	sst s10  }
0x38: {  	s10 =	sld [smem:$0x3FB5]  }
0x39: {  	_ = 	snop;
	(pc) =	sbr.ind lr, $3  }
0x3a: {  	_ = 	snop  }
0x3b: {  	_ = 	snop  }
0x3c: {  	p2 =	seq.s32 s10, $0x1;
	s10 =	sld [smem:$0x3FB4]  }
0x3d: {  	_ =	shalt  }
0x3e: {  	_ =	shalt  }
0x3f: {  	_ =	shalt  }
0x40: {  	_ =	shalt  }
0x41: {  	_ =	shalt  }
0x42: {  	_ =	shalt  }
0x43: {  	_ =	shalt  }
0x44: {  	_ =	shalt  }
0x45: {  	_ =	shalt  }
0x46: {  	_ =	shalt  }
0x47: {  	_ =	shalt  }
0x48: {  	_ =	shalt  }
0x49: {  	_ =	shalt  }
0x4a: {  	_ =	shalt  }
0x4b: {  	_ =	shalt  }
0x4c: {  	_ =	shalt  }
0x4d: {  	_ =	shalt  }
0x4e: {  	_ =	shalt  }
0x4f: {  	_ =	shalt  }
0x50: {  	_ =	shalt  }
0x51: {  	_ =	shalt  }
0x52: {  	_ =	shalt  }
0x53: {  	_ =	shalt  }
0x54: {  	_ =	shalt  }
0x55: {  	_ =	shalt  }
0x56: {  	_ =	shalt  }
0x57: {  	_ =	shalt  }
0x58: {  	_ =	shalt  }
0x59: {  	_ =	shalt  }
0x5a: {  	_ =	shalt  }
0x5b: {  	_ =	shalt  }
0x5c: {  	_ =	shalt  }
0x5d: {  	_ =	shalt  }
0x5e: {  	_ =	shalt  }
0x5f: {  	_ =	shalt  }
0x60: {  	_ =	shalt  }
0x61: {  	_ =	shalt  }
0x62: {  	_ =	shalt  }
0x63: {  	_ =	shalt  }
0x64: {  	_ =	shalt  }
0x65: {  	_ =	shalt  }
0x66: {  	_ =	shalt  }
0x67: {  	_ =	shalt  }
0x68: {  	_ =	shalt  }
0x69: {  	_ =	shalt  }
0x6a: {  	_ =	shalt  }
0x6b: {  	_ =	shalt  }
0x6c: {  	_ =	shalt  }
0x6d: {  	_ =	shalt  }
0x6e: {  	_ =	shalt  }
0x6f: {  	_ =	shalt  }
0x70: {  	_ =	shalt  }
0x71: {  	_ =	shalt  }
0x72: {  	_ =	shalt  }
0x73: {  	_ =	shalt  }
0x74: {  	_ =	shalt  }
0x75: {  	_ =	shalt  }
0x76: {  	_ =	shalt  }
0x77: {  	_ =	shalt  }
0x78: {  	_ =	shalt  }
0x79: {  	_ =	shalt  }
0x7a: {  	_ =	shalt  }
0x7b: {  	_ =	shalt  }
0x7c: {  	_ =	shalt  }
0x7d: {  	_ =	shalt  }
0x7e: {  	_ =	shalt  }
0x7f: {  	_ =	shalt  }
0x80: {  	_ =	shalt  }
0x81: {  	_ =	shalt  }
0x82: {  	_ =	shalt  }
0x83: {  	_ =	shalt  }
0x84: {  	_ =	shalt  }
0x85: {  	_ =	shalt  }
0x86: {  	_ =	shalt  }
0x87: {  	_ =	shalt  }
.Lfunc_end0:
.L_simem_size_0:
called_computation.1_lowered:
.L_overlay_start_0:
0x88: {  	s2 =	sld [smem:$0x3FD9]  }
0x89: {  	s3 =	sld [smem:$0x3FFE];
	_ =	sdelay $0x1  }
0x8a: {  	s1 =	srdreg.scid  }
0x8b: {  	s0 =	sand.u32 $0x1, s1  }
0x8c: {  	s17 =	sshll.u32 s0, $0xA;
	s2 =	sadd.s32 s3, s2  }
0x8d: {  	s2 =	sadd.s32 s2, s17  }
0x8e: {  	[smem:$0x3FC0] =	sst s2  }
0x8f: {  	_ = 	snop  }
0x90: {  	s2 =	sld [smem:$0x3FD0];
	(tm) =	ssettm $0x1  }
0x91: {  	s18 =	sld [smem:$0x3FFB];
	_ =	sdelay $0x3  }
0x92: {  	_ =	strace s18  }
0x93: {  	s3 =	sld [smem:$0x3FFC];
	_ =	sdelay $0x3  }
0x94: {  	_ =	strace s3  }
0x95: {  	s3 =	sld [smem:$0x3FFD];
	_ =	sdelay $0x3  }
0x96: {  	_ =	strace s3  }
0x97: {  	_ =	strace $0x8FFFFFFF  }
0x98: {  	s19 =	sld [smem:$0x3FDB];
	_ =	sdelay $0x1  }
0x99: {  	s4 =	simm.s32 $_scs_section_size  }
0x9a: {  	s5 =	simm.s32 $_size__tile_overlayer_lowered;
	s6 =	simm.s32 $_tile_overlayer_lowered  }
0x9b: {  	s22 =	simm.s32 $0x1BFF;
	s21 =	sshll.u32 s6, $0x1;
	s3 =	sadd.s32 s4, s19  }
0x9c: {  	s7 =	simm.s32 $0x0;
	s20 =	sshll.u32 s5, $0x1;
	s5 =	sadd.s32 s21, s3  }
0x9d: {  	[timem:s7], [sflag:s22] =	dma.local [hbm:s5], s20  }
0x9e: {  	_ =	swait.ge [sflag:s22], s20  }
0x9f: {  	s4 =	ssub.s32 $0x0, s20;
	[sflag:s22] =	ssyncset.done $0x0  }
0xa0: {  	[sflag:s22] =	ssyncadd.s32 s4;
	_ =	sdelay $0x1  }
0xa1: {  	s23 =	simm.s32 $0x1B8B  }
0xa2: {  	_ =	swait.ge [sflag:s23], $0x1  }
0xa3: {  	[sflag:s23] =	ssyncset.done $0x0  }
0xa4: {  	s25 =	simm.s32 $0x1B8E;
	s24 =	sld [smem:$0x3FFE];
	[sflag:s23] =	ssyncadd.s32 $0xFFFFFFFF  }
0xa5: {  	s26 =	simm.s32 $execute0_lowered;
	[smem:$0x3FD2] =	sst s25  }
0xa6: {  	s5 =	sshll.u32 s26, $0x1;
	_ =	strace $0x80000049;
	[dreg:$0x1] =	wrdreg $0xFFFFFFFF  }
0xa7: {  	s28 =	simm.s32 $_size_execute0_lowered;
	s3 =	sadd.s32 s3, s5;
	[dreg:$0x0] =	wrdreg $0x0  }
0xa8: {  	s5 =	sshll.u32 s28, $0x1;
	[dreg:$0x2] =	wrdreg s3  }
0xa9: {  	[dreg:$0x3] =	wrdreg s5  }
0xaa: {  	[dreg:$0x4] =	wrdreg $0xC0  }
0xab: {  	_ =	task [dreg:s7], $0x5FFFF  }
0xac: {  	[dreg:$0x1] =	wrdreg $0xFFFFFFFF  }
0xad: {  	[dreg:$0x0] =	wrdreg $0x60  }
0xae: {  	[dreg:$0x2] =	wrdreg s2  }
0xaf: {  	[dreg:$0x3] =	wrdreg s24  }
0xb0: {  	[dreg:$0x4] =	wrdreg $0x150000  }
0xb1: {  	[dreg:$0x5] =	wrdreg $0x9  }
0xb2: {  	_ =	task.clear_ibuf [dreg:s7], $0x6FFFF;
	_ =	strace $0x90000049  }
0xb3: {  	s29 =	simm.s32 $0x9;
	_ =	strace $0x8000004B  }
0xb4: {  	_ =	swait.ge [sflag:s29], $0x1  }
0xb5: {  	[sflag:s29] =	ssyncadd.s32 $0xFFFFFFFF  }
0xb6: {  	_ =	strace $0x9000004B  }
0xb7: {  	_ =	sfence  }
0xb8: {  	s30 =	sld [smem:$0x0];
	_ =	sdelay $0x2  }
0xb9: {  	s31 =	sshll.u32 s1, $0xD;
	s1 =	sshrl.u32 s1, $0x2  }
0xba: {  	s3 =	sand.u32 $0x4000, s31;
	s1 =	sadd.s32 s1, s30  }
0xbb: {  	s0 =	sor.u32 s3, s0;
	s1 =	sshll.u32 s1, $0x11  }
0xbc: {  	s0 =	sor.u32 s1, s0  }
0xbd: {  	s0 =	sadd.s32 $0x8F2B, s0  }
0xbe: {  	[sflag:s0] =	ssyncadd.remote.s32 $0x1  }
0xbf: {  	_ =	sfence.sel $0xFFFF  }
0xc0: {  	[dreg:$0x0] =	wrdreg $0xFFFFFFFF;
	(pc) =	sbr.abs _section_cstart, $3  }
0xc1: {  	[dreg:$0x1] =	wrdreg $0xFFFFFFFF  }
0xc2: {  	_ =	task.clear_ibuf [dreg:s7], $0x2FFFF;
	_ =	strace $0x9FFFFFFF  }
0xc3: {  	(tm) =	ssettm $0x7FFFFFFF  }
tec
execute0_lowered:
.L_overlay_start_1:
0x0: {  	(tag) =	ssettag $0x1  }
0x1: {  	s1 =	rddreg [dreg:$0x0]  }
0x2: {  	s0 =	rddreg [dreg:$0x1]  }
0x3: {  	s2 =	rddreg [dreg:$0x2];
	s4 =	simm.s32 $0x0;
	s3 =	srdreg.scid  }
0x4: {  	s25 =	stileid.u32;
	s28 =	simm.s32 $0x50;
	s30 =	simm.s32 $0x12800  }
0x5: {  	s31 =	simm.s32 $0x1;
	s29 =	simm.s32 $0x2;
	[smem:$0x7FF] =	sst s4  }
0x6: {  	s3 =	sand.u32 $0x1, s3;
	s5 =	sshll.u32 s25, $0xC;
	s12 =	smul.u32 $0x140, s25  }
0x7: {  	s22 =	smul.u32 $0x28000, s25;
	p0 =	seq.s32 s25, $0xF;
	s25 =	simm.s32 $0x5  }
0x8: {  	_ =	strace $0x8000004A;
	s6 =	ssub.s32 $0x2, s3;
	s5 =	sadd.s32 s5, s0  }
0x9: {  	s0 =	sadd.s32 $0x24000, s0;
	s7 =	sshrl.u32 s6, $0x1;
	s8 =	sadd.s32 $0x14000, s5  }
0xa: {  	s5 =	sadd.s32 $0x4000, s5;
	s24 =	sshrl.u32 s22, $0x2;
	s26 =	sadd.s32 $0x50, s12  }
0xb: {  	s21 =	sadd.s32 $0xF0, s12;
	s19 =	sor.u32 $0x28, s12;
	[dreg:$0x4] =	wrdreg s8  }
0xc: {  	s6 =	ssub.s32 s6, s7;
	[dreg:$0x5] =	wrdreg s5;
	s5 =	smul.u32 $0x1388, s3  }
0xd: {  	s8 =	sadd.s32 s24, s2;
	s15 =	sshll.u32 s26, $0x7;
	s7 =	sadd.s32 $0xA0, s12  }
0xe: {  	s17 =	sshll.u32 s21, $0x7;
	s20 =	sshll.u32 s19, $0x7;
	s24 =	sadd.s32 $0x78, s12  }
0xf: {  	s23 =	smax.u32 s6, $0x1;
	s9 =	sadd.s32 s15, s2;
	s16 =	sshll.u32 s7, $0x7  }
0x10: {  	s11 =	sadd.s32 s17, s2;
	[dreg:$0x6] =	wrdreg s23;
	s10 =	sadd.s32 s16, s2  }
0x11: {  	s13 =	sadd.s32 s5, s12;
	s14 =	sadd.s32 s5, s19;
	s6 =	sadd.s32 s5, s26  }
0x12: {  	s26 =	sshll.u32 s24, $0x7;
	s19 =	sadd.s32 $0xC8, s12;
	s18 =	sshll.u32 s13, $0x4  }
0x13: {  	s22 =	sshll.u32 s14, $0x4;
	s23 =	sshll.u32 s6, $0x4;
	s6 =	sadd.s32 s5, s24  }
0x14: {  	s16 =	sadd.s32 s26, s2;
	s14 =	sadd.s32 s5, s7;
	s24 =	sadd.s32 s5, s21  }
0x15: {  	s3 =	sadd.s32 s0, s18;
	s15 =	sadd.s32 s0, s23;
	s13 =	sshll.u32 s6, $0x4  }
0x16: {  	s18 =	sshll.u32 s14, $0x4;
	s6 =	sadd.s32 s5, s19;
	s23 =	sadd.s32 $0x118, s12  }
0x17: {  	[dreg:$0x7] =	wrdreg s3;
	s3 =	sadd.s32 s20, s2;
	s17 =	sadd.s32 s0, s13  }
0x18: {  	s18 =	sadd.s32 s0, s18;
	s20 =	sshll.u32 s19, $0x7;
	s26 =	sadd.s32 s5, s23  }
0x19: {  	v0 =	vmov s5;
	s5 =	simm.s32 $0x6;
	[dreg:$0x8] =	wrdreg s3;
	s3 =	sadd.s32 s0, s22  }
0x1a: {  	s19 =	sadd.s32 s20, s2;
	s22 =	sshll.u32 s6, $0x4;
	s6 =	sshll.u32 s23, $0x7  }
0x1b: {  	s7 =	sshll.u32 s26, $0x4;
	s26 =	simm.s32 $0x8000;
	[dreg:$0x9] =	wrdreg s3  }
0x1c: {  	s20 =	sadd.s32 s0, s22;
	s3 =	sshll.u32 s24, $0x4;
	s22 =	sadd.s32 s6, s2  }
0x1d: {  	s23 =	sadd.s32 s0, s7;
	s24 =	simm.s32 $0x10000;
	s6 =	simm.s32 $0x0  }
0x1e: {  	v1 =	vimm.f32 $0.0e+00;
	s21 =	sadd.s32 s0, s3;
	s0 =	simm.s32 $0x3;
	s3 =	simm.s32 $0x4  }
.LBB2_1:
0x1f: {  	s7 =	simm.s32 $0x70;
	s12 =	simm.s32 $0x3C0  }
.LBB2_2:
0x20: {  	p1 =	sne.s32 s12, $0x9FC0;
	[tilespmem:s7+$0x10000] =	vst v1  }
0x21: {  	[tilespmem:s7+$0xFF90] =	vst v1  }
0x22: {  	[tilespmem:s7+$0xFFA0] =	vst v1  }
.Ltmp0:
0x23: {  	[tilespmem:s7+$0xFFB0] =	vst v1;
	(pc) =	sbr.rel @p1 .LBB2_2-.Ltmp0, $4  }
0x24: {  	[tilespmem:s7+$0xFFC0] =	vst v1  }
0x25: {  	[tilespmem:s7+$0xFFD0] =	vst v1  }
0x26: {  	[tilespmem:s7+$0xFFE0] =	vst v1  }
0x27: {  	[tilespmem:s7+$0xFFF0] =	vst v1;
	s7 =	sshra.s32 s12, $0x2;
	s12 =	sadd.s32 $0x200, s12  }
0x28: {  	[tilespmem:s7+$0x10000] =	vst v1  }
0x29: {  	[tilespmem:s7+$0xFF90] =	vst v1  }
0x2a: {  	[tilespmem:s7+$0xFFA0] =	vst v1  }
0x2b: {  	[tilespmem:s7+$0xFFB0] =	vst v1  }
0x2c: {  	[tilespmem:s7+$0xFFC0] =	vst v1  }
0x2d: {  	[tilespmem:s7+$0xFFD0] =	vst v1  }
0x2e: {  	[tilespmem:s7+$0xFFE0] =	vst v1  }
0x2f: {  	[tilespmem:s7+$0xFFF0] =	vst v1  }
0x30: {  	[spmem:s8] =	stream.linear.scatter [tilespmem:s24], [sflag:$0x5], $0x2800, $0x38;
	[tilespmem:$0x1F000] =	vst v63  }
0x31: {  	_ =	swait.ge [sflag:s25], $0x2800  }
0x32: {  	[sflag:s25] =	ssyncset.done $0x0  }
0x33: {  	[sflag:s25] =	ssyncadd.s32 $0xFFFFD800  }
0x34: {  	[spmem:s9] =	stream.linear.scatter [tilespmem:s24], [sflag:$0x5], $0x2800, $0x38;
	[tilespmem:$0x1F000] =	vst v63  }
0x35: {  	_ =	swait.ge [sflag:s25], $0x2800  }
0x36: {  	[sflag:s25] =	ssyncset.done $0x0  }
0x37: {  	[sflag:s25] =	ssyncadd.s32 $0xFFFFD800  }
0x38: {  	[spmem:s10] =	stream.linear.scatter [tilespmem:s24], [sflag:$0x5], $0x2800, $0x38;
	[tilespmem:$0x1F000] =	vst v63  }
0x39: {  	_ =	swait.ge [sflag:s25], $0x2800  }
0x3a: {  	[sflag:s25] =	ssyncset.done $0x0  }
0x3b: {  	[sflag:s25] =	ssyncadd.s32 $0xFFFFD800  }
0x3c: {  	[spmem:s11] =	stream.linear.scatter [tilespmem:s24], [sflag:$0x5], $0x2800, $0x38;
	[tilespmem:$0x1F000] =	vst v63  }
0x3d: {  	_ =	swait.ge [sflag:s25], $0x2800  }
0x3e: {  	[sflag:s25] =	ssyncset.done $0x0  }
0x3f: {  	s13 =	rddreg [dreg:$0x4];
	[sflag:s25] =	ssyncadd.s32 $0xFFFFD800  }
0x40: {  	[tilespmem:s4], [sflag:$0x5] =	stream.linear.gather [hbm4b:s13+s4], $0x7D00, $0x38;
	[tilespmem:$0x1F000] =	vst v63  }
0x41: {  	_ =	swait.ge [sflag:s25], $0x7D00  }
0x42: {  	[sflag:s25] =	ssyncset.done $0x0  }
0x43: {  	s14 =	rddreg [dreg:$0x5];
	[sflag:s25] =	ssyncadd.s32 $0xFFFF8300  }
0x44: {  	[tilespmem:s26], [sflag:$0x5] =	stream.linear.gather [hbm4b:s14+s4], $0x7D00, $0x38;
	[tilespmem:$0x1F000] =	vst v63  }
0x45: {  	_ =	swait.ge [sflag:s25], $0x7D00  }
0x46: {  	[sflag:s25] =	ssyncset.done $0x0  }
0x47: {  	s7 =	simm.s32 $0x40;
	[sflag:s25] =	ssyncadd.s32 $0xFFFF8300  }
0x48: {  	v4 =	vld [tilespmem:s7+$0x7FC0]  }
0x49: {  	v5 =	vld [tilespmem:s7+$0x7FD0]  }
0x4a: {  	v3 =	vld [tilespmem:s7+$0x7FE0]  }
0x4b: {  	s12 =	simm.s32 $0x300;
	v2 =	vld [tilespmem:s7+$0x7FF0]  }
.LBB2_4:
0x4c: {  	p1 =	sne.s32 s12, $0x1F300;
	v6 =	vld [tilespmem:s7+$0x8000]  }
0x4d: {  	v4 =	vsub.s32 v4, v0  }
0x4e: {  	v4 =	vmin.u32 v4, $0x1388;
	v5 =	vsub.s32 v5, v0  }
.Ltmp1:
0x4f: {  	s13 =	sshra.s32 s12, $0x2;
	[tilespmem:s7+$0x7FC0] =	vst v4;
	v5 =	vmin.u32 v5, $0x1388;
	v3 =	vsub.s32 v3, v0;
	(pc) =	sbr.rel @p1 .LBB2_4-.Ltmp1, $4  }
0x50: {  	v4 =	vld [tilespmem:s13+$0x7FC0];
	[tilespmem:s7+$0x7FD0] =	vst v5;
	v3 =	vmin.u32 v3, $0x1388;
	v2 =	vsub.s32 v2, v0  }
0x51: {  	v5 =	vld [tilespmem:s13+$0x7FD0];
	[tilespmem:s7+$0x7FE0] =	vst v3;
	v2 =	vmin.u32 v2, $0x1388;
	v6 =	vsub.s32 v6, v0  }
0x52: {  	v3 =	vld [tilespmem:s13+$0x7FE0];
	[tilespmem:s7+$0x7FF0] =	vst v2;
	v6 =	vmin.u32 v6, $0x1388  }
0x53: {  	s12 =	sadd.s32 $0x200, s12;
	v2 =	vld [tilespmem:s13+$0x7FF0];
	[tilespmem:s7+$0x8000] =	vst v6;
	s7 =	smov.u32 s13  }
0x54: {  	v6 =	vld [tilespmem:s7+$0x8000]  }
0x55: {  	v4 =	vsub.s32 v4, v0  }
0x56: {  	v4 =	vmin.u32 v4, $0x1388;
	v5 =	vsub.s32 v5, v0  }
0x57: {  	[tilespmem:s7+$0x7FC0] =	vst v4;
	v63 =	vmin.u32 v5, $0x1388;
	v3 =	vsub.s32 v3, v0  }
0x58: {  	[tilespmem:s7+$0x7FD0] =	vst v63;
	v3 =	vmin.u32 v3, $0x1388;
	v2 =	vsub.s32 v2, v0  }
0x59: {  	[tilespmem:s7+$0x7FE0] =	vst v3;
	v2 =	vmin.u32 v2, $0x1388;
	v3 =	vsub.s32 v6, v0  }
0x5a: {  	[tilespmem:s7+$0x7FF0] =	vst v2;
	v2 =	vmin.u32 v3, $0x1388  }
0x5b: {  	[tilespmem:s7+$0x8000] =	vst v2  }
0x5c: {  	[bflag:$0x0] =	sbarrier.arrive $0xFFFF  }
0x5d: {  	[tilespmem:s24], [sflag:$0x1] =	stream.indirect.gather [hbm4b:s1+s28], $0x80, s4, s28, $0xb8;
	[tilespmem:$0x1F000] =	vst v63  }
0x5e: {  	s12 =	simm.s32 $0x80  }
0x5f: {  	[tilespmem:s30], [sflag:$0x2] =	stream.indirect.gather [hbm4b:s1+s28], $0x80, s12, s28, $0xb8;
	[tilespmem:$0x1F000] =	vst v63  }
0x60: {  	_ =	swait.ge [sflag:s31], $0x2800  }
0x61: {  	[sflag:s31] =	ssyncset.done $0x0  }
0x62: {  	[sflag:s31] =	ssyncadd.s32 $0xFFFFD800  }
0x63: {  	[spmem:s2] =	stream.indirect.scatter.add.f32 [tilespmem:s24], [sflag:$0x3], $0x80, s26, s28, $0xb8;
	[tilespmem:$0x1F000] =	vst v63  }
0x64: {  	_ =	swait.ge [sflag:s0], $0x2800  }
0x65: {  	[sflag:s0] =	ssyncset.done $0x0  }
0x66: {  	s13 =	simm.s32 $0x100;
	[sflag:s0] =	ssyncadd.s32 $0xFFFFD800  }
0x67: {  	[tilespmem:s24], [sflag:$0x1] =	stream.indirect.gather [hbm4b:s1+s28], $0x80, s13, s28, $0xb8;
	[tilespmem:$0x1F000] =	vst v63  }
0x68: {  	_ =	swait.ge [sflag:s29], $0x2800  }
0x69: {  	[sflag:s29] =	ssyncset.done $0x0  }
0x6a: {  	s14 =	simm.s32 $0x8080;
	[sflag:s29] =	ssyncadd.s32 $0xFFFFD800  }
0x6b: {  	[spmem:s2] =	stream.indirect.scatter.add.f32 [tilespmem:s30], [sflag:$0x4], $0x80, s14, s28, $0xb8;
	[tilespmem:$0x1F000] =	vst v63  }
0x6c: {  	_ =	swait.ge [sflag:s3], $0x2800  }
0x6d: {  	[sflag:s3] =	ssyncset.done $0x0  }
0x6e: {  	s12 =	simm.s32 $0x180;
	[sflag:s3] =	ssyncadd.s32 $0xFFFFD800  }
0x6f: {  	[tilespmem:s30], [sflag:$0x2] =	stream.indirect.gather [hbm4b:s1+s28], $0x80, s12, s28, $0xb8;
	[tilespmem:$0x1F000] =	vst v63  }
0x70: {  	_ =	swait.ge [sflag:s31], $0x2800  }
0x71: {  	[sflag:s31] =	ssyncset.done $0x0  }
0x72: {  	s13 =	simm.s32 $0x8100;
	[sflag:s31] =	ssyncadd.s32 $0xFFFFD800  }
0x73: {  	[spmem:s2] =	stream.indirect.scatter.add.f32 [tilespmem:s24], [sflag:$0x3], $0x80, s13, s28, $0xb8;
	[tilespmem:$0x1F000] =	vst v63  }
0x74: {  	_ =	swait.ge [sflag:s0], $0x2800  }
0x75: {  	[sflag:s0] =	ssyncset.done $0x0  }
0x76: {  	s14 =	simm.s32 $0x200;
	[sflag:s0] =	ssyncadd.s32 $0xFFFFD800  }
0x77: {  	[tilespmem:s24], [sflag:$0x1] =	stream.indirect.gather [hbm4b:s1+s28], $0x80, s14, s28, $0xb8;
	[tilespmem:$0x1F000] =	vst v63  }
0x78: {  	_ =	swait.ge [sflag:s29], $0x2800  }
0x79: {  	[sflag:s29] =	ssyncset.done $0x0  }
0x7a: {  	s7 =	simm.s32 $0xFFFE1800;
	s12 =	simm.s32 $0x8180;
	[sflag:s29] =	ssyncadd.s32 $0xFFFFD800  }
.LBB2_6:
0x7b: {  	[spmem:s2] =	stream.indirect.scatter.add.f32 [tilespmem:s30], [sflag:$0x4], $0x80, s12, s28, $0xb8;
	[tilespmem:$0x1F000] =	vst v63  }
0x7c: {  	s12 =	smov.u32 s7  }
0x7d: {  	p1 =	sne.s32 s7, $0xFFFFFC00;
	s7 =	sadd.s32 $0x400, s7;
	_ =	swait.ge [sflag:s3], $0x2800  }
0x7e: {  	s12 =	sshra.s32 s12, $0x2;
	[sflag:s3] =	ssyncset.done $0x0  }
0x7f: {  	s13 =	sadd.s32 $0x7C80, s12;
	[sflag:s3] =	ssyncadd.s32 $0xFFFFD800  }
0x80: {  	[tilespmem:s30], [sflag:$0x2] =	stream.indirect.gather [hbm4b:s1+s28], $0x80, s13, s28, $0xb8;
	[tilespmem:$0x1F000] =	vst v63  }
0x81: {  	_ =	swait.ge [sflag:s31], $0x2800  }
0x82: {  	[sflag:s31] =	ssyncset.done $0x0  }
0x83: {  	s13 =	sadd.s32 $0xFC00, s12;
	[sflag:s31] =	ssyncadd.s32 $0xFFFFD800  }
0x84: {  	[spmem:s2] =	stream.indirect.scatter.add.f32 [tilespmem:s24], [sflag:$0x3], $0x80, s13, s28, $0xb8;
	[tilespmem:$0x1F000] =	vst v63  }
0x85: {  	_ =	swait.ge [sflag:s0], $0x2800  }
0x86: {  	[sflag:s0] =	ssyncset.done $0x0  }
.Ltmp2:
0x87: {  	s13 =	sadd.s32 $0x7D00, s12;
	[sflag:s0] =	ssyncadd.s32 $0xFFFFD800;
	(pc) =	sbr.rel @p1 .LBB2_6-.Ltmp2, $4  }
0x88: {  	[tilespmem:s24], [sflag:$0x1] =	stream.indirect.gather [hbm4b:s1+s28], $0x80, s13, s28, $0xb8;
	[tilespmem:$0x1F000] =	vst v63  }
0x89: {  	_ =	swait.ge [sflag:s29], $0x2800  }
0x8a: {  	[sflag:s29] =	ssyncset.done $0x0  }
0x8b: {  	s12 =	sadd.s32 $0xFC80, s12;
	[sflag:s29] =	ssyncadd.s32 $0xFFFFD800  }
0x8c: {  	[spmem:s2] =	stream.indirect.scatter.add.f32 [tilespmem:s30], [sflag:$0x4], $0x80, s12, s28, $0xb8;
	[tilespmem:$0x1F000] =	vst v63  }
0x8d: {  	_ =	swait.ge [sflag:s3], $0x2800  }
0x8e: {  	[sflag:s3] =	ssyncset.done $0x0  }
0x8f: {  	s7 =	simm.s32 $0x7C80;
	[sflag:s3] =	ssyncadd.s32 $0xFFFFD800  }
0x90: {  	[tilespmem:s30], [sflag:$0x2] =	stream.indirect.gather [hbm4b:s1+s28], $0x80, s7, s28, $0xb8;
	[tilespmem:$0x1F000] =	vst v63  }
0x91: {  	_ =	swait.ge [sflag:s31], $0x2800  }
0x92: {  	[sflag:s31] =	ssyncset.done $0x0  }
0x93: {  	s14 =	simm.s32 $0xFC00;
	[sflag:s31] =	ssyncadd.s32 $0xFFFFD800  }
0x94: {  	[spmem:s2] =	stream.indirect.scatter.add.f32 [tilespmem:s24], [sflag:$0x3], $0x80, s14, s28, $0xb8;
	[tilespmem:$0x1F000] =	vst v63  }
0x95: {  	_ =	swait.ge [sflag:s0], $0x2800  }
0x96: {  	[sflag:s0] =	ssyncset.done $0x0  }
0x97: {  	[sflag:s0] =	ssyncadd.s32 $0xFFFFD800  }
0x98: {  	_ =	swait.ge [sflag:s29], $0x2800  }
0x99: {  	[sflag:s29] =	ssyncset.done $0x0  }
0x9a: {  	s12 =	simm.s32 $0xFC80;
	[sflag:s29] =	ssyncadd.s32 $0xFFFFD800  }
0x9b: {  	[spmem:s2] =	stream.indirect.scatter.add.f32 [tilespmem:s30], [sflag:$0x4], $0x80, s12, s28, $0xb8;
	[tilespmem:$0x1F000] =	vst v63  }
0x9c: {  	_ =	swait.ge [sflag:s3], $0x2800  }
0x9d: {  	[sflag:s3] =	ssyncset.done $0x0  }
0x9e: {  	[sflag:s3] =	ssyncadd.s32 $0xFFFFD800  }
0x9f: {  	[bflag:$0x0] =	sbarrier.arrive $0xFFFF  }
0xa0: {  	[tilespmem:s24], [sflag:$0x6] =	stream.linear.gather [spmem:s8], $0x1400, $0x38;
	[tilespmem:$0x1F000] =	vst v63  }
0xa1: {  	_ =	swait.ge [sflag:s5], $0x1400  }
0xa2: {  	[sflag:s5] =	ssyncset.done $0x0  }
0xa3: {  	s13 =	rddreg [dreg:$0x7];
	[sflag:s5] =	ssyncadd.s32 $0xFFFFEC00  }
0xa4: {  	[hbm4b:s13+s4] =	stream.linear.scatter [tilespmem:s24], [sflag:$0x5], $0x1400, $0x38;
	[tilespmem:$0x1F000] =	vst v63  }
0xa5: {  	_ =	swait.ge [sflag:s25], $0x1400  }
0xa6: {  	[sflag:s25] =	ssyncset.done $0x0  }
0xa7: {  	s14 =	rddreg [dreg:$0x8];
	[sflag:s25] =	ssyncadd.s32 $0xFFFFEC00  }
0xa8: {  	[tilespmem:s24], [sflag:$0x6] =	stream.linear.gather [spmem:s14], $0x1400, $0x38;
	[tilespmem:$0x1F000] =	vst v63  }
0xa9: {  	_ =	swait.ge [sflag:s5], $0x1400  }
0xaa: {  	[sflag:s5] =	ssyncset.done $0x0  }
0xab: {  	s12 =	rddreg [dreg:$0x9];
	[sflag:s5] =	ssyncadd.s32 $0xFFFFEC00  }
0xac: {  	[hbm4b:s12+s4] =	stream.linear.scatter [tilespmem:s24], [sflag:$0x5], $0x1400, $0x38;
	[tilespmem:$0x1F000] =	vst v63  }
0xad: {  	_ =	swait.ge [sflag:s25], $0x1400  }
0xae: {  	[sflag:s25] =	ssyncset.done $0x0  }
0xaf: {  	[sflag:s25] =	ssyncadd.s32 $0xFFFFEC00  }
0xb0: {  	[tilespmem:s24], [sflag:$0x6] =	stream.linear.gather [spmem:s9], $0x1400, $0x38;
	[tilespmem:$0x1F000] =	vst v63  }
0xb1: {  	_ =	swait.ge [sflag:s5], $0x1400  }
0xb2: {  	[sflag:s5] =	ssyncset.done $0x0  }
0xb3: {  	[sflag:s5] =	ssyncadd.s32 $0xFFFFEC00  }
0xb4: {  	[hbm4b:s15+s4] =	stream.linear.scatter [tilespmem:s24], [sflag:$0x5], $0x1400, $0x38;
	[tilespmem:$0x1F000] =	vst v63  }
0xb5: {  	_ =	swait.ge [sflag:s25], $0x1400  }
0xb6: {  	[sflag:s25] =	ssyncset.done $0x0  }
0xb7: {  	[sflag:s25] =	ssyncadd.s32 $0xFFFFEC00  }
0xb8: {  	[tilespmem:s24], [sflag:$0x6] =	stream.linear.gather [spmem:s16], $0x1400, $0x38;
	[tilespmem:$0x1F000] =	vst v63  }
0xb9: {  	_ =	swait.ge [sflag:s5], $0x1400  }
0xba: {  	[sflag:s5] =	ssyncset.done $0x0  }
0xbb: {  	[sflag:s5] =	ssyncadd.s32 $0xFFFFEC00  }
0xbc: {  	[hbm4b:s17+s4] =	stream.linear.scatter [tilespmem:s24], [sflag:$0x5], $0x1400, $0x38;
	[tilespmem:$0x1F000] =	vst v63  }
0xbd: {  	_ =	swait.ge [sflag:s25], $0x1400  }
0xbe: {  	[sflag:s25] =	ssyncset.done $0x0  }
0xbf: {  	[sflag:s25] =	ssyncadd.s32 $0xFFFFEC00  }
0xc0: {  	[tilespmem:s24], [sflag:$0x6] =	stream.linear.gather [spmem:s10], $0x1400, $0x38;
	[tilespmem:$0x1F000] =	vst v63  }
0xc1: {  	_ =	swait.ge [sflag:s5], $0x1400  }
0xc2: {  	[sflag:s5] =	ssyncset.done $0x0  }
0xc3: {  	[sflag:s5] =	ssyncadd.s32 $0xFFFFEC00  }
0xc4: {  	[hbm4b:s18+s4] =	stream.linear.scatter [tilespmem:s24], [sflag:$0x5], $0x1400, $0x38;
	[tilespmem:$0x1F000] =	vst v63  }
0xc5: {  	_ =	swait.ge [sflag:s25], $0x1400  }
0xc6: {  	[sflag:s25] =	ssyncset.done $0x0  }
0xc7: {  	s7 =	simm.s32 @!p0 $0x10000;
	s12 =	simm.s32 @!p0 $0x6;
	[sflag:s25] =	ssyncadd.s32 $0xFFFFEC00  }
0xc8: {  	[tilespmem:s7], [sflag:$0x6] =	stream.linear.gather @!p0 [spmem:s19], $0x1400, $0x38;
	[tilespmem:$0x1F000] =	vst v63  }
0xc9: {  	_ =	swait.ge @!p0 [sflag:s12], $0x1400  }
0xca: {  	[sflag:s12] =	ssyncset.done @!p0 $0x0  }
0xcb: {  	s13 =	simm.s32 @!p0 $0x0;
	s14 =	simm.s32 @!p0 $0x5;
	[sflag:s12] =	ssyncadd.s32 @!p0 $0xFFFFEC00  }
0xcc: {  	[hbm4b:s20+s13] =	stream.linear.scatter @!p0 [tilespmem:s7], [sflag:$0x5], $0x1400, $0x38;
	[tilespmem:$0x1F000] =	vst v63  }
0xcd: {  	_ =	swait.ge @!p0 [sflag:s14], $0x1400  }
0xce: {  	[sflag:s14] =	ssyncset.done @!p0 $0x0  }
0xcf: {  	[sflag:s14] =	ssyncadd.s32 @!p0 $0xFFFFEC00  }
0xd0: {  	[tilespmem:s7], [sflag:$0x6] =	stream.linear.gather @!p0 [spmem:s11], $0x1400, $0x38;
	[tilespmem:$0x1F000] =	vst v63  }
0xd1: {  	_ =	swait.ge @!p0 [sflag:s12], $0x1400  }
0xd2: {  	[sflag:s12] =	ssyncset.done @!p0 $0x0  }
0xd3: {  	[sflag:s12] =	ssyncadd.s32 @!p0 $0xFFFFEC00  }
0xd4: {  	[hbm4b:s21+s13] =	stream.linear.scatter @!p0 [tilespmem:s7], [sflag:$0x5], $0x1400, $0x38;
	[tilespmem:$0x1F000] =	vst v63  }
0xd5: {  	_ =	swait.ge @!p0 [sflag:s14], $0x1400  }
0xd6: {  	[sflag:s14] =	ssyncset.done @!p0 $0x0  }
0xd7: {  	[sflag:s14] =	ssyncadd.s32 @!p0 $0xFFFFEC00  }
0xd8: {  	[tilespmem:s7], [sflag:$0x6] =	stream.linear.gather @!p0 [spmem:s22], $0x1400, $0x38;
	[tilespmem:$0x1F000] =	vst v63  }
0xd9: {  	_ =	swait.ge @!p0 [sflag:s12], $0x1400  }
0xda: {  	[sflag:s12] =	ssyncset.done @!p0 $0x0  }
0xdb: {  	[sflag:s12] =	ssyncadd.s32 @!p0 $0xFFFFEC00  }
0xdc: {  	[hbm4b:s23+s13] =	stream.linear.scatter @!p0 [tilespmem:s7], [sflag:$0x5], $0x1400, $0x38;
	[tilespmem:$0x1F000] =	vst v63  }
0xdd: {  	_ =	swait.ge @!p0 [sflag:s14], $0x1400  }
0xde: {  	s6 =	sadd.s32 $0x1, s6;
	s13 =	rddreg [dreg:$0x6]  }
0xdf: {  	p1 =	sne.s32 s6, s13  }
.Ltmp3:
0xe0: {  	_ = 	snop;
	(pc) =	sbr.rel @p1 .LBB2_1-.Ltmp3, $3  }
0xe1: {  	_ =	sdelay $0x1  }
0xe2: {  	[sflag:s14] =	ssyncset.done @!p0 $0x0  }
0xe3: {  	[sflag:s14] =	ssyncadd.s32 @!p0 $0xFFFFEC00  }
0xe4: {  	_ =	sfence.sel $0x180000  }
0xe5: {  	[bflag:$0x0] =	sbarrier.arrive $0xFFFF  }
0xe6: {  	_ =	strace $0x9000004A  }
0xe7: {  	s0 =	stileid.u32;
	[bflag:$0x2] =	sbarrier.arrive $0xFFFF  }
0xe8: {  	p0 =	sne.s32 s0, $0x0;
	s0 =	rddreg [dreg:$0x3]  }
0xe9: {  	s0 =	sadd.s32 @!p0 $0x100000, s0  }
0xea: {  	[sflag:s0] =	ssyncadd.tile.s32 @!p0 $0x1;
	_ =	shalt  }
.Lfunc_end2:
_tile_overlayer_lowered:
.L_overlay_start_2:
0xeb: {  	(tag) =	ssettag $0x2  }
0xec: {  	s0 =	rddreg [dreg:$0x0];
	s2 =	stileid.u32  }
0xed: {  	s1 =	rddreg [dreg:$0x1];
	p0 =	sne.s32 s2, $0x0  }
0xee: {  	s3 =	rddreg [dreg:$0x2];
	[bflag:$0x3] =	sbarrier.arrive $0xFFFF;
	s2 =	simm.s32 @!p0 $0x1C05  }
0xef: {  	[timem:s3], [sflag:s2] =	dma.local @!p0 [hbm:s0], s1  }
0xf0: {  	s0 =	simm.s32 @!p0 $0x5  }
0xf1: {  	_ =	swait.ge @!p0 [sflag:s0], s1  }
0xf2: {  	s1 =	ssub.s32 @!p0 $0x0, s1;
	[sflag:s0] =	ssyncset.done @!p0 $0x0  }
0xf3: {  	[sflag:s0] =	ssyncadd.s32 @!p0 s1  }
0xf4: {  	[bflag:$0x3] =	sbarrier.arrive $0xFFFF  }
0xf5: {  	_ =	shalt  }

// kernel: kernel.16.cloned.1.call-start
scs
__scs_entry_jumppad:
0x0: {  	(pc) =	sbr.rel $0x88, $3  }
0x1: {  	(tag) =	ssettag $0x0;
	lr =	simm.s32 $0x1  }
0x2: {  	[smem:$0x3F99] =	sst lr;
	_ =	strace $0xD0000000  }
0x3: {  	_ = 	snop  }
0x4: {  	_ = 	snop  }
0x5: {  	_ = 	snop  }
0x6: {  	_ = 	snop  }
0x7: {  	_ = 	snop  }
__scs_overlays_trampoline_lowered:
0x8: {  	[smem:$0x3FA8] =	sst s0  }
0x9: {  	[smem:$0x3FA9] =	sst s1  }
0xa: {  	[smem:$0x3FAA] =	sst s2  }
0xb: {  	[smem:$0x3FAB] =	sst s3  }
0xc: {  	[smem:$0x3FAC] =	sst s4  }
0xd: {  	[smem:$0x3FAD] =	sst s5  }
0xe: {  	[smem:$0x3FAE] =	sst s6  }
0xf: {  	[smem:$0x3FAF] =	sst s7  }
0x10: {  	[smem:$0x3FB0] =	sst s8  }
0x11: {  	[smem:$0x3FB1] =	sst s9;
	s0 =	simm.s32 @!p0 $0x0  }
0x12: {  	s1 =	sld [smem:$0x3F97];
	s0 =	simm.s32 @p0 $0x1  }
0x13: {  	[smem:$0x3FB2] =	sst s0;
	s0 =	simm.s32 @!p1 $0x0  }
0x14: {  	s2 =	sld [smem:$0x3F96];
	s0 =	simm.s32 @p1 $0x1  }
0x15: {  	[smem:$0x3FB3] =	sst s0;
	s0 =	simm.s32 @!p2 $0x0  }
0x16: {  	s3 =	sld [smem:$0x3FDB];
	s0 =	simm.s32 @p2 $0x1  }
0x17: {  	s4 =	simm.s32 $0x1BF5;
	[smem:$0x3FB5] =	sst s0  }
0x18: {  	s0 =	sld [smem:$0x3F98];
	_ =	swait.ge [sflag:s4], $0x0  }
0x19: {  	s7 =	sld [smem:$0x3F99]  }
0x1a: {  	s8 =	sadd.s32 $0xFFFFE003, lr  }
0x1b: {  	s9 =	sadd.s32 $0xFFFFFEF7, lr;
	s5 =	simm.s32 $0xFFFFFFFF;
	p2 =	slt.u32 s8, $0xFFFFF086  }
0x1c: {  	p1 =	slt.u32 s9, $0xF7A;
	s5 =	simm.s32 @!p2 $0x0  }
0x1d: {  	s5 =	simm.s32 @p1 $0x1;
	p0 =	seq.s32 s7, s2  }
0x1e: {  	s7 =	smul.u32 @!p0 $0xF7A, s2;
	p2 =	seq.s32 @!p0 s5, $0x0  }
0x1f: {  	s9 =	smul.u32 $0xF7A, s1;
	s8 =	simm.s32 @!p0 $0x1BF5;
	p2 =	por !p2, p0  }
0x20: {  	[sflag:s8] =	ssyncset.s32 @!p0 $0xFFFFF086;
	s6 =	sadd.s32 @!p0 s3, s7;
	s7 =	simm.s32 @!p0 $0x108  }
0x21: {  	s3 =	sadd.s32 s3, s9;
	s6 =	sadd.s32 @!p0 $0x88, s6;
	s7 =	simm.s32 @p2 $0x1082  }
0x22: {  	[simem:s7], [sflag:s8] =	dma.local @!p0 [hbm:s6], $0xF7A  }
0x23: {  	s9 =	sor.u32 $0xD0000000, s2;
	s6 =	simm.s32 $0x108;
	_ =	swait.ge @!p0 [sflag:s8], $0x0  }
0x24: {  	s3 =	sadd.s32 $0x88, s3;
	s6 =	simm.s32 @!p1 $0x1082;
	[sflag:s4] =	ssyncset.s32 $0xFFFFF086  }
0x25: {  	[simem:s6], [sflag:s4] =	dma.local [hbm:s3], $0xF7A  }
0x26: {  	[smem:$0x3F99] =	sst s1;
	(tag) =	ssettag s2;
	_ =	strace s9  }
0x27: {  	s1 =	sld [smem:$0x3FA9]  }
0x28: {  	s2 =	sld [smem:$0x3FAA]  }
0x29: {  	s4 =	sld [smem:$0x3FAC]  }
0x2a: {  	p0 =	seq.s32 s5, $0x0;
	s5 =	sld [smem:$0x3FAD]  }
0x2b: {  	s6 =	sld [smem:$0x3FAE]  }
0x2c: {  	s7 =	sld [smem:$0x3FAF]  }
0x2d: {  	s3 =	simm.s32 $0x108;
	s8 =	sld [smem:$0x3FB0]  }
0x2e: {  	s3 =	simm.s32 @!p0 $0x1082;
	s9 =	sld [smem:$0x3FB1]  }
0x2f: {  	lr =	sadd.s32 s0, s3;
	s0 =	sld [smem:$0x3FA8]  }
0x30: {  	s3 =	sld [smem:$0x3FAB]  }
0x31: {  	[smem:$0x3FB4] =	sst s10  }
0x32: {  	s10 =	sld [smem:$0x3FB2];
	_ =	sdelay $0x3  }
0x33: {  	p0 =	seq.s32 s10, $0x1;
	s10 =	sld [smem:$0x3FB4];
	_ =	sdelay $0x3  }
0x34: {  	[smem:$0x3FB4] =	sst s10  }
0x35: {  	s10 =	sld [smem:$0x3FB3];
	_ =	sdelay $0x3  }
0x36: {  	p1 =	seq.s32 s10, $0x1;
	s10 =	sld [smem:$0x3FB4];
	_ =	sdelay $0x3  }
0x37: {  	[smem:$0x3FB4] =	sst s10  }
0x38: {  	s10 =	sld [smem:$0x3FB5]  }
0x39: {  	_ = 	snop;
	(pc) =	sbr.ind lr, $3  }
0x3a: {  	_ = 	snop  }
0x3b: {  	_ = 	snop  }
0x3c: {  	p2 =	seq.s32 s10, $0x1;
	s10 =	sld [smem:$0x3FB4]  }
0x3d: {  	_ =	shalt  }
0x3e: {  	_ =	shalt  }
0x3f: {  	_ =	shalt  }
0x40: {  	_ =	shalt  }
0x41: {  	_ =	shalt  }
0x42: {  	_ =	shalt  }
0x43: {  	_ =	shalt  }
0x44: {  	_ =	shalt  }
0x45: {  	_ =	shalt  }
0x46: {  	_ =	shalt  }
0x47: {  	_ =	shalt  }
0x48: {  	_ =	shalt  }
0x49: {  	_ =	shalt  }
0x4a: {  	_ =	shalt  }
0x4b: {  	_ =	shalt  }
0x4c: {  	_ =	shalt  }
0x4d: {  	_ =	shalt  }
0x4e: {  	_ =	shalt  }
0x4f: {  	_ =	shalt  }
0x50: {  	_ =	shalt  }
0x51: {  	_ =	shalt  }
0x52: {  	_ =	shalt  }
0x53: {  	_ =	shalt  }
0x54: {  	_ =	shalt  }
0x55: {  	_ =	shalt  }
0x56: {  	_ =	shalt  }
0x57: {  	_ =	shalt  }
0x58: {  	_ =	shalt  }
0x59: {  	_ =	shalt  }
0x5a: {  	_ =	shalt  }
0x5b: {  	_ =	shalt  }
0x5c: {  	_ =	shalt  }
0x5d: {  	_ =	shalt  }
0x5e: {  	_ =	shalt  }
0x5f: {  	_ =	shalt  }
0x60: {  	_ =	shalt  }
0x61: {  	_ =	shalt  }
0x62: {  	_ =	shalt  }
0x63: {  	_ =	shalt  }
0x64: {  	_ =	shalt  }
0x65: {  	_ =	shalt  }
0x66: {  	_ =	shalt  }
0x67: {  	_ =	shalt  }
0x68: {  	_ =	shalt  }
0x69: {  	_ =	shalt  }
0x6a: {  	_ =	shalt  }
0x6b: {  	_ =	shalt  }
0x6c: {  	_ =	shalt  }
0x6d: {  	_ =	shalt  }
0x6e: {  	_ =	shalt  }
0x6f: {  	_ =	shalt  }
0x70: {  	_ =	shalt  }
0x71: {  	_ =	shalt  }
0x72: {  	_ =	shalt  }
0x73: {  	_ =	shalt  }
0x74: {  	_ =	shalt  }
0x75: {  	_ =	shalt  }
0x76: {  	_ =	shalt  }
0x77: {  	_ =	shalt  }
0x78: {  	_ =	shalt  }
0x79: {  	_ =	shalt  }
0x7a: {  	_ =	shalt  }
0x7b: {  	_ =	shalt  }
0x7c: {  	_ =	shalt  }
0x7d: {  	_ =	shalt  }
0x7e: {  	_ =	shalt  }
0x7f: {  	_ =	shalt  }
0x80: {  	_ =	shalt  }
0x81: {  	_ =	shalt  }
0x82: {  	_ =	shalt  }
0x83: {  	_ =	shalt  }
0x84: {  	_ =	shalt  }
0x85: {  	_ =	shalt  }
0x86: {  	_ =	shalt  }
0x87: {  	_ =	shalt  }
.Lfunc_end0:
.L_simem_size_0:
called_computation.2_lowered:
.L_overlay_start_0:
0x88: {  	s2 =	sld [smem:$0x3FD9]  }
0x89: {  	s3 =	sld [smem:$0x3FFE];
	_ =	sdelay $0x1  }
0x8a: {  	s1 =	srdreg.scid  }
0x8b: {  	s0 =	sand.u32 $0x1, s1  }
0x8c: {  	s17 =	sshll.u32 s0, $0xA;
	s2 =	sadd.s32 s3, s2  }
0x8d: {  	s2 =	sadd.s32 s2, s17  }
0x8e: {  	[smem:$0x3FC0] =	sst s2  }
0x8f: {  	_ = 	snop  }
0x90: {  	s2 =	sld [smem:$0x3FD0];
	(tm) =	ssettm $0x1  }
0x91: {  	s18 =	sld [smem:$0x3FFB];
	_ =	sdelay $0x3  }
0x92: {  	_ =	strace s18  }
0x93: {  	s3 =	sld [smem:$0x3FFC];
	_ =	sdelay $0x3  }
0x94: {  	_ =	strace s3  }
0x95: {  	s3 =	sld [smem:$0x3FFD];
	_ =	sdelay $0x3  }
0x96: {  	_ =	strace s3  }
0x97: {  	_ =	strace $0x8FFFFFFF  }
0x98: {  	s19 =	sld [smem:$0x3FDB];
	_ =	sdelay $0x1  }
0x99: {  	s4 =	simm.s32 $_scs_section_size  }
0x9a: {  	s5 =	simm.s32 $_size__tile_overlayer_lowered;
	s6 =	simm.s32 $_tile_overlayer_lowered  }
0x9b: {  	s22 =	simm.s32 $0x1BFF;
	s21 =	sshll.u32 s6, $0x1;
	s3 =	sadd.s32 s4, s19  }
0x9c: {  	s7 =	simm.s32 $0x0;
	s20 =	sshll.u32 s5, $0x1;
	s5 =	sadd.s32 s21, s3  }
0x9d: {  	[timem:s7], [sflag:s22] =	dma.local [hbm:s5], s20  }
0x9e: {  	_ =	swait.ge [sflag:s22], s20  }
0x9f: {  	s4 =	ssub.s32 $0x0, s20;
	[sflag:s22] =	ssyncset.done $0x0  }
0xa0: {  	[sflag:s22] =	ssyncadd.s32 s4;
	_ =	sdelay $0x1  }
0xa1: {  	s23 =	simm.s32 $0x1B8B  }
0xa2: {  	_ =	swait.ge [sflag:s23], $0x1  }
0xa3: {  	[sflag:s23] =	ssyncset.done $0x0  }
0xa4: {  	s25 =	simm.s32 $0x1B8E;
	s24 =	sld [smem:$0x3FFE];
	[sflag:s23] =	ssyncadd.s32 $0xFFFFFFFF  }
0xa5: {  	s26 =	simm.s32 $execute0_lowered;
	[smem:$0x3FD2] =	sst s25  }
0xa6: {  	s5 =	sshll.u32 s26, $0x1;
	_ =	strace $0x8000004C;
	[dreg:$0x1] =	wrdreg $0xFFFFFFFF  }
0xa7: {  	s28 =	simm.s32 $_size_execute0_lowered;
	s3 =	sadd.s32 s3, s5;
	[dreg:$0x0] =	wrdreg $0x0  }
0xa8: {  	s5 =	sshll.u32 s28, $0x1;
	[dreg:$0x2] =	wrdreg s3  }
0xa9: {  	[dreg:$0x3] =	wrdreg s5  }
0xaa: {  	[dreg:$0x4] =	wrdreg $0xC0  }
0xab: {  	_ =	task [dreg:s7], $0x5FFFF  }
0xac: {  	[dreg:$0x1] =	wrdreg $0xFFFFFFFF  }
0xad: {  	[dreg:$0x0] =	wrdreg $0x60  }
0xae: {  	[dreg:$0x2] =	wrdreg s2  }
0xaf: {  	[dreg:$0x3] =	wrdreg s24  }
0xb0: {  	[dreg:$0x4] =	wrdreg $0x150000  }
0xb1: {  	[dreg:$0x5] =	wrdreg $0x9  }
0xb2: {  	_ =	task.clear_ibuf [dreg:s7], $0x6FFFF;
	_ =	strace $0x9000004C  }
0xb3: {  	s29 =	simm.s32 $0x9;
	_ =	strace $0x8000004E  }
0xb4: {  	_ =	swait.ge [sflag:s29], $0x1  }
0xb5: {  	[sflag:s29] =	ssyncadd.s32 $0xFFFFFFFF  }
0xb6: {  	_ =	strace $0x9000004E  }
0xb7: {  	_ =	sfence  }
0xb8: {  	s30 =	sld [smem:$0x0];
	_ =	sdelay $0x2  }
0xb9: {  	s31 =	sshll.u32 s1, $0xD;
	s1 =	sshrl.u32 s1, $0x2  }
0xba: {  	s3 =	sand.u32 $0x4000, s31;
	s1 =	sadd.s32 s1, s30  }
0xbb: {  	s0 =	sor.u32 s3, s0;
	s1 =	sshll.u32 s1, $0x11  }
0xbc: {  	s0 =	sor.u32 s1, s0  }
0xbd: {  	s0 =	sadd.s32 $0x8F2B, s0  }
0xbe: {  	[sflag:s0] =	ssyncadd.remote.s32 $0x1  }
0xbf: {  	_ =	sfence.sel $0xFFFF  }
0xc0: {  	[dreg:$0x0] =	wrdreg $0xFFFFFFFF;
	(pc) =	sbr.abs _section_cstart, $3  }
0xc1: {  	[dreg:$0x1] =	wrdreg $0xFFFFFFFF  }
0xc2: {  	_ =	task.clear_ibuf [dreg:s7], $0x2FFFF;
	_ =	strace $0x9FFFFFFF  }
0xc3: {  	(tm) =	ssettm $0x7FFFFFFF  }
tec
execute0_lowered:
.L_overlay_start_1:
0x0: {  	(tag) =	ssettag $0x1  }
0x1: {  	s1 =	rddreg [dreg:$0x0]  }
0x2: {  	s0 =	rddreg [dreg:$0x1]  }
0x3: {  	s2 =	rddreg [dreg:$0x2];
	s4 =	simm.s32 $0x0;
	s3 =	srdreg.scid  }
0x4: {  	s25 =	stileid.u32;
	s28 =	simm.s32 $0x50;
	s30 =	simm.s32 $0x12800  }
0x5: {  	s31 =	simm.s32 $0x1;
	s29 =	simm.s32 $0x2;
	[smem:$0x7FF] =	sst s4  }
0x6: {  	s3 =	sand.u32 $0x1, s3;
	s5 =	sshll.u32 s25, $0xC;
	s12 =	smul.u32 $0x140, s25  }
0x7: {  	s22 =	smul.u32 $0x28000, s25;
	p0 =	seq.s32 s25, $0xF;
	s25 =	simm.s32 $0x5  }
0x8: {  	_ =	strace $0x8000004D;
	s6 =	ssub.s32 $0x2, s3;
	s5 =	sadd.s32 s5, s0  }
0x9: {  	s0 =	sadd.s32 $0x24000, s0;
	s7 =	sshrl.u32 s6, $0x1;
	s8 =	sadd.s32 $0x14000, s5  }
0xa: {  	s5 =	sadd.s32 $0x4000, s5;
	s24 =	sshrl.u32 s22, $0x2;
	s26 =	sadd.s32 $0x50, s12  }
0xb: {  	s21 =	sadd.s32 $0xF0, s12;
	s19 =	sor.u32 $0x28, s12;
	[dreg:$0x4] =	wrdreg s8  }
0xc: {  	s6 =	ssub.s32 s6, s7;
	[dreg:$0x5] =	wrdreg s5;
	s5 =	smul.u32 $0x1388, s3  }
0xd: {  	s8 =	sadd.s32 s24, s2;
	s15 =	sshll.u32 s26, $0x7;
	s7 =	sadd.s32 $0xA0, s12  }
0xe: {  	s17 =	sshll.u32 s21, $0x7;
	s20 =	sshll.u32 s19, $0x7;
	s24 =	sadd.s32 $0x78, s12  }
0xf: {  	s23 =	smax.u32 s6, $0x1;
	s9 =	sadd.s32 s15, s2;
	s16 =	sshll.u32 s7, $0x7  }
0x10: {  	s11 =	sadd.s32 s17, s2;
	[dreg:$0x6] =	wrdreg s23;
	s10 =	sadd.s32 s16, s2  }
0x11: {  	s13 =	sadd.s32 s5, s12;
	s14 =	sadd.s32 s5, s19;
	s6 =	sadd.s32 s5, s26  }
0x12: {  	s26 =	sshll.u32 s24, $0x7;
	s19 =	sadd.s32 $0xC8, s12;
	s18 =	sshll.u32 s13, $0x4  }
0x13: {  	s22 =	sshll.u32 s14, $0x4;
	s23 =	sshll.u32 s6, $0x4;
	s6 =	sadd.s32 s5, s24  }
0x14: {  	s16 =	sadd.s32 s26, s2;
	s14 =	sadd.s32 s5, s7;
	s24 =	sadd.s32 s5, s21  }
0x15: {  	s3 =	sadd.s32 s0, s18;
	s15 =	sadd.s32 s0, s23;
	s13 =	sshll.u32 s6, $0x4  }
0x16: {  	s18 =	sshll.u32 s14, $0x4;
	s6 =	sadd.s32 s5, s19;
	s23 =	sadd.s32 $0x118, s12  }
0x17: {  	[dreg:$0x7] =	wrdreg s3;
	s3 =	sadd.s32 s20, s2;
	s17 =	sadd.s32 s0, s13  }
0x18: {  	s18 =	sadd.s32 s0, s18;
	s20 =	sshll.u32 s19, $0x7;
	s26 =	sadd.s32 s5, s23  }
0x19: {  	v0 =	vmov s5;
	s5 =	simm.s32 $0x6;
	[dreg:$0x8] =	wrdreg s3;
	s3 =	sadd.s32 s0, s22  }
0x1a: {  	s19 =	sadd.s32 s20, s2;
	s22 =	sshll.u32 s6, $0x4;
	s6 =	sshll.u32 s23, $0x7  }
0x1b: {  	s7 =	sshll.u32 s26, $0x4;
	s26 =	simm.s32 $0x8000;
	[dreg:$0x9] =	wrdreg s3  }
0x1c: {  	s20 =	sadd.s32 s0, s22;
	s3 =	sshll.u32 s24, $0x4;
	s22 =	sadd.s32 s6, s2  }
0x1d: {  	s23 =	sadd.s32 s0, s7;
	s24 =	simm.s32 $0x10000;
	s6 =	simm.s32 $0x0  }
0x1e: {  	v1 =	vimm.f32 $0.0e+00;
	s21 =	sadd.s32 s0, s3;
	s0 =	simm.s32 $0x3;
	s3 =	simm.s32 $0x4  }
.LBB2_1:
0x1f: {  	s7 =	simm.s32 $0x70;
	s12 =	simm.s32 $0x3C0  }
.LBB2_2:
0x20: {  	p1 =	sne.s32 s12, $0x9FC0;
	[tilespmem:s7+$0x10000] =	vst v1  }
0x21: {  	[tilespmem:s7+$0xFF90] =	vst v1  }
0x22: {  	[tilespmem:s7+$0xFFA0] =	vst v1  }
.Ltmp0:
0x23: {  	[tilespmem:s7+$0xFFB0] =	vst v1;
	(pc) =	sbr.rel @p1 .LBB2_2-.Ltmp0, $4  }
0x24: {  	[tilespmem:s7+$0xFFC0] =	vst v1  }
0x25: {  	[tilespmem:s7+$0xFFD0] =	vst v1  }
0x26: {  	[tilespmem:s7+$0xFFE0] =	vst v1  }
0x27: {  	[tilespmem:s7+$0xFFF0] =	vst v1;
	s7 =	sshra.s32 s12, $0x2;
	s12 =	sadd.s32 $0x200, s12  }
0x28: {  	[tilespmem:s7+$0x10000] =	vst v1  }
0x29: {  	[tilespmem:s7+$0xFF90] =	vst v1  }
0x2a: {  	[tilespmem:s7+$0xFFA0] =	vst v1  }
0x2b: {  	[tilespmem:s7+$0xFFB0] =	vst v1  }
0x2c: {  	[tilespmem:s7+$0xFFC0] =	vst v1  }
0x2d: {  	[tilespmem:s7+$0xFFD0] =	vst v1  }
0x2e: {  	[tilespmem:s7+$0xFFE0] =	vst v1  }
0x2f: {  	[tilespmem:s7+$0xFFF0] =	vst v1  }
0x30: {  	[spmem:s8] =	stream.linear.scatter [tilespmem:s24], [sflag:$0x5], $0x2800, $0x38;
	[tilespmem:$0x1F000] =	vst v63  }
0x31: {  	_ =	swait.ge [sflag:s25], $0x2800  }
0x32: {  	[sflag:s25] =	ssyncset.done $0x0  }
0x33: {  	[sflag:s25] =	ssyncadd.s32 $0xFFFFD800  }
0x34: {  	[spmem:s9] =	stream.linear.scatter [tilespmem:s24], [sflag:$0x5], $0x2800, $0x38;
	[tilespmem:$0x1F000] =	vst v63  }
0x35: {  	_ =	swait.ge [sflag:s25], $0x2800  }
0x36: {  	[sflag:s25] =	ssyncset.done $0x0  }
0x37: {  	[sflag:s25] =	ssyncadd.s32 $0xFFFFD800  }
0x38: {  	[spmem:s10] =	stream.linear.scatter [tilespmem:s24], [sflag:$0x5], $0x2800, $0x38;
	[tilespmem:$0x1F000] =	vst v63  }
0x39: {  	_ =	swait.ge [sflag:s25], $0x2800  }
0x3a: {  	[sflag:s25] =	ssyncset.done $0x0  }
0x3b: {  	[sflag:s25] =	ssyncadd.s32 $0xFFFFD800  }
0x3c: {  	[spmem:s11] =	stream.linear.scatter [tilespmem:s24], [sflag:$0x5], $0x2800, $0x38;
	[tilespmem:$0x1F000] =	vst v63  }
0x3d: {  	_ =	swait.ge [sflag:s25], $0x2800  }
0x3e: {  	[sflag:s25] =	ssyncset.done $0x0  }
0x3f: {  	s13 =	rddreg [dreg:$0x4];
	[sflag:s25] =	ssyncadd.s32 $0xFFFFD800  }
0x40: {  	[tilespmem:s4], [sflag:$0x5] =	stream.linear.gather [hbm4b:s13+s4], $0x7D00, $0x38;
	[tilespmem:$0x1F000] =	vst v63  }
0x41: {  	_ =	swait.ge [sflag:s25], $0x7D00  }
0x42: {  	[sflag:s25] =	ssyncset.done $0x0  }
0x43: {  	s14 =	rddreg [dreg:$0x5];
	[sflag:s25] =	ssyncadd.s32 $0xFFFF8300  }
0x44: {  	[tilespmem:s26], [sflag:$0x5] =	stream.linear.gather [hbm4b:s14+s4], $0x7D00, $0x38;
	[tilespmem:$0x1F000] =	vst v63  }
0x45: {  	_ =	swait.ge [sflag:s25], $0x7D00  }
0x46: {  	[sflag:s25] =	ssyncset.done $0x0  }
0x47: {  	s7 =	simm.s32 $0x40;
	[sflag:s25] =	ssyncadd.s32 $0xFFFF8300  }
0x48: {  	v4 =	vld [tilespmem:s7+$0x7FC0]  }
0x49: {  	v5 =	vld [tilespmem:s7+$0x7FD0]  }
0x4a: {  	v3 =	vld [tilespmem:s7+$0x7FE0]  }
0x4b: {  	s12 =	simm.s32 $0x300;
	v2 =	vld [tilespmem:s7+$0x7FF0]  }
.LBB2_4:
0x4c: {  	p1 =	sne.s32 s12, $0x1F300;
	v6 =	vld [tilespmem:s7+$0x8000]  }
0x4d: {  	v4 =	vsub.s32 v4, v0  }
0x4e: {  	v4 =	vmin.u32 v4, $0x1388;
	v5 =	vsub.s32 v5, v0  }
.Ltmp1:
0x4f: {  	s13 =	sshra.s32 s12, $0x2;
	[tilespmem:s7+$0x7FC0] =	vst v4;
	v5 =	vmin.u32 v5, $0x1388;
	v3 =	vsub.s32 v3, v0;
	(pc) =	sbr.rel @p1 .LBB2_4-.Ltmp1, $4  }
0x50: {  	v4 =	vld [tilespmem:s13+$0x7FC0];
	[tilespmem:s7+$0x7FD0] =	vst v5;
	v3 =	vmin.u32 v3, $0x1388;
	v2 =	vsub.s32 v2, v0  }
0x51: {  	v5 =	vld [tilespmem:s13+$0x7FD0];
	[tilespmem:s7+$0x7FE0] =	vst v3;
	v2 =	vmin.u32 v2, $0x1388;
	v6 =	vsub.s32 v6, v0  }
0x52: {  	v3 =	vld [tilespmem:s13+$0x7FE0];
	[tilespmem:s7+$0x7FF0] =	vst v2;
	v6 =	vmin.u32 v6, $0x1388  }
0x53: {  	s12 =	sadd.s32 $0x200, s12;
	v2 =	vld [tilespmem:s13+$0x7FF0];
	[tilespmem:s7+$0x8000] =	vst v6;
	s7 =	smov.u32 s13  }
0x54: {  	v6 =	vld [tilespmem:s7+$0x8000]  }
0x55: {  	v4 =	vsub.s32 v4, v0  }
0x56: {  	v4 =	vmin.u32 v4, $0x1388;
	v5 =	vsub.s32 v5, v0  }
0x57: {  	[tilespmem:s7+$0x7FC0] =	vst v4;
	v63 =	vmin.u32 v5, $0x1388;
	v3 =	vsub.s32 v3, v0  }
0x58: {  	[tilespmem:s7+$0x7FD0] =	vst v63;
	v3 =	vmin.u32 v3, $0x1388;
	v2 =	vsub.s32 v2, v0  }
0x59: {  	[tilespmem:s7+$0x7FE0] =	vst v3;
	v2 =	vmin.u32 v2, $0x1388;
	v3 =	vsub.s32 v6, v0  }
0x5a: {  	[tilespmem:s7+$0x7FF0] =	vst v2;
	v2 =	vmin.u32 v3, $0x1388  }
0x5b: {  	[tilespmem:s7+$0x8000] =	vst v2  }
0x5c: {  	[bflag:$0x0] =	sbarrier.arrive $0xFFFF  }
0x5d: {  	[tilespmem:s24], [sflag:$0x1] =	stream.indirect.gather [hbm4b:s1+s28], $0x80, s4, s28, $0xb8;
	[tilespmem:$0x1F000] =	vst v63  }
0x5e: {  	s12 =	simm.s32 $0x80  }
0x5f: {  	[tilespmem:s30], [sflag:$0x2] =	stream.indirect.gather [hbm4b:s1+s28], $0x80, s12, s28, $0xb8;
	[tilespmem:$0x1F000] =	vst v63  }
0x60: {  	_ =	swait.ge [sflag:s31], $0x2800  }
0x61: {  	[sflag:s31] =	ssyncset.done $0x0  }
0x62: {  	[sflag:s31] =	ssyncadd.s32 $0xFFFFD800  }
0x63: {  	[spmem:s2] =	stream.indirect.scatter.add.f32 [tilespmem:s24], [sflag:$0x3], $0x80, s26, s28, $0xb8;
	[tilespmem:$0x1F000] =	vst v63  }
0x64: {  	_ =	swait.ge [sflag:s0], $0x2800  }
0x65: {  	[sflag:s0] =	ssyncset.done $0x0  }
0x66: {  	s13 =	simm.s32 $0x100;
	[sflag:s0] =	ssyncadd.s32 $0xFFFFD800  }
0x67: {  	[tilespmem:s24], [sflag:$0x1] =	stream.indirect.gather [hbm4b:s1+s28], $0x80, s13, s28, $0xb8;
	[tilespmem:$0x1F000] =	vst v63  }
0x68: {  	_ =	swait.ge [sflag:s29], $0x2800  }
0x69: {  	[sflag:s29] =	ssyncset.done $0x0  }
0x6a: {  	s14 =	simm.s32 $0x8080;
	[sflag:s29] =	ssyncadd.s32 $0xFFFFD800  }
0x6b: {  	[spmem:s2] =	stream.indirect.scatter.add.f32 [tilespmem:s30], [sflag:$0x4], $0x80, s14, s28, $0xb8;
	[tilespmem:$0x1F000] =	vst v63  }
0x6c: {  	_ =	swait.ge [sflag:s3], $0x2800  }
0x6d: {  	[sflag:s3] =	ssyncset.done $0x0  }
0x6e: {  	s12 =	simm.s32 $0x180;
	[sflag:s3] =	ssyncadd.s32 $0xFFFFD800  }
0x6f: {  	[tilespmem:s30], [sflag:$0x2] =	stream.indirect.gather [hbm4b:s1+s28], $0x80, s12, s28, $0xb8;
	[tilespmem:$0x1F000] =	vst v63  }
0x70: {  	_ =	swait.ge [sflag:s31], $0x2800  }
0x71: {  	[sflag:s31] =	ssyncset.done $0x0  }
0x72: {  	s13 =	simm.s32 $0x8100;
	[sflag:s31] =	ssyncadd.s32 $0xFFFFD800  }
0x73: {  	[spmem:s2] =	stream.indirect.scatter.add.f32 [tilespmem:s24], [sflag:$0x3], $0x80, s13, s28, $0xb8;
	[tilespmem:$0x1F000] =	vst v63  }
0x74: {  	_ =	swait.ge [sflag:s0], $0x2800  }
0x75: {  	[sflag:s0] =	ssyncset.done $0x0  }
0x76: {  	s14 =	simm.s32 $0x200;
	[sflag:s0] =	ssyncadd.s32 $0xFFFFD800  }
0x77: {  	[tilespmem:s24], [sflag:$0x1] =	stream.indirect.gather [hbm4b:s1+s28], $0x80, s14, s28, $0xb8;
	[tilespmem:$0x1F000] =	vst v63  }
0x78: {  	_ =	swait.ge [sflag:s29], $0x2800  }
0x79: {  	[sflag:s29] =	ssyncset.done $0x0  }
0x7a: {  	s7 =	simm.s32 $0xFFFE1800;
	s12 =	simm.s32 $0x8180;
	[sflag:s29] =	ssyncadd.s32 $0xFFFFD800  }
.LBB2_6:
0x7b: {  	[spmem:s2] =	stream.indirect.scatter.add.f32 [tilespmem:s30], [sflag:$0x4], $0x80, s12, s28, $0xb8;
	[tilespmem:$0x1F000] =	vst v63  }
0x7c: {  	s12 =	smov.u32 s7  }
0x7d: {  	p1 =	sne.s32 s7, $0xFFFFFC00;
	s7 =	sadd.s32 $0x400, s7;
	_ =	swait.ge [sflag:s3], $0x2800  }
0x7e: {  	s12 =	sshra.s32 s12, $0x2;
	[sflag:s3] =	ssyncset.done $0x0  }
0x7f: {  	s13 =	sadd.s32 $0x7C80, s12;
	[sflag:s3] =	ssyncadd.s32 $0xFFFFD800  }
0x80: {  	[tilespmem:s30], [sflag:$0x2] =	stream.indirect.gather [hbm4b:s1+s28], $0x80, s13, s28, $0xb8;
	[tilespmem:$0x1F000] =	vst v63  }
0x81: {  	_ =	swait.ge [sflag:s31], $0x2800  }
0x82: {  	[sflag:s31] =	ssyncset.done $0x0  }
0x83: {  	s13 =	sadd.s32 $0xFC00, s12;
	[sflag:s31] =	ssyncadd.s32 $0xFFFFD800  }
0x84: {  	[spmem:s2] =	stream.indirect.scatter.add.f32 [tilespmem:s24], [sflag:$0x3], $0x80, s13, s28, $0xb8;
	[tilespmem:$0x1F000] =	vst v63  }
0x85: {  	_ =	swait.ge [sflag:s0], $0x2800  }
0x86: {  	[sflag:s0] =	ssyncset.done $0x0  }
.Ltmp2:
0x87: {  	s13 =	sadd.s32 $0x7D00, s12;
	[sflag:s0] =	ssyncadd.s32 $0xFFFFD800;
	(pc) =	sbr.rel @p1 .LBB2_6-.Ltmp2, $4  }
0x88: {  	[tilespmem:s24], [sflag:$0x1] =	stream.indirect.gather [hbm4b:s1+s28], $0x80, s13, s28, $0xb8;
	[tilespmem:$0x1F000] =	vst v63  }
0x89: {  	_ =	swait.ge [sflag:s29], $0x2800  }
0x8a: {  	[sflag:s29] =	ssyncset.done $0x0  }
0x8b: {  	s12 =	sadd.s32 $0xFC80, s12;
	[sflag:s29] =	ssyncadd.s32 $0xFFFFD800  }
0x8c: {  	[spmem:s2] =	stream.indirect.scatter.add.f32 [tilespmem:s30], [sflag:$0x4], $0x80, s12, s28, $0xb8;
	[tilespmem:$0x1F000] =	vst v63  }
0x8d: {  	_ =	swait.ge [sflag:s3], $0x2800  }
0x8e: {  	[sflag:s3] =	ssyncset.done $0x0  }
0x8f: {  	s7 =	simm.s32 $0x7C80;
	[sflag:s3] =	ssyncadd.s32 $0xFFFFD800  }
0x90: {  	[tilespmem:s30], [sflag:$0x2] =	stream.indirect.gather [hbm4b:s1+s28], $0x80, s7, s28, $0xb8;
	[tilespmem:$0x1F000] =	vst v63  }
0x91: {  	_ =	swait.ge [sflag:s31], $0x2800  }
0x92: {  	[sflag:s31] =	ssyncset.done $0x0  }
0x93: {  	s14 =	simm.s32 $0xFC00;
	[sflag:s31] =	ssyncadd.s32 $0xFFFFD800  }
0x94: {  	[spmem:s2] =	stream.indirect.scatter.add.f32 [tilespmem:s24], [sflag:$0x3], $0x80, s14, s28, $0xb8;
	[tilespmem:$0x1F000] =	vst v63  }
0x95: {  	_ =	swait.ge [sflag:s0], $0x2800  }
0x96: {  	[sflag:s0] =	ssyncset.done $0x0  }
0x97: {  	[sflag:s0] =	ssyncadd.s32 $0xFFFFD800  }
0x98: {  	_ =	swait.ge [sflag:s29], $0x2800  }
0x99: {  	[sflag:s29] =	ssyncset.done $0x0  }
0x9a: {  	s12 =	simm.s32 $0xFC80;
	[sflag:s29] =	ssyncadd.s32 $0xFFFFD800  }
0x9b: {  	[spmem:s2] =	stream.indirect.scatter.add.f32 [tilespmem:s30], [sflag:$0x4], $0x80, s12, s28, $0xb8;
	[tilespmem:$0x1F000] =	vst v63  }
0x9c: {  	_ =	swait.ge [sflag:s3], $0x2800  }
0x9d: {  	[sflag:s3] =	ssyncset.done $0x0  }
0x9e: {  	[sflag:s3] =	ssyncadd.s32 $0xFFFFD800  }
0x9f: {  	[bflag:$0x0] =	sbarrier.arrive $0xFFFF  }
0xa0: {  	[tilespmem:s24], [sflag:$0x6] =	stream.linear.gather [spmem:s8], $0x1400, $0x38;
	[tilespmem:$0x1F000] =	vst v63  }
0xa1: {  	_ =	swait.ge [sflag:s5], $0x1400  }
0xa2: {  	[sflag:s5] =	ssyncset.done $0x0  }
0xa3: {  	s13 =	rddreg [dreg:$0x7];
	[sflag:s5] =	ssyncadd.s32 $0xFFFFEC00  }
0xa4: {  	[hbm4b:s13+s4] =	stream.linear.scatter [tilespmem:s24], [sflag:$0x5], $0x1400, $0x38;
	[tilespmem:$0x1F000] =	vst v63  }
0xa5: {  	_ =	swait.ge [sflag:s25], $0x1400  }
0xa6: {  	[sflag:s25] =	ssyncset.done $0x0  }
0xa7: {  	s14 =	rddreg [dreg:$0x8];
	[sflag:s25] =	ssyncadd.s32 $0xFFFFEC00  }
0xa8: {  	[tilespmem:s24], [sflag:$0x6] =	stream.linear.gather [spmem:s14], $0x1400, $0x38;
	[tilespmem:$0x1F000] =	vst v63  }
0xa9: {  	_ =	swait.ge [sflag:s5], $0x1400  }
0xaa: {  	[sflag:s5] =	ssyncset.done $0x0  }
0xab: {  	s12 =	rddreg [dreg:$0x9];
	[sflag:s5] =	ssyncadd.s32 $0xFFFFEC00  }
0xac: {  	[hbm4b:s12+s4] =	stream.linear.scatter [tilespmem:s24], [sflag:$0x5], $0x1400, $0x38;
	[tilespmem:$0x1F000] =	vst v63  }
0xad: {  	_ =	swait.ge [sflag:s25], $0x1400  }
0xae: {  	[sflag:s25] =	ssyncset.done $0x0  }
0xaf: {  	[sflag:s25] =	ssyncadd.s32 $0xFFFFEC00  }
0xb0: {  	[tilespmem:s24], [sflag:$0x6] =	stream.linear.gather [spmem:s9], $0x1400, $0x38;
	[tilespmem:$0x1F000] =	vst v63  }
0xb1: {  	_ =	swait.ge [sflag:s5], $0x1400  }
0xb2: {  	[sflag:s5] =	ssyncset.done $0x0  }
0xb3: {  	[sflag:s5] =	ssyncadd.s32 $0xFFFFEC00  }
0xb4: {  	[hbm4b:s15+s4] =	stream.linear.scatter [tilespmem:s24], [sflag:$0x5], $0x1400, $0x38;
	[tilespmem:$0x1F000] =	vst v63  }
0xb5: {  	_ =	swait.ge [sflag:s25], $0x1400  }
0xb6: {  	[sflag:s25] =	ssyncset.done $0x0  }
0xb7: {  	[sflag:s25] =	ssyncadd.s32 $0xFFFFEC00  }
0xb8: {  	[tilespmem:s24], [sflag:$0x6] =	stream.linear.gather [spmem:s16], $0x1400, $0x38;
	[tilespmem:$0x1F000] =	vst v63  }
0xb9: {  	_ =	swait.ge [sflag:s5], $0x1400  }
0xba: {  	[sflag:s5] =	ssyncset.done $0x0  }
0xbb: {  	[sflag:s5] =	ssyncadd.s32 $0xFFFFEC00  }
0xbc: {  	[hbm4b:s17+s4] =	stream.linear.scatter [tilespmem:s24], [sflag:$0x5], $0x1400, $0x38;
	[tilespmem:$0x1F000] =	vst v63  }
0xbd: {  	_ =	swait.ge [sflag:s25], $0x1400  }
0xbe: {  	[sflag:s25] =	ssyncset.done $0x0  }
0xbf: {  	[sflag:s25] =	ssyncadd.s32 $0xFFFFEC00  }
0xc0: {  	[tilespmem:s24], [sflag:$0x6] =	stream.linear.gather [spmem:s10], $0x1400, $0x38;
	[tilespmem:$0x1F000] =	vst v63  }
0xc1: {  	_ =	swait.ge [sflag:s5], $0x1400  }
0xc2: {  	[sflag:s5] =	ssyncset.done $0x0  }
0xc3: {  	[sflag:s5] =	ssyncadd.s32 $0xFFFFEC00  }
0xc4: {  	[hbm4b:s18+s4] =	stream.linear.scatter [tilespmem:s24], [sflag:$0x5], $0x1400, $0x38;
	[tilespmem:$0x1F000] =	vst v63  }
0xc5: {  	_ =	swait.ge [sflag:s25], $0x1400  }
0xc6: {  	[sflag:s25] =	ssyncset.done $0x0  }
0xc7: {  	s7 =	simm.s32 @!p0 $0x10000;
	s12 =	simm.s32 @!p0 $0x6;
	[sflag:s25] =	ssyncadd.s32 $0xFFFFEC00  }
0xc8: {  	[tilespmem:s7], [sflag:$0x6] =	stream.linear.gather @!p0 [spmem:s19], $0x1400, $0x38;
	[tilespmem:$0x1F000] =	vst v63  }
0xc9: {  	_ =	swait.ge @!p0 [sflag:s12], $0x1400  }
0xca: {  	[sflag:s12] =	ssyncset.done @!p0 $0x0  }
0xcb: {  	s13 =	simm.s32 @!p0 $0x0;
	s14 =	simm.s32 @!p0 $0x5;
	[sflag:s12] =	ssyncadd.s32 @!p0 $0xFFFFEC00  }
0xcc: {  	[hbm4b:s20+s13] =	stream.linear.scatter @!p0 [tilespmem:s7], [sflag:$0x5], $0x1400, $0x38;
	[tilespmem:$0x1F000] =	vst v63  }
0xcd: {  	_ =	swait.ge @!p0 [sflag:s14], $0x1400  }
0xce: {  	[sflag:s14] =	ssyncset.done @!p0 $0x0  }
0xcf: {  	[sflag:s14] =	ssyncadd.s32 @!p0 $0xFFFFEC00  }
0xd0: {  	[tilespmem:s7], [sflag:$0x6] =	stream.linear.gather @!p0 [spmem:s11], $0x1400, $0x38;
	[tilespmem:$0x1F000] =	vst v63  }
0xd1: {  	_ =	swait.ge @!p0 [sflag:s12], $0x1400  }
0xd2: {  	[sflag:s12] =	ssyncset.done @!p0 $0x0  }
0xd3: {  	[sflag:s12] =	ssyncadd.s32 @!p0 $0xFFFFEC00  }
0xd4: {  	[hbm4b:s21+s13] =	stream.linear.scatter @!p0 [tilespmem:s7], [sflag:$0x5], $0x1400, $0x38;
	[tilespmem:$0x1F000] =	vst v63  }
0xd5: {  	_ =	swait.ge @!p0 [sflag:s14], $0x1400  }
0xd6: {  	[sflag:s14] =	ssyncset.done @!p0 $0x0  }
0xd7: {  	[sflag:s14] =	ssyncadd.s32 @!p0 $0xFFFFEC00  }
0xd8: {  	[tilespmem:s7], [sflag:$0x6] =	stream.linear.gather @!p0 [spmem:s22], $0x1400, $0x38;
	[tilespmem:$0x1F000] =	vst v63  }
0xd9: {  	_ =	swait.ge @!p0 [sflag:s12], $0x1400  }
0xda: {  	[sflag:s12] =	ssyncset.done @!p0 $0x0  }
0xdb: {  	[sflag:s12] =	ssyncadd.s32 @!p0 $0xFFFFEC00  }
0xdc: {  	[hbm4b:s23+s13] =	stream.linear.scatter @!p0 [tilespmem:s7], [sflag:$0x5], $0x1400, $0x38;
	[tilespmem:$0x1F000] =	vst v63  }
0xdd: {  	_ =	swait.ge @!p0 [sflag:s14], $0x1400  }
0xde: {  	s6 =	sadd.s32 $0x1, s6;
	s13 =	rddreg [dreg:$0x6]  }
0xdf: {  	p1 =	sne.s32 s6, s13  }
.Ltmp3:
0xe0: {  	_ = 	snop;
	(pc) =	sbr.rel @p1 .LBB2_1-.Ltmp3, $3  }
0xe1: {  	_ =	sdelay $0x1  }
0xe2: {  	[sflag:s14] =	ssyncset.done @!p0 $0x0  }
0xe3: {  	[sflag:s14] =	ssyncadd.s32 @!p0 $0xFFFFEC00  }
0xe4: {  	_ =	sfence.sel $0x180000  }
0xe5: {  	[bflag:$0x0] =	sbarrier.arrive $0xFFFF  }
0xe6: {  	_ =	strace $0x9000004D  }
0xe7: {  	s0 =	stileid.u32;
	[bflag:$0x2] =	sbarrier.arrive $0xFFFF  }
0xe8: {  	p0 =	sne.s32 s0, $0x0;
	s0 =	rddreg [dreg:$0x3]  }
0xe9: {  	s0 =	sadd.s32 @!p0 $0x100000, s0  }
0xea: {  	[sflag:s0] =	ssyncadd.tile.s32 @!p0 $0x1;
	_ =	shalt  }
.Lfunc_end2:
_tile_overlayer_lowered:
.L_overlay_start_2:
0xeb: {  	(tag) =	ssettag $0x2  }
0xec: {  	s0 =	rddreg [dreg:$0x0];
	s2 =	stileid.u32  }
0xed: {  	s1 =	rddreg [dreg:$0x1];
	p0 =	sne.s32 s2, $0x0  }
0xee: {  	s3 =	rddreg [dreg:$0x2];
	[bflag:$0x3] =	sbarrier.arrive $0xFFFF;
	s2 =	simm.s32 @!p0 $0x1C05  }
0xef: {  	[timem:s3], [sflag:s2] =	dma.local @!p0 [hbm:s0], s1  }
0xf0: {  	s0 =	simm.s32 @!p0 $0x5  }
0xf1: {  	_ =	swait.ge @!p0 [sflag:s0], s1  }
0xf2: {  	s1 =	ssub.s32 @!p0 $0x0, s1;
	[sflag:s0] =	ssyncset.done @!p0 $0x0  }
0xf3: {  	[sflag:s0] =	ssyncadd.s32 @!p0 s1  }
0xf4: {  	[bflag:$0x3] =	sbarrier.arrive $0xFFFF  }
0xf5: {  	_ =	shalt  }

// kernel: kernel.19.cloned.1.call-start
scs
__scs_entry_jumppad:
0x0: {  	(pc) =	sbr.rel $0x88, $3  }
0x1: {  	(tag) =	ssettag $0x0;
	lr =	simm.s32 $0x1  }
0x2: {  	[smem:$0x3F99] =	sst lr;
	_ =	strace $0xD0000000  }
0x3: {  	_ = 	snop  }
0x4: {  	_ = 	snop  }
0x5: {  	_ = 	snop  }
0x6: {  	_ = 	snop  }
0x7: {  	_ = 	snop  }
__scs_overlays_trampoline_lowered:
0x8: {  	[smem:$0x3FA8] =	sst s0  }
0x9: {  	[smem:$0x3FA9] =	sst s1  }
0xa: {  	[smem:$0x3FAA] =	sst s2  }
0xb: {  	[smem:$0x3FAB] =	sst s3  }
0xc: {  	[smem:$0x3FAC] =	sst s4  }
0xd: {  	[smem:$0x3FAD] =	sst s5  }
0xe: {  	[smem:$0x3FAE] =	sst s6  }
0xf: {  	[smem:$0x3FAF] =	sst s7  }
0x10: {  	[smem:$0x3FB0] =	sst s8  }
0x11: {  	[smem:$0x3FB1] =	sst s9;
	s0 =	simm.s32 @!p0 $0x0  }
0x12: {  	s1 =	sld [smem:$0x3F97];
	s0 =	simm.s32 @p0 $0x1  }
0x13: {  	[smem:$0x3FB2] =	sst s0;
	s0 =	simm.s32 @!p1 $0x0  }
0x14: {  	s2 =	sld [smem:$0x3F96];
	s0 =	simm.s32 @p1 $0x1  }
0x15: {  	[smem:$0x3FB3] =	sst s0;
	s0 =	simm.s32 @!p2 $0x0  }
0x16: {  	s3 =	sld [smem:$0x3FDB];
	s0 =	simm.s32 @p2 $0x1  }
0x17: {  	s4 =	simm.s32 $0x1BF5;
	[smem:$0x3FB5] =	sst s0  }
0x18: {  	s0 =	sld [smem:$0x3F98];
	_ =	swait.ge [sflag:s4], $0x0  }
0x19: {  	s7 =	sld [smem:$0x3F99]  }
0x1a: {  	s8 =	sadd.s32 $0xFFFFE003, lr  }
0x1b: {  	s9 =	sadd.s32 $0xFFFFFEF7, lr;
	s5 =	simm.s32 $0xFFFFFFFF;
	p2 =	slt.u32 s8, $0xFFFFF086  }
0x1c: {  	p1 =	slt.u32 s9, $0xF7A;
	s5 =	simm.s32 @!p2 $0x0  }
0x1d: {  	s5 =	simm.s32 @p1 $0x1;
	p0 =	seq.s32 s7, s2  }
0x1e: {  	s7 =	smul.u32 @!p0 $0xF7A, s2;
	p2 =	seq.s32 @!p0 s5, $0x0  }
0x1f: {  	s9 =	smul.u32 $0xF7A, s1;
	s8 =	simm.s32 @!p0 $0x1BF5;
	p2 =	por !p2, p0  }
0x20: {  	[sflag:s8] =	ssyncset.s32 @!p0 $0xFFFFF086;
	s6 =	sadd.s32 @!p0 s3, s7;
	s7 =	simm.s32 @!p0 $0x108  }
0x21: {  	s3 =	sadd.s32 s3, s9;
	s6 =	sadd.s32 @!p0 $0x88, s6;
	s7 =	simm.s32 @p2 $0x1082  }
0x22: {  	[simem:s7], [sflag:s8] =	dma.local @!p0 [hbm:s6], $0xF7A  }
0x23: {  	s9 =	sor.u32 $0xD0000000, s2;
	s6 =	simm.s32 $0x108;
	_ =	swait.ge @!p0 [sflag:s8], $0x0  }
0x24: {  	s3 =	sadd.s32 $0x88, s3;
	s6 =	simm.s32 @!p1 $0x1082;
	[sflag:s4] =	ssyncset.s32 $0xFFFFF086  }
0x25: {  	[simem:s6], [sflag:s4] =	dma.local [hbm:s3], $0xF7A  }
0x26: {  	[smem:$0x3F99] =	sst s1;
	(tag) =	ssettag s2;
	_ =	strace s9  }
0x27: {  	s1 =	sld [smem:$0x3FA9]  }
0x28: {  	s2 =	sld [smem:$0x3FAA]  }
0x29: {  	s4 =	sld [smem:$0x3FAC]  }
0x2a: {  	p0 =	seq.s32 s5, $0x0;
	s5 =	sld [smem:$0x3FAD]  }
0x2b: {  	s6 =	sld [smem:$0x3FAE]  }
0x2c: {  	s7 =	sld [smem:$0x3FAF]  }
0x2d: {  	s3 =	simm.s32 $0x108;
	s8 =	sld [smem:$0x3FB0]  }
0x2e: {  	s3 =	simm.s32 @!p0 $0x1082;
	s9 =	sld [smem:$0x3FB1]  }
0x2f: {  	lr =	sadd.s32 s0, s3;
	s0 =	sld [smem:$0x3FA8]  }
0x30: {  	s3 =	sld [smem:$0x3FAB]  }
0x31: {  	[smem:$0x3FB4] =	sst s10  }
0x32: {  	s10 =	sld [smem:$0x3FB2];
	_ =	sdelay $0x3  }
0x33: {  	p0 =	seq.s32 s10, $0x1;
	s10 =	sld [smem:$0x3FB4];
	_ =	sdelay $0x3  }
0x34: {  	[smem:$0x3FB4] =	sst s10  }
0x35: {  	s10 =	sld [smem:$0x3FB3];
	_ =	sdelay $0x3  }
0x36: {  	p1 =	seq.s32 s10, $0x1;
	s10 =	sld [smem:$0x3FB4];
	_ =	sdelay $0x3  }
0x37: {  	[smem:$0x3FB4] =	sst s10  }
0x38: {  	s10 =	sld [smem:$0x3FB5]  }
0x39: {  	_ = 	snop;
	(pc) =	sbr.ind lr, $3  }
0x3a: {  	_ = 	snop  }
0x3b: {  	_ = 	snop  }
0x3c: {  	p2 =	seq.s32 s10, $0x1;
	s10 =	sld [smem:$0x3FB4]  }
0x3d: {  	_ =	shalt  }
0x3e: {  	_ =	shalt  }
0x3f: {  	_ =	shalt  }
0x40: {  	_ =	shalt  }
0x41: {  	_ =	shalt  }
0x42: {  	_ =	shalt  }
0x43: {  	_ =	shalt  }
0x44: {  	_ =	shalt  }
0x45: {  	_ =	shalt  }
0x46: {  	_ =	shalt  }
0x47: {  	_ =	shalt  }
0x48: {  	_ =	shalt  }
0x49: {  	_ =	shalt  }
0x4a: {  	_ =	shalt  }
0x4b: {  	_ =	shalt  }
0x4c: {  	_ =	shalt  }
0x4d: {  	_ =	shalt  }
0x4e: {  	_ =	shalt  }
0x4f: {  	_ =	shalt  }
0x50: {  	_ =	shalt  }
0x51: {  	_ =	shalt  }
0x52: {  	_ =	shalt  }
0x53: {  	_ =	shalt  }
0x54: {  	_ =	shalt  }
0x55: {  	_ =	shalt  }
0x56: {  	_ =	shalt  }
0x57: {  	_ =	shalt  }
0x58: {  	_ =	shalt  }
0x59: {  	_ =	shalt  }
0x5a: {  	_ =	shalt  }
0x5b: {  	_ =	shalt  }
0x5c: {  	_ =	shalt  }
0x5d: {  	_ =	shalt  }
0x5e: {  	_ =	shalt  }
0x5f: {  	_ =	shalt  }
0x60: {  	_ =	shalt  }
0x61: {  	_ =	shalt  }
0x62: {  	_ =	shalt  }
0x63: {  	_ =	shalt  }
0x64: {  	_ =	shalt  }
0x65: {  	_ =	shalt  }
0x66: {  	_ =	shalt  }
0x67: {  	_ =	shalt  }
0x68: {  	_ =	shalt  }
0x69: {  	_ =	shalt  }
0x6a: {  	_ =	shalt  }
0x6b: {  	_ =	shalt  }
0x6c: {  	_ =	shalt  }
0x6d: {  	_ =	shalt  }
0x6e: {  	_ =	shalt  }
0x6f: {  	_ =	shalt  }
0x70: {  	_ =	shalt  }
0x71: {  	_ =	shalt  }
0x72: {  	_ =	shalt  }
0x73: {  	_ =	shalt  }
0x74: {  	_ =	shalt  }
0x75: {  	_ =	shalt  }
0x76: {  	_ =	shalt  }
0x77: {  	_ =	shalt  }
0x78: {  	_ =	shalt  }
0x79: {  	_ =	shalt  }
0x7a: {  	_ =	shalt  }
0x7b: {  	_ =	shalt  }
0x7c: {  	_ =	shalt  }
0x7d: {  	_ =	shalt  }
0x7e: {  	_ =	shalt  }
0x7f: {  	_ =	shalt  }
0x80: {  	_ =	shalt  }
0x81: {  	_ =	shalt  }
0x82: {  	_ =	shalt  }
0x83: {  	_ =	shalt  }
0x84: {  	_ =	shalt  }
0x85: {  	_ =	shalt  }
0x86: {  	_ =	shalt  }
0x87: {  	_ =	shalt  }
.Lfunc_end0:
.L_simem_size_0:
called_computation.3_lowered:
.L_overlay_start_0:
0x88: {  	s2 =	sld [smem:$0x3FD9]  }
0x89: {  	s3 =	sld [smem:$0x3FFE];
	_ =	sdelay $0x1  }
0x8a: {  	s1 =	srdreg.scid  }
0x8b: {  	s0 =	sand.u32 $0x1, s1  }
0x8c: {  	s17 =	sshll.u32 s0, $0xA;
	s2 =	sadd.s32 s3, s2  }
0x8d: {  	s2 =	sadd.s32 s2, s17  }
0x8e: {  	[smem:$0x3FC0] =	sst s2  }
0x8f: {  	_ = 	snop  }
0x90: {  	s2 =	sld [smem:$0x3FD0];
	(tm) =	ssettm $0x1  }
0x91: {  	s18 =	sld [smem:$0x3FFB];
	_ =	sdelay $0x3  }
0x92: {  	_ =	strace s18  }
0x93: {  	s3 =	sld [smem:$0x3FFC];
	_ =	sdelay $0x3  }
0x94: {  	_ =	strace s3  }
0x95: {  	s3 =	sld [smem:$0x3FFD];
	_ =	sdelay $0x3  }
0x96: {  	_ =	strace s3  }
0x97: {  	_ =	strace $0x8FFFFFFF  }
0x98: {  	s19 =	sld [smem:$0x3FDB];
	_ =	sdelay $0x1  }
0x99: {  	s4 =	simm.s32 $_scs_section_size  }
0x9a: {  	s5 =	simm.s32 $_size__tile_overlayer_lowered;
	s6 =	simm.s32 $_tile_overlayer_lowered  }
0x9b: {  	s22 =	simm.s32 $0x1BFF;
	s21 =	sshll.u32 s6, $0x1;
	s3 =	sadd.s32 s4, s19  }
0x9c: {  	s7 =	simm.s32 $0x0;
	s20 =	sshll.u32 s5, $0x1;
	s5 =	sadd.s32 s21, s3  }
0x9d: {  	[timem:s7], [sflag:s22] =	dma.local [hbm:s5], s20  }
0x9e: {  	_ =	swait.ge [sflag:s22], s20  }
0x9f: {  	s4 =	ssub.s32 $0x0, s20;
	[sflag:s22] =	ssyncset.done $0x0  }
0xa0: {  	[sflag:s22] =	ssyncadd.s32 s4;
	_ =	sdelay $0x1  }
0xa1: {  	s23 =	simm.s32 $0x1B8B  }
0xa2: {  	_ =	swait.ge [sflag:s23], $0x1  }
0xa3: {  	[sflag:s23] =	ssyncset.done $0x0  }
0xa4: {  	s25 =	simm.s32 $0x1B8E;
	s24 =	sld [smem:$0x3FFE];
	[sflag:s23] =	ssyncadd.s32 $0xFFFFFFFF  }
0xa5: {  	s26 =	simm.s32 $execute0_lowered;
	[smem:$0x3FD2] =	sst s25  }
0xa6: {  	s5 =	sshll.u32 s26, $0x1;
	_ =	strace $0x8000004F;
	[dreg:$0x1] =	wrdreg $0xFFFFFFFF  }
0xa7: {  	s28 =	simm.s32 $_size_execute0_lowered;
	s3 =	sadd.s32 s3, s5;
	[dreg:$0x0] =	wrdreg $0x0  }
0xa8: {  	s5 =	sshll.u32 s28, $0x1;
	[dreg:$0x2] =	wrdreg s3  }
0xa9: {  	[dreg:$0x3] =	wrdreg s5  }
0xaa: {  	[dreg:$0x4] =	wrdreg $0xC0  }
0xab: {  	_ =	task [dreg:s7], $0x5FFFF  }
0xac: {  	[dreg:$0x1] =	wrdreg $0xFFFFFFFF  }
0xad: {  	[dreg:$0x0] =	wrdreg $0x60  }
0xae: {  	[dreg:$0x2] =	wrdreg s2  }
0xaf: {  	[dreg:$0x3] =	wrdreg s24  }
0xb0: {  	[dreg:$0x4] =	wrdreg $0x150000  }
0xb1: {  	[dreg:$0x5] =	wrdreg $0x9  }
0xb2: {  	_ =	task.clear_ibuf [dreg:s7], $0x6FFFF;
	_ =	strace $0x9000004F  }
0xb3: {  	s29 =	simm.s32 $0x9;
	_ =	strace $0x80000051  }
0xb4: {  	_ =	swait.ge [sflag:s29], $0x1  }
0xb5: {  	[sflag:s29] =	ssyncadd.s32 $0xFFFFFFFF  }
0xb6: {  	_ =	strace $0x90000051  }
0xb7: {  	_ =	sfence  }
0xb8: {  	s30 =	sld [smem:$0x0];
	_ =	sdelay $0x2  }
0xb9: {  	s31 =	sshll.u32 s1, $0xD;
	s1 =	sshrl.u32 s1, $0x2  }
0xba: {  	s3 =	sand.u32 $0x4000, s31;
	s1 =	sadd.s32 s1, s30  }
0xbb: {  	s0 =	sor.u32 s3, s0;
	s1 =	sshll.u32 s1, $0x11  }
0xbc: {  	s0 =	sor.u32 s1, s0  }
0xbd: {  	s0 =	sadd.s32 $0x8F2B, s0  }
0xbe: {  	[sflag:s0] =	ssyncadd.remote.s32 $0x1  }
0xbf: {  	_ =	sfence.sel $0xFFFF  }
0xc0: {  	[dreg:$0x0] =	wrdreg $0xFFFFFFFF;
	(pc) =	sbr.abs _section_cstart, $3  }
0xc1: {  	[dreg:$0x1] =	wrdreg $0xFFFFFFFF  }
0xc2: {  	_ =	task.clear_ibuf [dreg:s7], $0x2FFFF;
	_ =	strace $0x9FFFFFFF  }
0xc3: {  	(tm) =	ssettm $0x7FFFFFFF  }
tec
execute0_lowered:
.L_overlay_start_1:
0x0: {  	(tag) =	ssettag $0x1  }
0x1: {  	s1 =	rddreg [dreg:$0x0]  }
0x2: {  	s0 =	rddreg [dreg:$0x1]  }
0x3: {  	s2 =	rddreg [dreg:$0x2];
	s4 =	simm.s32 $0x0;
	s3 =	srdreg.scid  }
0x4: {  	s25 =	stileid.u32;
	s28 =	simm.s32 $0x50;
	s30 =	simm.s32 $0x12800  }
0x5: {  	s31 =	simm.s32 $0x1;
	s29 =	simm.s32 $0x2;
	[smem:$0x7FF] =	sst s4  }
0x6: {  	s3 =	sand.u32 $0x1, s3;
	s5 =	sshll.u32 s25, $0xC;
	s12 =	smul.u32 $0x140, s25  }
0x7: {  	s22 =	smul.u32 $0x28000, s25;
	p0 =	seq.s32 s25, $0xF;
	s25 =	simm.s32 $0x5  }
0x8: {  	_ =	strace $0x80000050;
	s6 =	ssub.s32 $0x2, s3;
	s5 =	sadd.s32 s5, s0  }
0x9: {  	s0 =	sadd.s32 $0x24000, s0;
	s7 =	sshrl.u32 s6, $0x1;
	s8 =	sadd.s32 $0x14000, s5  }
0xa: {  	s5 =	sadd.s32 $0x4000, s5;
	s24 =	sshrl.u32 s22, $0x2;
	s26 =	sadd.s32 $0x50, s12  }
0xb: {  	s21 =	sadd.s32 $0xF0, s12;
	s19 =	sor.u32 $0x28, s12;
	[dreg:$0x4] =	wrdreg s8  }
0xc: {  	s6 =	ssub.s32 s6, s7;
	[dreg:$0x5] =	wrdreg s5;
	s5 =	smul.u32 $0x1388, s3  }
0xd: {  	s8 =	sadd.s32 s24, s2;
	s15 =	sshll.u32 s26, $0x7;
	s7 =	sadd.s32 $0xA0, s12  }
0xe: {  	s17 =	sshll.u32 s21, $0x7;
	s20 =	sshll.u32 s19, $0x7;
	s24 =	sadd.s32 $0x78, s12  }
0xf: {  	s23 =	smax.u32 s6, $0x1;
	s9 =	sadd.s32 s15, s2;
	s16 =	sshll.u32 s7, $0x7  }
0x10: {  	s11 =	sadd.s32 s17, s2;
	[dreg:$0x6] =	wrdreg s23;
	s10 =	sadd.s32 s16, s2  }
0x11: {  	s13 =	sadd.s32 s5, s12;
	s14 =	sadd.s32 s5, s19;
	s6 =	sadd.s32 s5, s26  }
0x12: {  	s26 =	sshll.u32 s24, $0x7;
	s19 =	sadd.s32 $0xC8, s12;
	s18 =	sshll.u32 s13, $0x4  }
0x13: {  	s22 =	sshll.u32 s14, $0x4;
	s23 =	sshll.u32 s6, $0x4;
	s6 =	sadd.s32 s5, s24  }
0x14: {  	s16 =	sadd.s32 s26, s2;
	s14 =	sadd.s32 s5, s7;
	s24 =	sadd.s32 s5, s21  }
0x15: {  	s3 =	sadd.s32 s0, s18;
	s15 =	sadd.s32 s0, s23;
	s13 =	sshll.u32 s6, $0x4  }
0x16: {  	s18 =	sshll.u32 s14, $0x4;
	s6 =	sadd.s32 s5, s19;
	s23 =	sadd.s32 $0x118, s12  }
0x17: {  	[dreg:$0x7] =	wrdreg s3;
	s3 =	sadd.s32 s20, s2;
	s17 =	sadd.s32 s0, s13  }
0x18: {  	s18 =	sadd.s32 s0, s18;
	s20 =	sshll.u32 s19, $0x7;
	s26 =	sadd.s32 s5, s23  }
0x19: {  	v0 =	vmov s5;
	s5 =	simm.s32 $0x6;
	[dreg:$0x8] =	wrdreg s3;
	s3 =	sadd.s32 s0, s22  }
0x1a: {  	s19 =	sadd.s32 s20, s2;
	s22 =	sshll.u32 s6, $0x4;
	s6 =	sshll.u32 s23, $0x7  }
0x1b: {  	s7 =	sshll.u32 s26, $0x4;
	s26 =	simm.s32 $0x8000;
	[dreg:$0x9] =	wrdreg s3  }
0x1c: {  	s20 =	sadd.s32 s0, s22;
	s3 =	sshll.u32 s24, $0x4;
	s22 =	sadd.s32 s6, s2  }
0x1d: {  	s23 =	sadd.s32 s0, s7;
	s24 =	simm.s32 $0x10000;
	s6 =	simm.s32 $0x0  }
0x1e: {  	v1 =	vimm.f32 $0.0e+00;
	s21 =	sadd.s32 s0, s3;
	s0 =	simm.s32 $0x3;
	s3 =	simm.s32 $0x4  }
.LBB2_1:
0x1f: {  	s7 =	simm.s32 $0x70;
	s12 =	simm.s32 $0x3C0  }
.LBB2_2:
0x20: {  	p1 =	sne.s32 s12, $0x9FC0;
	[tilespmem:s7+$0x10000] =	vst v1  }
0x21: {  	[tilespmem:s7+$0xFF90] =	vst v1  }
0x22: {  	[tilespmem:s7+$0xFFA0] =	vst v1  }
.Ltmp0:
0x23: {  	[tilespmem:s7+$0xFFB0] =	vst v1;
	(pc) =	sbr.rel @p1 .LBB2_2-.Ltmp0, $4  }
0x24: {  	[tilespmem:s7+$0xFFC0] =	vst v1  }
0x25: {  	[tilespmem:s7+$0xFFD0] =	vst v1  }
0x26: {  	[tilespmem:s7+$0xFFE0] =	vst v1  }
0x27: {  	[tilespmem:s7+$0xFFF0] =	vst v1;
	s7 =	sshra.s32 s12, $0x2;
	s12 =	sadd.s32 $0x200, s12  }
0x28: {  	[tilespmem:s7+$0x10000] =	vst v1  }
0x29: {  	[tilespmem:s7+$0xFF90] =	vst v1  }
0x2a: {  	[tilespmem:s7+$0xFFA0] =	vst v1  }
0x2b: {  	[tilespmem:s7+$0xFFB0] =	vst v1  }
0x2c: {  	[tilespmem:s7+$0xFFC0] =	vst v1  }
0x2d: {  	[tilespmem:s7+$0xFFD0] =	vst v1  }
0x2e: {  	[tilespmem:s7+$0xFFE0] =	vst v1  }
0x2f: {  	[tilespmem:s7+$0xFFF0] =	vst v1  }
0x30: {  	[spmem:s8] =	stream.linear.scatter [tilespmem:s24], [sflag:$0x5], $0x2800, $0x38;
	[tilespmem:$0x1F000] =	vst v63  }
0x31: {  	_ =	swait.ge [sflag:s25], $0x2800  }
0x32: {  	[sflag:s25] =	ssyncset.done $0x0  }
0x33: {  	[sflag:s25] =	ssyncadd.s32 $0xFFFFD800  }
0x34: {  	[spmem:s9] =	stream.linear.scatter [tilespmem:s24], [sflag:$0x5], $0x2800, $0x38;
	[tilespmem:$0x1F000] =	vst v63  }
0x35: {  	_ =	swait.ge [sflag:s25], $0x2800  }
0x36: {  	[sflag:s25] =	ssyncset.done $0x0  }
0x37: {  	[sflag:s25] =	ssyncadd.s32 $0xFFFFD800  }
0x38: {  	[spmem:s10] =	stream.linear.scatter [tilespmem:s24], [sflag:$0x5], $0x2800, $0x38;
	[tilespmem:$0x1F000] =	vst v63  }
0x39: {  	_ =	swait.ge [sflag:s25], $0x2800  }
0x3a: {  	[sflag:s25] =	ssyncset.done $0x0  }
0x3b: {  	[sflag:s25] =	ssyncadd.s32 $0xFFFFD800  }
0x3c: {  	[spmem:s11] =	stream.linear.scatter [tilespmem:s24], [sflag:$0x5], $0x2800, $0x38;
	[tilespmem:$0x1F000] =	vst v63  }
0x3d: {  	_ =	swait.ge [sflag:s25], $0x2800  }
0x3e: {  	[sflag:s25] =	ssyncset.done $0x0  }
0x3f: {  	s13 =	rddreg [dreg:$0x4];
	[sflag:s25] =	ssyncadd.s32 $0xFFFFD800  }
0x40: {  	[tilespmem:s4], [sflag:$0x5] =	stream.linear.gather [hbm4b:s13+s4], $0x7D00, $0x38;
	[tilespmem:$0x1F000] =	vst v63  }
0x41: {  	_ =	swait.ge [sflag:s25], $0x7D00  }
0x42: {  	[sflag:s25] =	ssyncset.done $0x0  }
0x43: {  	s14 =	rddreg [dreg:$0x5];
	[sflag:s25] =	ssyncadd.s32 $0xFFFF8300  }
0x44: {  	[tilespmem:s26], [sflag:$0x5] =	stream.linear.gather [hbm4b:s14+s4], $0x7D00, $0x38;
	[tilespmem:$0x1F000] =	vst v63  }
0x45: {  	_ =	swait.ge [sflag:s25], $0x7D00  }
0x46: {  	[sflag:s25] =	ssyncset.done $0x0  }
0x47: {  	s7 =	simm.s32 $0x40;
	[sflag:s25] =	ssyncadd.s32 $0xFFFF8300  }
0x48: {  	v4 =	vld [tilespmem:s7+$0x7FC0]  }
0x49: {  	v5 =	vld [tilespmem:s7+$0x7FD0]  }
0x4a: {  	v3 =	vld [tilespmem:s7+$0x7FE0]  }
0x4b: {  	s12 =	simm.s32 $0x300;
	v2 =	vld [tilespmem:s7+$0x7FF0]  }
.LBB2_4:
0x4c: {  	p1 =	sne.s32 s12, $0x1F300;
	v6 =	vld [tilespmem:s7+$0x8000]  }
0x4d: {  	v4 =	vsub.s32 v4, v0  }
0x4e: {  	v4 =	vmin.u32 v4, $0x1388;
	v5 =	vsub.s32 v5, v0  }
.Ltmp1:
0x4f: {  	s13 =	sshra.s32 s12, $0x2;
	[tilespmem:s7+$0x7FC0] =	vst v4;
	v5 =	vmin.u32 v5, $0x1388;
	v3 =	vsub.s32 v3, v0;
	(pc) =	sbr.rel @p1 .LBB2_4-.Ltmp1, $4  }
0x50: {  	v4 =	vld [tilespmem:s13+$0x7FC0];
	[tilespmem:s7+$0x7FD0] =	vst v5;
	v3 =	vmin.u32 v3, $0x1388;
	v2 =	vsub.s32 v2, v0  }
0x51: {  	v5 =	vld [tilespmem:s13+$0x7FD0];
	[tilespmem:s7+$0x7FE0] =	vst v3;
	v2 =	vmin.u32 v2, $0x1388;
	v6 =	vsub.s32 v6, v0  }
0x52: {  	v3 =	vld [tilespmem:s13+$0x7FE0];
	[tilespmem:s7+$0x7FF0] =	vst v2;
	v6 =	vmin.u32 v6, $0x1388  }
0x53: {  	s12 =	sadd.s32 $0x200, s12;
	v2 =	vld [tilespmem:s13+$0x7FF0];
	[tilespmem:s7+$0x8000] =	vst v6;
	s7 =	smov.u32 s13  }
0x54: {  	v6 =	vld [tilespmem:s7+$0x8000]  }
0x55: {  	v4 =	vsub.s32 v4, v0  }
0x56: {  	v4 =	vmin.u32 v4, $0x1388;
	v5 =	vsub.s32 v5, v0  }
0x57: {  	[tilespmem:s7+$0x7FC0] =	vst v4;
	v63 =	vmin.u32 v5, $0x1388;
	v3 =	vsub.s32 v3, v0  }
0x58: {  	[tilespmem:s7+$0x7FD0] =	vst v63;
	v3 =	vmin.u32 v3, $0x1388;
	v2 =	vsub.s32 v2, v0  }
0x59: {  	[tilespmem:s7+$0x7FE0] =	vst v3;
	v2 =	vmin.u32 v2, $0x1388;
	v3 =	vsub.s32 v6, v0  }
0x5a: {  	[tilespmem:s7+$0x7FF0] =	vst v2;
	v2 =	vmin.u32 v3, $0x1388  }
0x5b: {  	[tilespmem:s7+$0x8000] =	vst v2  }
0x5c: {  	[bflag:$0x0] =	sbarrier.arrive $0xFFFF  }
0x5d: {  	[tilespmem:s24], [sflag:$0x1] =	stream.indirect.gather [hbm4b:s1+s28], $0x80, s4, s28, $0xb8;
	[tilespmem:$0x1F000] =	vst v63  }
0x5e: {  	s12 =	simm.s32 $0x80  }
0x5f: {  	[tilespmem:s30], [sflag:$0x2] =	stream.indirect.gather [hbm4b:s1+s28], $0x80, s12, s28, $0xb8;
	[tilespmem:$0x1F000] =	vst v63  }
0x60: {  	_ =	swait.ge [sflag:s31], $0x2800  }
0x61: {  	[sflag:s31] =	ssyncset.done $0x0  }
0x62: {  	[sflag:s31] =	ssyncadd.s32 $0xFFFFD800  }
0x63: {  	[spmem:s2] =	stream.indirect.scatter.add.f32 [tilespmem:s24], [sflag:$0x3], $0x80, s26, s28, $0xb8;
	[tilespmem:$0x1F000] =	vst v63  }
0x64: {  	_ =	swait.ge [sflag:s0], $0x2800  }
0x65: {  	[sflag:s0] =	ssyncset.done $0x0  }
0x66: {  	s13 =	simm.s32 $0x100;
	[sflag:s0] =	ssyncadd.s32 $0xFFFFD800  }
0x67: {  	[tilespmem:s24], [sflag:$0x1] =	stream.indirect.gather [hbm4b:s1+s28], $0x80, s13, s28, $0xb8;
	[tilespmem:$0x1F000] =	vst v63  }
0x68: {  	_ =	swait.ge [sflag:s29], $0x2800  }
0x69: {  	[sflag:s29] =	ssyncset.done $0x0  }
0x6a: {  	s14 =	simm.s32 $0x8080;
	[sflag:s29] =	ssyncadd.s32 $0xFFFFD800  }
0x6b: {  	[spmem:s2] =	stream.indirect.scatter.add.f32 [tilespmem:s30], [sflag:$0x4], $0x80, s14, s28, $0xb8;
	[tilespmem:$0x1F000] =	vst v63  }
0x6c: {  	_ =	swait.ge [sflag:s3], $0x2800  }
0x6d: {  	[sflag:s3] =	ssyncset.done $0x0  }
0x6e: {  	s12 =	simm.s32 $0x180;
	[sflag:s3] =	ssyncadd.s32 $0xFFFFD800  }
0x6f: {  	[tilespmem:s30], [sflag:$0x2] =	stream.indirect.gather [hbm4b:s1+s28], $0x80, s12, s28, $0xb8;
	[tilespmem:$0x1F000] =	vst v63  }
0x70: {  	_ =	swait.ge [sflag:s31], $0x2800  }
0x71: {  	[sflag:s31] =	ssyncset.done $0x0  }
0x72: {  	s13 =	simm.s32 $0x8100;
	[sflag:s31] =	ssyncadd.s32 $0xFFFFD800  }
0x73: {  	[spmem:s2] =	stream.indirect.scatter.add.f32 [tilespmem:s24], [sflag:$0x3], $0x80, s13, s28, $0xb8;
	[tilespmem:$0x1F000] =	vst v63  }
0x74: {  	_ =	swait.ge [sflag:s0], $0x2800  }
0x75: {  	[sflag:s0] =	ssyncset.done $0x0  }
0x76: {  	s14 =	simm.s32 $0x200;
	[sflag:s0] =	ssyncadd.s32 $0xFFFFD800  }
0x77: {  	[tilespmem:s24], [sflag:$0x1] =	stream.indirect.gather [hbm4b:s1+s28], $0x80, s14, s28, $0xb8;
	[tilespmem:$0x1F000] =	vst v63  }
0x78: {  	_ =	swait.ge [sflag:s29], $0x2800  }
0x79: {  	[sflag:s29] =	ssyncset.done $0x0  }
0x7a: {  	s7 =	simm.s32 $0xFFFE1800;
	s12 =	simm.s32 $0x8180;
	[sflag:s29] =	ssyncadd.s32 $0xFFFFD800  }
.LBB2_6:
0x7b: {  	[spmem:s2] =	stream.indirect.scatter.add.f32 [tilespmem:s30], [sflag:$0x4], $0x80, s12, s28, $0xb8;
	[tilespmem:$0x1F000] =	vst v63  }
0x7c: {  	s12 =	smov.u32 s7  }
0x7d: {  	p1 =	sne.s32 s7, $0xFFFFFC00;
	s7 =	sadd.s32 $0x400, s7;
	_ =	swait.ge [sflag:s3], $0x2800  }
0x7e: {  	s12 =	sshra.s32 s12, $0x2;
	[sflag:s3] =	ssyncset.done $0x0  }
0x7f: {  	s13 =	sadd.s32 $0x7C80, s12;
	[sflag:s3] =	ssyncadd.s32 $0xFFFFD800  }
0x80: {  	[tilespmem:s30], [sflag:$0x2] =	stream.indirect.gather [hbm4b:s1+s28], $0x80, s13, s28, $0xb8;
	[tilespmem:$0x1F000] =	vst v63  }
0x81: {  	_ =	swait.ge [sflag:s31], $0x2800  }
0x82: {  	[sflag:s31] =	ssyncset.done $0x0  }
0x83: {  	s13 =	sadd.s32 $0xFC00, s12;
	[sflag:s31] =	ssyncadd.s32 $0xFFFFD800  }
0x84: {  	[spmem:s2] =	stream.indirect.scatter.add.f32 [tilespmem:s24], [sflag:$0x3], $0x80, s13, s28, $0xb8;
	[tilespmem:$0x1F000] =	vst v63  }
0x85: {  	_ =	swait.ge [sflag:s0], $0x2800  }
0x86: {  	[sflag:s0] =	ssyncset.done $0x0  }
.Ltmp2:
0x87: {  	s13 =	sadd.s32 $0x7D00, s12;
	[sflag:s0] =	ssyncadd.s32 $0xFFFFD800;
	(pc) =	sbr.rel @p1 .LBB2_6-.Ltmp2, $4  }
0x88: {  	[tilespmem:s24], [sflag:$0x1] =	stream.indirect.gather [hbm4b:s1+s28], $0x80, s13, s28, $0xb8;
	[tilespmem:$0x1F000] =	vst v63  }
0x89: {  	_ =	swait.ge [sflag:s29], $0x2800  }
0x8a: {  	[sflag:s29] =	ssyncset.done $0x0  }
0x8b: {  	s12 =	sadd.s32 $0xFC80, s12;
	[sflag:s29] =	ssyncadd.s32 $0xFFFFD800  }
0x8c: {  	[spmem:s2] =	stream.indirect.scatter.add.f32 [tilespmem:s30], [sflag:$0x4], $0x80, s12, s28, $0xb8;
	[tilespmem:$0x1F000] =	vst v63  }
0x8d: {  	_ =	swait.ge [sflag:s3], $0x2800  }
0x8e: {  	[sflag:s3] =	ssyncset.done $0x0  }
0x8f: {  	s7 =	simm.s32 $0x7C80;
	[sflag:s3] =	ssyncadd.s32 $0xFFFFD800  }
0x90: {  	[tilespmem:s30], [sflag:$0x2] =	stream.indirect.gather [hbm4b:s1+s28], $0x80, s7, s28, $0xb8;
	[tilespmem:$0x1F000] =	vst v63  }
0x91: {  	_ =	swait.ge [sflag:s31], $0x2800  }
0x92: {  	[sflag:s31] =	ssyncset.done $0x0  }
0x93: {  	s14 =	simm.s32 $0xFC00;
	[sflag:s31] =	ssyncadd.s32 $0xFFFFD800  }
0x94: {  	[spmem:s2] =	stream.indirect.scatter.add.f32 [tilespmem:s24], [sflag:$0x3], $0x80, s14, s28, $0xb8;
	[tilespmem:$0x1F000] =	vst v63  }
0x95: {  	_ =	swait.ge [sflag:s0], $0x2800  }
0x96: {  	[sflag:s0] =	ssyncset.done $0x0  }
0x97: {  	[sflag:s0] =	ssyncadd.s32 $0xFFFFD800  }
0x98: {  	_ =	swait.ge [sflag:s29], $0x2800  }
0x99: {  	[sflag:s29] =	ssyncset.done $0x0  }
0x9a: {  	s12 =	simm.s32 $0xFC80;
	[sflag:s29] =	ssyncadd.s32 $0xFFFFD800  }
0x9b: {  	[spmem:s2] =	stream.indirect.scatter.add.f32 [tilespmem:s30], [sflag:$0x4], $0x80, s12, s28, $0xb8;
	[tilespmem:$0x1F000] =	vst v63  }
0x9c: {  	_ =	swait.ge [sflag:s3], $0x2800  }
0x9d: {  	[sflag:s3] =	ssyncset.done $0x0  }
0x9e: {  	[sflag:s3] =	ssyncadd.s32 $0xFFFFD800  }
0x9f: {  	[bflag:$0x0] =	sbarrier.arrive $0xFFFF  }
0xa0: {  	[tilespmem:s24], [sflag:$0x6] =	stream.linear.gather [spmem:s8], $0x1400, $0x38;
	[tilespmem:$0x1F000] =	vst v63  }
0xa1: {  	_ =	swait.ge [sflag:s5], $0x1400  }
0xa2: {  	[sflag:s5] =	ssyncset.done $0x0  }
0xa3: {  	s13 =	rddreg [dreg:$0x7];
	[sflag:s5] =	ssyncadd.s32 $0xFFFFEC00  }
0xa4: {  	[hbm4b:s13+s4] =	stream.linear.scatter [tilespmem:s24], [sflag:$0x5], $0x1400, $0x38;
	[tilespmem:$0x1F000] =	vst v63  }
0xa5: {  	_ =	swait.ge [sflag:s25], $0x1400  }
0xa6: {  	[sflag:s25] =	ssyncset.done $0x0  }
0xa7: {  	s14 =	rddreg [dreg:$0x8];
	[sflag:s25] =	ssyncadd.s32 $0xFFFFEC00  }
0xa8: {  	[tilespmem:s24], [sflag:$0x6] =	stream.linear.gather [spmem:s14], $0x1400, $0x38;
	[tilespmem:$0x1F000] =	vst v63  }
0xa9: {  	_ =	swait.ge [sflag:s5], $0x1400  }
0xaa: {  	[sflag:s5] =	ssyncset.done $0x0  }
0xab: {  	s12 =	rddreg [dreg:$0x9];
	[sflag:s5] =	ssyncadd.s32 $0xFFFFEC00  }
0xac: {  	[hbm4b:s12+s4] =	stream.linear.scatter [tilespmem:s24], [sflag:$0x5], $0x1400, $0x38;
	[tilespmem:$0x1F000] =	vst v63  }
0xad: {  	_ =	swait.ge [sflag:s25], $0x1400  }
0xae: {  	[sflag:s25] =	ssyncset.done $0x0  }
0xaf: {  	[sflag:s25] =	ssyncadd.s32 $0xFFFFEC00  }
0xb0: {  	[tilespmem:s24], [sflag:$0x6] =	stream.linear.gather [spmem:s9], $0x1400, $0x38;
	[tilespmem:$0x1F000] =	vst v63  }
0xb1: {  	_ =	swait.ge [sflag:s5], $0x1400  }
0xb2: {  	[sflag:s5] =	ssyncset.done $0x0  }
0xb3: {  	[sflag:s5] =	ssyncadd.s32 $0xFFFFEC00  }
0xb4: {  	[hbm4b:s15+s4] =	stream.linear.scatter [tilespmem:s24], [sflag:$0x5], $0x1400, $0x38;
	[tilespmem:$0x1F000] =	vst v63  }
0xb5: {  	_ =	swait.ge [sflag:s25], $0x1400  }
0xb6: {  	[sflag:s25] =	ssyncset.done $0x0  }
0xb7: {  	[sflag:s25] =	ssyncadd.s32 $0xFFFFEC00  }
0xb8: {  	[tilespmem:s24], [sflag:$0x6] =	stream.linear.gather [spmem:s16], $0x1400, $0x38;
	[tilespmem:$0x1F000] =	vst v63  }
0xb9: {  	_ =	swait.ge [sflag:s5], $0x1400  }
0xba: {  	[sflag:s5] =	ssyncset.done $0x0  }
0xbb: {  	[sflag:s5] =	ssyncadd.s32 $0xFFFFEC00  }
0xbc: {  	[hbm4b:s17+s4] =	stream.linear.scatter [tilespmem:s24], [sflag:$0x5], $0x1400, $0x38;
	[tilespmem:$0x1F000] =	vst v63  }
0xbd: {  	_ =	swait.ge [sflag:s25], $0x1400  }
0xbe: {  	[sflag:s25] =	ssyncset.done $0x0  }
0xbf: {  	[sflag:s25] =	ssyncadd.s32 $0xFFFFEC00  }
0xc0: {  	[tilespmem:s24], [sflag:$0x6] =	stream.linear.gather [spmem:s10], $0x1400, $0x38;
	[tilespmem:$0x1F000] =	vst v63  }
0xc1: {  	_ =	swait.ge [sflag:s5], $0x1400  }
0xc2: {  	[sflag:s5] =	ssyncset.done $0x0  }
0xc3: {  	[sflag:s5] =	ssyncadd.s32 $0xFFFFEC00  }
0xc4: {  	[hbm4b:s18+s4] =	stream.linear.scatter [tilespmem:s24], [sflag:$0x5], $0x1400, $0x38;
	[tilespmem:$0x1F000] =	vst v63  }
0xc5: {  	_ =	swait.ge [sflag:s25], $0x1400  }
0xc6: {  	[sflag:s25] =	ssyncset.done $0x0  }
0xc7: {  	s7 =	simm.s32 @!p0 $0x10000;
	s12 =	simm.s32 @!p0 $0x6;
	[sflag:s25] =	ssyncadd.s32 $0xFFFFEC00  }
0xc8: {  	[tilespmem:s7], [sflag:$0x6] =	stream.linear.gather @!p0 [spmem:s19], $0x1400, $0x38;
	[tilespmem:$0x1F000] =	vst v63  }
0xc9: {  	_ =	swait.ge @!p0 [sflag:s12], $0x1400  }
0xca: {  	[sflag:s12] =	ssyncset.done @!p0 $0x0  }
0xcb: {  	s13 =	simm.s32 @!p0 $0x0;
	s14 =	simm.s32 @!p0 $0x5;
	[sflag:s12] =	ssyncadd.s32 @!p0 $0xFFFFEC00  }
0xcc: {  	[hbm4b:s20+s13] =	stream.linear.scatter @!p0 [tilespmem:s7], [sflag:$0x5], $0x1400, $0x38;
	[tilespmem:$0x1F000] =	vst v63  }
0xcd: {  	_ =	swait.ge @!p0 [sflag:s14], $0x1400  }
0xce: {  	[sflag:s14] =	ssyncset.done @!p0 $0x0  }
0xcf: {  	[sflag:s14] =	ssyncadd.s32 @!p0 $0xFFFFEC00  }
0xd0: {  	[tilespmem:s7], [sflag:$0x6] =	stream.linear.gather @!p0 [spmem:s11], $0x1400, $0x38;
	[tilespmem:$0x1F000] =	vst v63  }
0xd1: {  	_ =	swait.ge @!p0 [sflag:s12], $0x1400  }
0xd2: {  	[sflag:s12] =	ssyncset.done @!p0 $0x0  }
0xd3: {  	[sflag:s12] =	ssyncadd.s32 @!p0 $0xFFFFEC00  }
0xd4: {  	[hbm4b:s21+s13] =	stream.linear.scatter @!p0 [tilespmem:s7], [sflag:$0x5], $0x1400, $0x38;
	[tilespmem:$0x1F000] =	vst v63  }
0xd5: {  	_ =	swait.ge @!p0 [sflag:s14], $0x1400  }
0xd6: {  	[sflag:s14] =	ssyncset.done @!p0 $0x0  }
0xd7: {  	[sflag:s14] =	ssyncadd.s32 @!p0 $0xFFFFEC00  }
0xd8: {  	[tilespmem:s7], [sflag:$0x6] =	stream.linear.gather @!p0 [spmem:s22], $0x1400, $0x38;
	[tilespmem:$0x1F000] =	vst v63  }
0xd9: {  	_ =	swait.ge @!p0 [sflag:s12], $0x1400  }
0xda: {  	[sflag:s12] =	ssyncset.done @!p0 $0x0  }
0xdb: {  	[sflag:s12] =	ssyncadd.s32 @!p0 $0xFFFFEC00  }
0xdc: {  	[hbm4b:s23+s13] =	stream.linear.scatter @!p0 [tilespmem:s7], [sflag:$0x5], $0x1400, $0x38;
	[tilespmem:$0x1F000] =	vst v63  }
0xdd: {  	_ =	swait.ge @!p0 [sflag:s14], $0x1400  }
0xde: {  	s6 =	sadd.s32 $0x1, s6;
	s13 =	rddreg [dreg:$0x6]  }
0xdf: {  	p1 =	sne.s32 s6, s13  }
.Ltmp3:
0xe0: {  	_ = 	snop;
	(pc) =	sbr.rel @p1 .LBB2_1-.Ltmp3, $3  }
0xe1: {  	_ =	sdelay $0x1  }
0xe2: {  	[sflag:s14] =	ssyncset.done @!p0 $0x0  }
0xe3: {  	[sflag:s14] =	ssyncadd.s32 @!p0 $0xFFFFEC00  }
0xe4: {  	_ =	sfence.sel $0x180000  }
0xe5: {  	[bflag:$0x0] =	sbarrier.arrive $0xFFFF  }
0xe6: {  	_ =	strace $0x90000050  }
0xe7: {  	s0 =	stileid.u32;
	[bflag:$0x2] =	sbarrier.arrive $0xFFFF  }
0xe8: {  	p0 =	sne.s32 s0, $0x0;
	s0 =	rddreg [dreg:$0x3]  }
0xe9: {  	s0 =	sadd.s32 @!p0 $0x100000, s0  }
0xea: {  	[sflag:s0] =	ssyncadd.tile.s32 @!p0 $0x1;
	_ =	shalt  }
.Lfunc_end2:
_tile_overlayer_lowered:
.L_overlay_start_2:
0xeb: {  	(tag) =	ssettag $0x2  }
0xec: {  	s0 =	rddreg [dreg:$0x0];
	s2 =	stileid.u32  }
0xed: {  	s1 =	rddreg [dreg:$0x1];
	p0 =	sne.s32 s2, $0x0  }
0xee: {  	s3 =	rddreg [dreg:$0x2];
	[bflag:$0x3] =	sbarrier.arrive $0xFFFF;
	s2 =	simm.s32 @!p0 $0x1C05  }
0xef: {  	[timem:s3], [sflag:s2] =	dma.local @!p0 [hbm:s0], s1  }
0xf0: {  	s0 =	simm.s32 @!p0 $0x5  }
0xf1: {  	_ =	swait.ge @!p0 [sflag:s0], s1  }
0xf2: {  	s1 =	ssub.s32 @!p0 $0x0, s1;
	[sflag:s0] =	ssyncset.done @!p0 $0x0  }
0xf3: {  	[sflag:s0] =	ssyncadd.s32 @!p0 s1  }
0xf4: {  	[bflag:$0x3] =	sbarrier.arrive $0xFFFF  }
0xf5: {  	_ =	shalt  }

</sc_bundles>
